<compile_context>
chip_gen: v7x
topology: tpu7x:2x2x1
jax: 0.10.2.dev20260603
libtpu: 0.0.44.dev20260713+nightly
codegen_flags: <defaults>
</compile_context>

<pallas_src>
import functools

import jax
import jax.numpy as jnp
from jax import lax
from jax.experimental import pallas as pl
from jax.experimental.pallas import tpu as pltpu
from jax.experimental.pallas import tpu_sc as plsc

N = 10000
E = 320000
D = 128

NC = 2
NS = 16
NW = NC * NS
EPT = E // NW
CH = 40
NCHUNK = EPT // CH
RING = 7
LOOK = RING - 2
HALVES = 1
HCH = CH // HALVES
R8 = 624
TAIL = N - NS * R8
TAIL_OFF = NS * R8


def _sc_aggregate(h, src1, dst1):
    mesh = plsc.VectorSubcoreMesh(core_axis_name="c", subcore_axis_name="s")

    @functools.partial(
        pl.kernel,
        mesh=mesh,
        out_type=jax.ShapeDtypeStruct((NC, N, D), jnp.float32),
        scratch_types=[
            pltpu.VMEM((EPT,), jnp.int32),
            pltpu.VMEM((RING, CH), jnp.int32),
            pltpu.VMEM((RING, CH, D), jnp.float32),
            pltpu.VMEM_SHARED((N, D), jnp.float32),
            pltpu.SemaphoreType.DMA((HALVES * RING,)),
            pltpu.SemaphoreType.DMA((RING,)),
            pltpu.SemaphoreType.DMA((RING,)),
        ],
    )
    def agg_kernel(h_hbm, src_hbm, dst_hbm, out_hbm,
                   src_v, dst_v, rows_v, acc_sh, gsem, dsem, ssem):
        cid = lax.axis_index("c")
        sid = lax.axis_index("s")
        wid = sid * NC + cid
        r0 = pl.multiple_of(sid * R8, 8)
        last = sid == NS - 1

        @pl.when(cid == 0)
        def _():
            pltpu.sync_copy(h_hbm.at[pl.ds(r0, R8)], acc_sh.at[pl.ds(r0, R8)])

        @pl.when((cid == 0) & last)
        def _():
            pltpu.sync_copy(h_hbm.at[pl.ds(TAIL_OFF, TAIL)],
                            acc_sh.at[pl.ds(TAIL_OFF, TAIL)])

        @pl.when(cid == 1)
        def _():
            def zrow(r, carry):
                for m in range(D // 16):
                    rows_v[0, r, pl.ds(m * 16, 16)] = jnp.zeros(
                        (16,), jnp.float32)
                return carry

            lax.fori_loop(0, CH, zrow, 0, unroll=False)
            for k in range(R8 // CH):
                pltpu.sync_copy(rows_v.at[0],
                                acc_sh.at[pl.ds(r0 + k * CH, CH)])
            if R8 % CH:
                pltpu.sync_copy(rows_v.at[0, pl.ds(0, R8 % CH)],
                                acc_sh.at[pl.ds(r0 + (R8 // CH) * CH,
                                                R8 % CH)])

        @pl.when((cid == 1) & last)
        def _():
            pltpu.sync_copy(rows_v.at[0, pl.ds(0, TAIL)],
                            acc_sh.at[pl.ds(TAIL_OFF, TAIL)])

        pltpu.sync_copy(src_hbm.at[pl.ds(wid * EPT, EPT)], src_v)
        plsc.subcore_barrier()

        def issue_chunk(cc):
            bn = lax.rem(cc, RING)
            pltpu.async_copy(dst_hbm.at[pl.ds(wid * EPT + cc * CH, CH)],
                             dst_v.at[bn], dsem.at[bn])
            for hh in range(HALVES):
                pltpu.async_copy(
                    h_hbm.at[src_v.at[pl.ds(cc * CH + hh * HCH, HCH)]],
                    rows_v.at[bn, pl.ds(hh * HCH, HCH)],
                    gsem.at[HALVES * bn + hh])

        def wait_chunk(cc):
            bn = lax.rem(cc, RING)
            pltpu.make_async_copy(dst_hbm.at[pl.ds(wid * EPT + cc * CH, CH)],
                                  dst_v.at[bn], dsem.at[bn]).wait()
            for hh in range(HALVES):
                pltpu.make_async_copy(
                    h_hbm.at[src_v.at[pl.ds(cc * CH + hh * HCH, HCH)]],
                    rows_v.at[bn, pl.ds(hh * HCH, HCH)],
                    gsem.at[HALVES * bn + hh]).wait()

        def drain_scatter(cc):
            bp = lax.rem(cc, RING)
            pltpu.make_async_copy(rows_v.at[bp], acc_sh.at[dst_v.at[bp]],
                                  ssem.at[bp]).wait()

        for c0 in range(LOOK):
            issue_chunk(c0)

        def body(c, carry):
            bn = lax.rem(c, RING)

            @pl.when(c >= RING - LOOK)
            def _():
                drain_scatter(c - (RING - LOOK))

            @pl.when(c + LOOK < NCHUNK)
            def _():
                issue_chunk(c + LOOK)

            wait_chunk(c)
            pltpu.async_copy(rows_v.at[bn], acc_sh.at[dst_v.at[bn]],
                             ssem.at[bn], add=True)
            return carry

        lax.fori_loop(0, NCHUNK, body, 0, unroll=False)
        for cc in range(NCHUNK - (RING - LOOK), NCHUNK):
            bp = cc % RING
            pltpu.make_async_copy(rows_v.at[bp], acc_sh.at[dst_v.at[bp]],
                                  ssem.at[bp]).wait()

        plsc.subcore_barrier()
        pltpu.sync_copy(acc_sh.at[pl.ds(r0, R8)],
                        out_hbm.at[cid, pl.ds(r0, R8)])

        @pl.when(last)
        def _():
            pltpu.sync_copy(acc_sh.at[pl.ds(TAIL_OFF, TAIL)],
                            out_hbm.at[cid, pl.ds(TAIL_OFF, TAIL)])

    return agg_kernel(h, src1, dst1)


BLK = 2000


def _mlp_body(p_ref, w1_ref, b1_ref, w2_ref, b2_ref, o_ref):
    z = p_ref[0] + p_ref[1]
    z = jnp.dot(z, w1_ref[...], preferred_element_type=jnp.float32) + b1_ref[...]
    z = jnp.maximum(z, 0.0)
    z = jnp.dot(z, w2_ref[...], preferred_element_type=jnp.float32) + b2_ref[...]
    o_ref[...] = z


def _mlp(p, W1, b1, W2, b2):
    return pl.pallas_call(
        _mlp_body,
        grid=(N // BLK,),
        in_specs=[
            pl.BlockSpec((NC, BLK, D), lambda i: (0, i, 0)),
            pl.BlockSpec((D, D), lambda i: (0, 0)),
            pl.BlockSpec((1, D), lambda i: (0, 0)),
            pl.BlockSpec((D, D), lambda i: (0, 0)),
            pl.BlockSpec((1, D), lambda i: (0, 0)),
        ],
        out_specs=pl.BlockSpec((BLK, D), lambda i: (i, 0)),
        out_shape=jax.ShapeDtypeStruct((N, D), jnp.float32),
    )(p, W1, b1, W2, b2)


def kernel(x, edge_index, W1_0, b1_0, W2_0, b2_0, W1_1, b1_1, W2_1, b2_1):
    src1 = edge_index[0]
    dst1 = edge_index[1]
    b1_0r = b1_0.reshape(1, D)
    b2_0r = b2_0.reshape(1, D)
    b1_1r = b1_1.reshape(1, D)
    b2_1r = b2_1.reshape(1, D)

    p = _sc_aggregate(x, src1, dst1)
    h = _mlp(p, W1_0, b1_0r, W2_0, b2_0r)
    p = _sc_aggregate(h, src1, dst1)
    return _mlp(p, W1_1, b1_1r, W2_1, b2_1r)

# --- scband reference (transcript-rebuilt; emitter-appended) ---
"""Pipeline reference for scband-ginencoder-66537633349727 (READ-ONLY COPY).

The authoritative reference and input builder live on the scoring server;
editing this copy changes nothing except your own understanding.
"""

import jax, jax.numpy as jnp
import numpy as np

N = 10000
E = 320000
D_IN = 128
D_HID = 128

def setup_inputs(seed: int = 0) -> dict:
    key = jax.random.key(seed)
    ks = jax.random.split(key, 12)
    x = jax.random.normal(ks[0], (N, D_IN), dtype=jnp.float32)
    edge_index = jax.random.randint(ks[1], (2, E), 0, N, dtype=jnp.int64 if jax.config.jax_enable_x64 else jnp.int32).astype(jnp.int32)
    s1 = 1.0 / np.sqrt(D_IN)
    s2 = 1.0 / np.sqrt(D_HID)
    W1_0 = jax.random.uniform(ks[2], (D_IN, D_HID), minval=-s1, maxval=s1, dtype=jnp.float32)
    b1_0 = jax.random.uniform(ks[3], (D_HID,), minval=-s1, maxval=s1, dtype=jnp.float32)
    W2_0 = jax.random.uniform(ks[4], (D_HID, D_HID), minval=-s2, maxval=s2, dtype=jnp.float32)
    b2_0 = jax.random.uniform(ks[5], (D_HID,), minval=-s2, maxval=s2, dtype=jnp.float32)
    W1_1 = jax.random.uniform(ks[6], (D_HID, D_HID), minval=-s2, maxval=s2, dtype=jnp.float32)
    b1_1 = jax.random.uniform(ks[7], (D_HID,), minval=-s2, maxval=s2, dtype=jnp.float32)
    W2_1 = jax.random.uniform(ks[8], (D_HID, D_HID), minval=-s2, maxval=s2, dtype=jnp.float32)
    b2_1 = jax.random.uniform(ks[9], (D_HID,), minval=-s2, maxval=s2, dtype=jnp.float32)
    return {"x": x, "edge_index": edge_index,
            "W1_0": W1_0, "b1_0": b1_0, "W2_0": W2_0, "b2_0": b2_0,
            "W1_1": W1_1, "b1_1": b1_1, "W2_1": W2_1, "b2_1": b2_1}

def _gin_layer(h, src, dst, W1, b1, W2, b2, eps=0.0):
    # message passing: gather source node features, scatter-add at destination
    msgs = jnp.take(h, src, axis=0)
    agg = jax.ops.segment_sum(msgs, dst, num_segments=N)
    z = (1.0 + eps) * h + agg
    z = jnp.dot(z, W1) + b1
    z = jax.nn.relu(z)
    z = jnp.dot(z, W2) + b2
    return z

def reference(x, edge_index, W1_0, b1_0, W2_0, b2_0, W1_1, b1_1, W2_1, b2_1):
    src = edge_index[0]
    dst = edge_index[1]
    h = _gin_layer(x, src, dst, W1_0, b1_0, W2_0, b2_0)
    h = _gin_layer(h, src, dst, W1_1, b1_1, W2_1, b2_1)
    return h

if __name__ == "__main__":
    import jax
    _d = setup_inputs()
    print(jax.jit(kernel)(*tuple(_d.values())))

</pallas_src>

<mosaic_0001>
#map = affine_map<(d0, d1) -> (0, 0)>
#map1 = affine_map<(d0, d1) -> (0)>
#map2 = affine_map<(d0, d1) -> (0, 0, 0)>
module attributes {stable_mosaic.version = 14 : i64} {
  func.func @agg_kernel(%arg0: i32, %arg1: i32, %arg2: memref<10000x128xf32, #tpu.memory_space<hbm>>, %arg3: memref<320000xi32, #tpu.memory_space<hbm>>, %arg4: memref<320000xi32, #tpu.memory_space<hbm>>, %arg5: memref<2x10000x128xf32, #tpu.memory_space<hbm>>, %arg6: memref<10000xi32, #tpu.memory_space<vmem>>, %arg7: memref<7x40xi32, #tpu.memory_space<vmem>>, %arg8: memref<7x40x128xf32, #tpu.memory_space<vmem>>, %arg9: memref<10000x128xf32, #tpu.memory_space<vmem_shared>>, %arg10: memref<7x!tpu.dma_semaphore, #tpu.memory_space<semaphore_mem>>, %arg11: memref<7x!tpu.dma_semaphore, #tpu.memory_space<semaphore_mem>>, %arg12: memref<7x!tpu.dma_semaphore, #tpu.memory_space<semaphore_mem>>) attributes {dimension_semantics = [#tpu.dimension_semantics<core_parallel>, #tpu.dimension_semantics<subcore_parallel>], iteration_bounds = array<i64: 2, 16>, scalar_prefetch = 0 : i64, scratch_operands = 7 : i64, tpu.core_type = #tpu.core_type<sc_vector_subcore>, window_params = [{transform_indices = #map}, {transform_indices = #map1}, {transform_indices = #map1}, {transform_indices = #map2}]} {
    %mul3A = arith.constant 2 : i32
    %mul3A_0 = arith.muli %arg1, %mul3A : i32
    %add3A = arith.addi %mul3A_0, %arg0 : i32
    %mul3A_1 = arith.constant 624 : i32
    %mul3A_2 = arith.muli %arg1, %mul3A_1 : i32
    %multiple_of3A = tpu.assume_multiple %mul3A_2, 8 : i32
    %eq3A = arith.constant 15 : i32
    %eq3A_3 = arith.cmpi eq, %arg1, %eq3A : i32
    %eq3A_4 = arith.constant 0 : i32
    %eq3A_5 = arith.cmpi eq, %arg0, %eq3A_4 : i32
    %convert_element_type3A = arith.extui %eq3A_5 : i1 to i32
    %cond3A = arith.constant 0 : i32
    %cond3A_6 = arith.cmpi ne, %convert_element_type3A, %cond3A : i32
    scf.if %cond3A_6 {
      "tpu.region"() ({
        %run_scoped3A = tpu.sem_alloc : memref<!tpu.dma_semaphore, #tpu.memory_space<semaphore_mem>>
        %dma_start3A_221 = arith.constant 0 : i32
        %dma_start3A_222 = tpu.memref_slice %arg9[%multiple_of3A, %dma_start3A_221] : memref<10000x128xf32, #tpu.memory_space<vmem_shared>> -> memref<624x128xf32, #tpu.memory_space<vmem_shared>>
        %dma_start3A_223 = arith.constant 0 : i32
        %dma_start3A_224 = tpu.memref_slice %arg2[%multiple_of3A, %dma_start3A_223] : memref<10000x128xf32, #tpu.memory_space<hbm>> -> memref<624x128xf32, #tpu.memory_space<hbm>>
        tpu.enqueue_dma source(%dma_start3A_224 : memref<624x128xf32, #tpu.memory_space<hbm>>) target(%dma_start3A_222 : memref<624x128xf32, #tpu.memory_space<vmem_shared>>) target_semaphore(%run_scoped3A : memref<!tpu.dma_semaphore, #tpu.memory_space<semaphore_mem>>)
        %dma_wait3A_225 = arith.constant 0 : i32
        %dma_wait3A_226 = tpu.memref_slice %arg9[%multiple_of3A, %dma_wait3A_225] : memref<10000x128xf32, #tpu.memory_space<vmem_shared>> -> memref<624x128xf32, #tpu.memory_space<vmem_shared>>
        %dma_wait3A_227 = arith.constant 0 : i32
        %dma_wait3A_228 = tpu.memref_slice %arg2[%multiple_of3A, %dma_wait3A_227] : memref<10000x128xf32, #tpu.memory_space<hbm>> -> memref<624x128xf32, #tpu.memory_space<hbm>>
        tpu.wait_dma2 semaphore(%run_scoped3A : memref<!tpu.dma_semaphore, #tpu.memory_space<semaphore_mem>>) src(%dma_wait3A_228 : memref<624x128xf32, #tpu.memory_space<hbm>>) dst(%dma_wait3A_226 : memref<624x128xf32, #tpu.memory_space<vmem_shared>>)
        tpu.yield
      }) : () -> ()
    } else {
    }
    %eq3A_7 = arith.constant 0 : i32
    %eq3A_8 = arith.cmpi eq, %arg0, %eq3A_7 : i32
    %and3A = arith.andi %eq3A_8, %eq3A_3 : i1
    %convert_element_type3A_9 = arith.extui %and3A : i1 to i32
    %cond3A_10 = arith.constant 0 : i32
    %cond3A_11 = arith.cmpi ne, %convert_element_type3A_9, %cond3A_10 : i32
    scf.if %cond3A_11 {
      "tpu.region"() ({
        %run_scoped3A = tpu.sem_alloc : memref<!tpu.dma_semaphore, #tpu.memory_space<semaphore_mem>>
        %dma_start3A_221 = arith.constant 9984 : i32
        %dma_start3A_222 = arith.constant 0 : i32
        %dma_start3A_223 = tpu.memref_slice %arg9[%dma_start3A_221, %dma_start3A_222] : memref<10000x128xf32, #tpu.memory_space<vmem_shared>> -> memref<16x128xf32, #tpu.memory_space<vmem_shared>>
        %dma_start3A_224 = arith.constant 9984 : i32
        %dma_start3A_225 = arith.constant 0 : i32
        %dma_start3A_226 = tpu.memref_slice %arg2[%dma_start3A_224, %dma_start3A_225] : memref<10000x128xf32, #tpu.memory_space<hbm>> -> memref<16x128xf32, #tpu.memory_space<hbm>>
        tpu.enqueue_dma source(%dma_start3A_226 : memref<16x128xf32, #tpu.memory_space<hbm>>) target(%dma_start3A_223 : memref<16x128xf32, #tpu.memory_space<vmem_shared>>) target_semaphore(%run_scoped3A : memref<!tpu.dma_semaphore, #tpu.memory_space<semaphore_mem>>)
        %dma_wait3A_227 = arith.constant 9984 : i32
        %dma_wait3A_228 = arith.constant 0 : i32
        %dma_wait3A_229 = tpu.memref_slice %arg9[%dma_wait3A_227, %dma_wait3A_228] : memref<10000x128xf32, #tpu.memory_space<vmem_shared>> -> memref<16x128xf32, #tpu.memory_space<vmem_shared>>
        %dma_wait3A_230 = arith.constant 9984 : i32
        %dma_wait3A_231 = arith.constant 0 : i32
        %dma_wait3A_232 = tpu.memref_slice %arg2[%dma_wait3A_230, %dma_wait3A_231] : memref<10000x128xf32, #tpu.memory_space<hbm>> -> memref<16x128xf32, #tpu.memory_space<hbm>>
        tpu.wait_dma2 semaphore(%run_scoped3A : memref<!tpu.dma_semaphore, #tpu.memory_space<semaphore_mem>>) src(%dma_wait3A_232 : memref<16x128xf32, #tpu.memory_space<hbm>>) dst(%dma_wait3A_229 : memref<16x128xf32, #tpu.memory_space<vmem_shared>>)
        tpu.yield
      }) : () -> ()
    } else {
    }
    %eq3A_12 = arith.constant 1 : i32
    %eq3A_13 = arith.cmpi eq, %arg0, %eq3A_12 : i32
    %convert_element_type3A_14 = arith.extui %eq3A_13 : i1 to i32
    %cond3A_15 = arith.constant 0 : i32
    %cond3A_16 = arith.cmpi ne, %convert_element_type3A_14, %cond3A_15 : i32
    scf.if %cond3A_16 {
      %scan3A_221 = arith.constant 0 : i32
      %scan3A_222 = arith.constant 0 : i32
      %scan3A_223 = arith.constant 40 : i32
      %scan3A_224 = arith.addi %scan3A_222, %scan3A_223 : i32
      %scan3A_225 = arith.constant 1 : i32
      scf.for %scan3A_274 = %scan3A_222 to %scan3A_224 step %scan3A_225  : i32 {
        %broadcast_in_dim3A = arith.constant 0.000000e+00 : f32
        %broadcast_in_dim3A_275 = vector.broadcast %broadcast_in_dim3A : f32 to vector<16xf32>
        %swap3A = arith.constant 0 : i32
        %swap3A_276 = arith.index_cast %swap3A : i32 to index
        %swap3A_277 = arith.index_cast %scan3A_274 : i32 to index
        %swap3A_278 = arith.constant 0 : index
        %swap3A_279 = tpu.vector_load %arg8[%swap3A_276, %swap3A_277, %swap3A_278] {strides = array<i32>} : memref<7x40x128xf32, #tpu.memory_space<vmem>>, vector<1x1x16xf32>,
        %swap3A_280 = vector.shape_cast %swap3A_279 : vector<1x1x16xf32> to vector<16xf32>
        %swap3A_281 = vector.shape_cast %broadcast_in_dim3A_275 : vector<16xf32> to vector<1x1x16xf32>
        tpu.vector_store %arg8[%swap3A_276, %swap3A_277, %swap3A_278], %swap3A_281 {strides = array<i32>} : memref<7x40x128xf32, #tpu.memory_space<vmem>>, vector<1x1x16xf32>,
        %broadcast_in_dim3A_282 = arith.constant 0.000000e+00 : f32
        %broadcast_in_dim3A_283 = vector.broadcast %broadcast_in_dim3A_282 : f32 to vector<16xf32>
        %swap3A_284 = arith.constant 0 : i32
        %swap3A_285 = arith.index_cast %swap3A_284 : i32 to index
        %swap3A_286 = arith.index_cast %scan3A_274 : i32 to index
        %swap3A_287 = arith.constant 16 : index
        %swap3A_288 = tpu.vector_load %arg8[%swap3A_285, %swap3A_286, %swap3A_287] {strides = array<i32>} : memref<7x40x128xf32, #tpu.memory_space<vmem>>, vector<1x1x16xf32>,
        %swap3A_289 = vector.shape_cast %swap3A_288 : vector<1x1x16xf32> to vector<16xf32>
        %swap3A_290 = vector.shape_cast %broadcast_in_dim3A_283 : vector<16xf32> to vector<1x1x16xf32>
        tpu.vector_store %arg8[%swap3A_285, %swap3A_286, %swap3A_287], %swap3A_290 {strides = array<i32>} : memref<7x40x128xf32, #tpu.memory_space<vmem>>, vector<1x1x16xf32>,
        %broadcast_in_dim3A_291 = arith.constant 0.000000e+00 : f32
        %broadcast_in_dim3A_292 = vector.broadcast %broadcast_in_dim3A_291 : f32 to vector<16xf32>
        %swap3A_293 = arith.constant 0 : i32
        %swap3A_294 = arith.index_cast %swap3A_293 : i32 to index
        %swap3A_295 = arith.index_cast %scan3A_274 : i32 to index
        %swap3A_296 = arith.constant 32 : index
        %swap3A_297 = tpu.vector_load %arg8[%swap3A_294, %swap3A_295, %swap3A_296] {strides = array<i32>} : memref<7x40x128xf32, #tpu.memory_space<vmem>>, vector<1x1x16xf32>,
        %swap3A_298 = vector.shape_cast %swap3A_297 : vector<1x1x16xf32> to vector<16xf32>
        %swap3A_299 = vector.shape_cast %broadcast_in_dim3A_292 : vector<16xf32> to vector<1x1x16xf32>
        tpu.vector_store %arg8[%swap3A_294, %swap3A_295, %swap3A_296], %swap3A_299 {strides = array<i32>} : memref<7x40x128xf32, #tpu.memory_space<vmem>>, vector<1x1x16xf32>,
        %broadcast_in_dim3A_300 = arith.constant 0.000000e+00 : f32
        %broadcast_in_dim3A_301 = vector.broadcast %broadcast_in_dim3A_300 : f32 to vector<16xf32>
        %swap3A_302 = arith.constant 0 : i32
        %swap3A_303 = arith.index_cast %swap3A_302 : i32 to index
        %swap3A_304 = arith.index_cast %scan3A_274 : i32 to index
        %swap3A_305 = arith.constant 48 : index
        %swap3A_306 = tpu.vector_load %arg8[%swap3A_303, %swap3A_304, %swap3A_305] {strides = array<i32>} : memref<7x40x128xf32, #tpu.memory_space<vmem>>, vector<1x1x16xf32>,
        %swap3A_307 = vector.shape_cast %swap3A_306 : vector<1x1x16xf32> to vector<16xf32>
        %swap3A_308 = vector.shape_cast %broadcast_in_dim3A_301 : vector<16xf32> to vector<1x1x16xf32>
        tpu.vector_store %arg8[%swap3A_303, %swap3A_304, %swap3A_305], %swap3A_308 {strides = array<i32>} : memref<7x40x128xf32, #tpu.memory_space<vmem>>, vector<1x1x16xf32>,
        %broadcast_in_dim3A_309 = arith.constant 0.000000e+00 : f32
        %broadcast_in_dim3A_310 = vector.broadcast %broadcast_in_dim3A_309 : f32 to vector<16xf32>
        %swap3A_311 = arith.constant 0 : i32
        %swap3A_312 = arith.index_cast %swap3A_311 : i32 to index
        %swap3A_313 = arith.index_cast %scan3A_274 : i32 to index
        %swap3A_314 = arith.constant 64 : index
        %swap3A_315 = tpu.vector_load %arg8[%swap3A_312, %swap3A_313, %swap3A_314] {strides = array<i32>} : memref<7x40x128xf32, #tpu.memory_space<vmem>>, vector<1x1x16xf32>,
        %swap3A_316 = vector.shape_cast %swap3A_315 : vector<1x1x16xf32> to vector<16xf32>
        %swap3A_317 = vector.shape_cast %broadcast_in_dim3A_310 : vector<16xf32> to vector<1x1x16xf32>
        tpu.vector_store %arg8[%swap3A_312, %swap3A_313, %swap3A_314], %swap3A_317 {strides = array<i32>} : memref<7x40x128xf32, #tpu.memory_space<vmem>>, vector<1x1x16xf32>,
        %broadcast_in_dim3A_318 = arith.constant 0.000000e+00 : f32
        %broadcast_in_dim3A_319 = vector.broadcast %broadcast_in_dim3A_318 : f32 to vector<16xf32>
        %swap3A_320 = arith.constant 0 : i32
        %swap3A_321 = arith.index_cast %swap3A_320 : i32 to index
        %swap3A_322 = arith.index_cast %scan3A_274 : i32 to index
        %swap3A_323 = arith.constant 80 : index
        %swap3A_324 = tpu.vector_load %arg8[%swap3A_321, %swap3A_322, %swap3A_323] {strides = array<i32>} : memref<7x40x128xf32, #tpu.memory_space<vmem>>, vector<1x1x16xf32>,
        %swap3A_325 = vector.shape_cast %swap3A_324 : vector<1x1x16xf32> to vector<16xf32>
        %swap3A_326 = vector.shape_cast %broadcast_in_dim3A_319 : vector<16xf32> to vector<1x1x16xf32>
        tpu.vector_store %arg8[%swap3A_321, %swap3A_322, %swap3A_323], %swap3A_326 {strides = array<i32>} : memref<7x40x128xf32, #tpu.memory_space<vmem>>, vector<1x1x16xf32>,
        %broadcast_in_dim3A_327 = arith.constant 0.000000e+00 : f32
        %broadcast_in_dim3A_328 = vector.broadcast %broadcast_in_dim3A_327 : f32 to vector<16xf32>
        %swap3A_329 = arith.constant 0 : i32
        %swap3A_330 = arith.index_cast %swap3A_329 : i32 to index
        %swap3A_331 = arith.index_cast %scan3A_274 : i32 to index
        %swap3A_332 = arith.constant 96 : index
        %swap3A_333 = tpu.vector_load %arg8[%swap3A_330, %swap3A_331, %swap3A_332] {strides = array<i32>} : memref<7x40x128xf32, #tpu.memory_space<vmem>>, vector<1x1x16xf32>,
        %swap3A_334 = vector.shape_cast %swap3A_333 : vector<1x1x16xf32> to vector<16xf32>
        %swap3A_335 = vector.shape_cast %broadcast_in_dim3A_328 : vector<16xf32> to vector<1x1x16xf32>
        tpu.vector_store %arg8[%swap3A_330, %swap3A_331, %swap3A_332], %swap3A_335 {strides = array<i32>} : memref<7x40x128xf32, #tpu.memory_space<vmem>>, vector<1x1x16xf32>,
        %broadcast_in_dim3A_336 = arith.constant 0.000000e+00 : f32
        %broadcast_in_dim3A_337 = vector.broadcast %broadcast_in_dim3A_336 : f32 to vector<16xf32>
        %swap3A_338 = arith.constant 0 : i32
        %swap3A_339 = arith.index_cast %swap3A_338 : i32 to index
        %swap3A_340 = arith.index_cast %scan3A_274 : i32 to index
        %swap3A_341 = arith.constant 112 : index
        %swap3A_342 = tpu.vector_load %arg8[%swap3A_339, %swap3A_340, %swap3A_341] {strides = array<i32>} : memref<7x40x128xf32, #tpu.memory_space<vmem>>, vector<1x1x16xf32>,
        %swap3A_343 = vector.shape_cast %swap3A_342 : vector<1x1x16xf32> to vector<16xf32>
        %swap3A_344 = vector.shape_cast %broadcast_in_dim3A_337 : vector<16xf32> to vector<1x1x16xf32>
        tpu.vector_store %arg8[%swap3A_339, %swap3A_340, %swap3A_341], %swap3A_344 {strides = array<i32>} : memref<7x40x128xf32, #tpu.memory_space<vmem>>, vector<1x1x16xf32>,
      }
      %scan3A_226 = arith.constant 40 : i32
      %add3A_227 = arith.constant 0 : i32
      %add3A_228 = arith.addi %multiple_of3A, %add3A_227 : i32
      %run_scoped3A = arith.constant 0 : i32
      "tpu.region"() ({
        %run_scoped3A_274 = tpu.sem_alloc : memref<!tpu.dma_semaphore, #tpu.memory_space<semaphore_mem>>
        %dma_start3A_275 = arith.constant 0 : i32
        %dma_start3A_276 = arith.constant 0 : i32
        %dma_start3A_277 = tpu.memref_slice %arg8[%run_scoped3A, %dma_start3A_275, %dma_start3A_276] : memref<7x40x128xf32, #tpu.memory_space<vmem>> -> memref<1x40x128xf32, #tpu.memory_space<vmem>>
        %dma_start3A_278 = tpu.memref_squeeze %dma_start3A_277 : memref<1x40x128xf32, #tpu.memory_space<vmem>> -> memref<40x128xf32, #tpu.memory_space<vmem>>
        %dma_start3A_279 = arith.constant 0 : i32
        %dma_start3A_280 = tpu.memref_slice %arg9[%add3A_228, %dma_start3A_279] : memref<10000x128xf32, #tpu.memory_space<vmem_shared>> -> memref<40x128xf32, #tpu.memory_space<vmem_shared>>
        %dma_start3A_281 = arith.constant 0 : i32
        %dma_start3A_282 = tpu.memref_slice %arg9[%add3A_228, %dma_start3A_281] : memref<10000x128xf32, #tpu.memory_space<vmem_shared>> -> memref<40x128xf32, #tpu.memory_space<vmem_shared>>
        %dma_start3A_283 = arith.constant 0 : i32
        %dma_start3A_284 = arith.constant 0 : i32
        %dma_start3A_285 = tpu.memref_slice %arg8[%run_scoped3A, %dma_start3A_283, %dma_start3A_284] : memref<7x40x128xf32, #tpu.memory_space<vmem>> -> memref<1x40x128xf32, #tpu.memory_space<vmem>>
        %dma_start3A_286 = tpu.memref_squeeze %dma_start3A_285 : memref<1x40x128xf32, #tpu.memory_space<vmem>> -> memref<40x128xf32, #tpu.memory_space<vmem>>
        tpu.enqueue_dma source(%dma_start3A_286 : memref<40x128xf32, #tpu.memory_space<vmem>>) target(%dma_start3A_282 : memref<40x128xf32, #tpu.memory_space<vmem_shared>>) target_semaphore(%run_scoped3A_274 : memref<!tpu.dma_semaphore, #tpu.memory_space<semaphore_mem>>)
        %dma_wait3A_287 = arith.constant 0 : i32
        %dma_wait3A_288 = arith.constant 0 : i32
        %dma_wait3A_289 = tpu.memref_slice %arg8[%run_scoped3A, %dma_wait3A_287, %dma_wait3A_288] : memref<7x40x128xf32, #tpu.memory_space<vmem>> -> memref<1x40x128xf32, #tpu.memory_space<vmem>>
        %dma_wait3A_290 = tpu.memref_squeeze %dma_wait3A_289 : memref<1x40x128xf32, #tpu.memory_space<vmem>> -> memref<40x128xf32, #tpu.memory_space<vmem>>
        %dma_wait3A_291 = arith.constant 0 : i32
        %dma_wait3A_292 = tpu.memref_slice %arg9[%add3A_228, %dma_wait3A_291] : memref<10000x128xf32, #tpu.memory_space<vmem_shared>> -> memref<40x128xf32, #tpu.memory_space<vmem_shared>>
        %dma_wait3A_293 = arith.constant 0 : i32
        %dma_wait3A_294 = tpu.memref_slice %arg9[%add3A_228, %dma_wait3A_293] : memref<10000x128xf32, #tpu.memory_space<vmem_shared>> -> memref<40x128xf32, #tpu.memory_space<vmem_shared>>
        %dma_wait3A_295 = arith.constant 0 : i32
        %dma_wait3A_296 = arith.constant 0 : i32
        %dma_wait3A_297 = tpu.memref_slice %arg8[%run_scoped3A, %dma_wait3A_295, %dma_wait3A_296] : memref<7x40x128xf32, #tpu.memory_space<vmem>> -> memref<1x40x128xf32, #tpu.memory_space<vmem>>
        %dma_wait3A_298 = tpu.memref_squeeze %dma_wait3A_297 : memref<1x40x128xf32, #tpu.memory_space<vmem>> -> memref<40x128xf32, #tpu.memory_space<vmem>>
        tpu.wait_dma2 semaphore(%run_scoped3A_274 : memref<!tpu.dma_semaphore, #tpu.memory_space<semaphore_mem>>) src(%dma_wait3A_298 : memref<40x128xf32, #tpu.memory_space<vmem>>) dst(%dma_wait3A_294 : memref<40x128xf32, #tpu.memory_space<vmem_shared>>)
        tpu.yield
      }) : () -> ()
      %add3A_229 = arith.constant 40 : i32
      %add3A_230 = arith.addi %multiple_of3A, %add3A_229 : i32
      %run_scoped3A_231 = arith.constant 0 : i32
      "tpu.region"() ({
        %run_scoped3A_274 = tpu.sem_alloc : memref<!tpu.dma_semaphore, #tpu.memory_space<semaphore_mem>>
        %dma_start3A_275 = arith.constant 0 : i32
        %dma_start3A_276 = arith.constant 0 : i32
        %dma_start3A_277 = tpu.memref_slice %arg8[%run_scoped3A_231, %dma_start3A_275, %dma_start3A_276] : memref<7x40x128xf32, #tpu.memory_space<vmem>> -> memref<1x40x128xf32, #tpu.memory_space<vmem>>
        %dma_start3A_278 = tpu.memref_squeeze %dma_start3A_277 : memref<1x40x128xf32, #tpu.memory_space<vmem>> -> memref<40x128xf32, #tpu.memory_space<vmem>>
        %dma_start3A_279 = arith.constant 0 : i32
        %dma_start3A_280 = tpu.memref_slice %arg9[%add3A_230, %dma_start3A_279] : memref<10000x128xf32, #tpu.memory_space<vmem_shared>> -> memref<40x128xf32, #tpu.memory_space<vmem_shared>>
        %dma_start3A_281 = arith.constant 0 : i32
        %dma_start3A_282 = tpu.memref_slice %arg9[%add3A_230, %dma_start3A_281] : memref<10000x128xf32, #tpu.memory_space<vmem_shared>> -> memref<40x128xf32, #tpu.memory_space<vmem_shared>>
        %dma_start3A_283 = arith.constant 0 : i32
        %dma_start3A_284 = arith.constant 0 : i32
        %dma_start3A_285 = tpu.memref_slice %arg8[%run_scoped3A_231, %dma_start3A_283, %dma_start3A_284] : memref<7x40x128xf32, #tpu.memory_space<vmem>> -> memref<1x40x128xf32, #tpu.memory_space<vmem>>
        %dma_start3A_286 = tpu.memref_squeeze %dma_start3A_285 : memref<1x40x128xf32, #tpu.memory_space<vmem>> -> memref<40x128xf32, #tpu.memory_space<vmem>>
        tpu.enqueue_dma source(%dma_start3A_286 : memref<40x128xf32, #tpu.memory_space<vmem>>) target(%dma_start3A_282 : memref<40x128xf32, #tpu.memory_space<vmem_shared>>) target_semaphore(%run_scoped3A_274 : memref<!tpu.dma_semaphore, #tpu.memory_space<semaphore_mem>>)
        %dma_wait3A_287 = arith.constant 0 : i32
        %dma_wait3A_288 = arith.constant 0 : i32
        %dma_wait3A_289 = tpu.memref_slice %arg8[%run_scoped3A_231, %dma_wait3A_287, %dma_wait3A_288] : memref<7x40x128xf32, #tpu.memory_space<vmem>> -> memref<1x40x128xf32, #tpu.memory_space<vmem>>
        %dma_wait3A_290 = tpu.memref_squeeze %dma_wait3A_289 : memref<1x40x128xf32, #tpu.memory_space<vmem>> -> memref<40x128xf32, #tpu.memory_space<vmem>>
        %dma_wait3A_291 = arith.constant 0 : i32
        %dma_wait3A_292 = tpu.memref_slice %arg9[%add3A_230, %dma_wait3A_291] : memref<10000x128xf32, #tpu.memory_space<vmem_shared>> -> memref<40x128xf32, #tpu.memory_space<vmem_shared>>
        %dma_wait3A_293 = arith.constant 0 : i32
        %dma_wait3A_294 = tpu.memref_slice %arg9[%add3A_230, %dma_wait3A_293] : memref<10000x128xf32, #tpu.memory_space<vmem_shared>> -> memref<40x128xf32, #tpu.memory_space<vmem_shared>>
        %dma_wait3A_295 = arith.constant 0 : i32
        %dma_wait3A_296 = arith.constant 0 : i32
        %dma_wait3A_297 = tpu.memref_slice %arg8[%run_scoped3A_231, %dma_wait3A_295, %dma_wait3A_296] : memref<7x40x128xf32, #tpu.memory_space<vmem>> -> memref<1x40x128xf32, #tpu.memory_space<vmem>>
        %dma_wait3A_298 = tpu.memref_squeeze %dma_wait3A_297 : memref<1x40x128xf32, #tpu.memory_space<vmem>> -> memref<40x128xf32, #tpu.memory_space<vmem>>
        tpu.wait_dma2 semaphore(%run_scoped3A_274 : memref<!tpu.dma_semaphore, #tpu.memory_space<semaphore_mem>>) src(%dma_wait3A_298 : memref<40x128xf32, #tpu.memory_space<vmem>>) dst(%dma_wait3A_294 : memref<40x128xf32, #tpu.memory_space<vmem_shared>>)
        tpu.yield
      }) : () -> ()
      %add3A_232 = arith.constant 80 : i32
      %add3A_233 = arith.addi %multiple_of3A, %add3A_232 : i32
      %run_scoped3A_234 = arith.constant 0 : i32
      "tpu.region"() ({
        %run_scoped3A_274 = tpu.sem_alloc : memref<!tpu.dma_semaphore, #tpu.memory_space<semaphore_mem>>
        %dma_start3A_275 = arith.constant 0 : i32
        %dma_start3A_276 = arith.constant 0 : i32
        %dma_start3A_277 = tpu.memref_slice %arg8[%run_scoped3A_234, %dma_start3A_275, %dma_start3A_276] : memref<7x40x128xf32, #tpu.memory_space<vmem>> -> memref<1x40x128xf32, #tpu.memory_space<vmem>>
        %dma_start3A_278 = tpu.memref_squeeze %dma_start3A_277 : memref<1x40x128xf32, #tpu.memory_space<vmem>> -> memref<40x128xf32, #tpu.memory_space<vmem>>
        %dma_start3A_279 = arith.constant 0 : i32
        %dma_start3A_280 = tpu.memref_slice %arg9[%add3A_233, %dma_start3A_279] : memref<10000x128xf32, #tpu.memory_space<vmem_shared>> -> memref<40x128xf32, #tpu.memory_space<vmem_shared>>
        %dma_start3A_281 = arith.constant 0 : i32
        %dma_start3A_282 = tpu.memref_slice %arg9[%add3A_233, %dma_start3A_281] : memref<10000x128xf32, #tpu.memory_space<vmem_shared>> -> memref<40x128xf32, #tpu.memory_space<vmem_shared>>
        %dma_start3A_283 = arith.constant 0 : i32
        %dma_start3A_284 = arith.constant 0 : i32
        %dma_start3A_285 = tpu.memref_slice %arg8[%run_scoped3A_234, %dma_start3A_283, %dma_start3A_284] : memref<7x40x128xf32, #tpu.memory_space<vmem>> -> memref<1x40x128xf32, #tpu.memory_space<vmem>>
        %dma_start3A_286 = tpu.memref_squeeze %dma_start3A_285 : memref<1x40x128xf32, #tpu.memory_space<vmem>> -> memref<40x128xf32, #tpu.memory_space<vmem>>
        tpu.enqueue_dma source(%dma_start3A_286 : memref<40x128xf32, #tpu.memory_space<vmem>>) target(%dma_start3A_282 : memref<40x128xf32, #tpu.memory_space<vmem_shared>>) target_semaphore(%run_scoped3A_274 : memref<!tpu.dma_semaphore, #tpu.memory_space<semaphore_mem>>)
        %dma_wait3A_287 = arith.constant 0 : i32
        %dma_wait3A_288 = arith.constant 0 : i32
        %dma_wait3A_289 = tpu.memref_slice %arg8[%run_scoped3A_234, %dma_wait3A_287, %dma_wait3A_288] : memref<7x40x128xf32, #tpu.memory_space<vmem>> -> memref<1x40x128xf32, #tpu.memory_space<vmem>>
        %dma_wait3A_290 = tpu.memref_squeeze %dma_wait3A_289 : memref<1x40x128xf32, #tpu.memory_space<vmem>> -> memref<40x128xf32, #tpu.memory_space<vmem>>
        %dma_wait3A_291 = arith.constant 0 : i32
        %dma_wait3A_292 = tpu.memref_slice %arg9[%add3A_233, %dma_wait3A_291] : memref<10000x128xf32, #tpu.memory_space<vmem_shared>> -> memref<40x128xf32, #tpu.memory_space<vmem_shared>>
        %dma_wait3A_293 = arith.constant 0 : i32
        %dma_wait3A_294 = tpu.memref_slice %arg9[%add3A_233, %dma_wait3A_293] : memref<10000x128xf32, #tpu.memory_space<vmem_shared>> -> memref<40x128xf32, #tpu.memory_space<vmem_shared>>
        %dma_wait3A_295 = arith.constant 0 : i32
        %dma_wait3A_296 = arith.constant 0 : i32
        %dma_wait3A_297 = tpu.memref_slice %arg8[%run_scoped3A_234, %dma_wait3A_295, %dma_wait3A_296] : memref<7x40x128xf32, #tpu.memory_space<vmem>> -> memref<1x40x128xf32, #tpu.memory_space<vmem>>
        %dma_wait3A_298 = tpu.memref_squeeze %dma_wait3A_297 : memref<1x40x128xf32, #tpu.memory_space<vmem>> -> memref<40x128xf32, #tpu.memory_space<vmem>>
        tpu.wait_dma2 semaphore(%run_scoped3A_274 : memref<!tpu.dma_semaphore, #tpu.memory_space<semaphore_mem>>) src(%dma_wait3A_298 : memref<40x128xf32, #tpu.memory_space<vmem>>) dst(%dma_wait3A_294 : memref<40x128xf32, #tpu.memory_space<vmem_shared>>)
        tpu.yield
      }) : () -> ()
      %add3A_235 = arith.constant 120 : i32
      %add3A_236 = arith.addi %multiple_of3A, %add3A_235 : i32
      %run_scoped3A_237 = arith.constant 0 : i32
      "tpu.region"() ({
        %run_scoped3A_274 = tpu.sem_alloc : memref<!tpu.dma_semaphore, #tpu.memory_space<semaphore_mem>>
        %dma_start3A_275 = arith.constant 0 : i32
        %dma_start3A_276 = arith.constant 0 : i32
        %dma_start3A_277 = tpu.memref_slice %arg8[%run_scoped3A_237, %dma_start3A_275, %dma_start3A_276] : memref<7x40x128xf32, #tpu.memory_space<vmem>> -> memref<1x40x128xf32, #tpu.memory_space<vmem>>
        %dma_start3A_278 = tpu.memref_squeeze %dma_start3A_277 : memref<1x40x128xf32, #tpu.memory_space<vmem>> -> memref<40x128xf32, #tpu.memory_space<vmem>>
        %dma_start3A_279 = arith.constant 0 : i32
        %dma_start3A_280 = tpu.memref_slice %arg9[%add3A_236, %dma_start3A_279] : memref<10000x128xf32, #tpu.memory_space<vmem_shared>> -> memref<40x128xf32, #tpu.memory_space<vmem_shared>>
        %dma_start3A_281 = arith.constant 0 : i32
        %dma_start3A_282 = tpu.memref_slice %arg9[%add3A_236, %dma_start3A_281] : memref<10000x128xf32, #tpu.memory_space<vmem_shared>> -> memref<40x128xf32, #tpu.memory_space<vmem_shared>>
        %dma_start3A_283 = arith.constant 0 : i32
        %dma_start3A_284 = arith.constant 0 : i32
        %dma_start3A_285 = tpu.memref_slice %arg8[%run_scoped3A_237, %dma_start3A_283, %dma_start3A_284] : memref<7x40x128xf32, #tpu.memory_space<vmem>> -> memref<1x40x128xf32, #tpu.memory_space<vmem>>
        %dma_start3A_286 = tpu.memref_squeeze %dma_start3A_285 : memref<1x40x128xf32, #tpu.memory_space<vmem>> -> memref<40x128xf32, #tpu.memory_space<vmem>>
        tpu.enqueue_dma source(%dma_start3A_286 : memref<40x128xf32, #tpu.memory_space<vmem>>) target(%dma_start3A_282 : memref<40x128xf32, #tpu.memory_space<vmem_shared>>) target_semaphore(%run_scoped3A_274 : memref<!tpu.dma_semaphore, #tpu.memory_space<semaphore_mem>>)
        %dma_wait3A_287 = arith.constant 0 : i32
        %dma_wait3A_288 = arith.constant 0 : i32
        %dma_wait3A_289 = tpu.memref_slice %arg8[%run_scoped3A_237, %dma_wait3A_287, %dma_wait3A_288] : memref<7x40x128xf32, #tpu.memory_space<vmem>> -> memref<1x40x128xf32, #tpu.memory_space<vmem>>
        %dma_wait3A_290 = tpu.memref_squeeze %dma_wait3A_289 : memref<1x40x128xf32, #tpu.memory_space<vmem>> -> memref<40x128xf32, #tpu.memory_space<vmem>>
        %dma_wait3A_291 = arith.constant 0 : i32
        %dma_wait3A_292 = tpu.memref_slice %arg9[%add3A_236, %dma_wait3A_291] : memref<10000x128xf32, #tpu.memory_space<vmem_shared>> -> memref<40x128xf32, #tpu.memory_space<vmem_shared>>
        %dma_wait3A_293 = arith.constant 0 : i32
        %dma_wait3A_294 = tpu.memref_slice %arg9[%add3A_236, %dma_wait3A_293] : memref<10000x128xf32, #tpu.memory_space<vmem_shared>> -> memref<40x128xf32, #tpu.memory_space<vmem_shared>>
        %dma_wait3A_295 = arith.constant 0 : i32
        %dma_wait3A_296 = arith.constant 0 : i32
        %dma_wait3A_297 = tpu.memref_slice %arg8[%run_scoped3A_237, %dma_wait3A_295, %dma_wait3A_296] : memref<7x40x128xf32, #tpu.memory_space<vmem>> -> memref<1x40x128xf32, #tpu.memory_space<vmem>>
        %dma_wait3A_298 = tpu.memref_squeeze %dma_wait3A_297 : memref<1x40x128xf32, #tpu.memory_space<vmem>> -> memref<40x128xf32, #tpu.memory_space<vmem>>
        tpu.wait_dma2 semaphore(%run_scoped3A_274 : memref<!tpu.dma_semaphore, #tpu.memory_space<semaphore_mem>>) src(%dma_wait3A_298 : memref<40x128xf32, #tpu.memory_space<vmem>>) dst(%dma_wait3A_294 : memref<40x128xf32, #tpu.memory_space<vmem_shared>>)
        tpu.yield
      }) : () -> ()
      %add3A_238 = arith.constant 160 : i32
      %add3A_239 = arith.addi %multiple_of3A, %add3A_238 : i32
      %run_scoped3A_240 = arith.constant 0 : i32
      "tpu.region"() ({
        %run_scoped3A_274 = tpu.sem_alloc : memref<!tpu.dma_semaphore, #tpu.memory_space<semaphore_mem>>
        %dma_start3A_275 = arith.constant 0 : i32
        %dma_start3A_276 = arith.constant 0 : i32
        %dma_start3A_277 = tpu.memref_slice %arg8[%run_scoped3A_240, %dma_start3A_275, %dma_start3A_276] : memref<7x40x128xf32, #tpu.memory_space<vmem>> -> memref<1x40x128xf32, #tpu.memory_space<vmem>>
        %dma_start3A_278 = tpu.memref_squeeze %dma_start3A_277 : memref<1x40x128xf32, #tpu.memory_space<vmem>> -> memref<40x128xf32, #tpu.memory_space<vmem>>
        %dma_start3A_279 = arith.constant 0 : i32
        %dma_start3A_280 = tpu.memref_slice %arg9[%add3A_239, %dma_start3A_279] : memref<10000x128xf32, #tpu.memory_space<vmem_shared>> -> memref<40x128xf32, #tpu.memory_space<vmem_shared>>
        %dma_start3A_281 = arith.constant 0 : i32
        %dma_start3A_282 = tpu.memref_slice %arg9[%add3A_239, %dma_start3A_281] : memref<10000x128xf32, #tpu.memory_space<vmem_shared>> -> memref<40x128xf32, #tpu.memory_space<vmem_shared>>
        %dma_start3A_283 = arith.constant 0 : i32
        %dma_start3A_284 = arith.constant 0 : i32
        %dma_start3A_285 = tpu.memref_slice %arg8[%run_scoped3A_240, %dma_start3A_283, %dma_start3A_284] : memref<7x40x128xf32, #tpu.memory_space<vmem>> -> memref<1x40x128xf32, #tpu.memory_space<vmem>>
        %dma_start3A_286 = tpu.memref_squeeze %dma_start3A_285 : memref<1x40x128xf32, #tpu.memory_space<vmem>> -> memref<40x128xf32, #tpu.memory_space<vmem>>
        tpu.enqueue_dma source(%dma_start3A_286 : memref<40x128xf32, #tpu.memory_space<vmem>>) target(%dma_start3A_282 : memref<40x128xf32, #tpu.memory_space<vmem_shared>>) target_semaphore(%run_scoped3A_274 : memref<!tpu.dma_semaphore, #tpu.memory_space<semaphore_mem>>)
        %dma_wait3A_287 = arith.constant 0 : i32
        %dma_wait3A_288 = arith.constant 0 : i32
        %dma_wait3A_289 = tpu.memref_slice %arg8[%run_scoped3A_240, %dma_wait3A_287, %dma_wait3A_288] : memref<7x40x128xf32, #tpu.memory_space<vmem>> -> memref<1x40x128xf32, #tpu.memory_space<vmem>>
        %dma_wait3A_290 = tpu.memref_squeeze %dma_wait3A_289 : memref<1x40x128xf32, #tpu.memory_space<vmem>> -> memref<40x128xf32, #tpu.memory_space<vmem>>
        %dma_wait3A_291 = arith.constant 0 : i32
        %dma_wait3A_292 = tpu.memref_slice %arg9[%add3A_239, %dma_wait3A_291] : memref<10000x128xf32, #tpu.memory_space<vmem_shared>> -> memref<40x128xf32, #tpu.memory_space<vmem_shared>>
        %dma_wait3A_293 = arith.constant 0 : i32
        %dma_wait3A_294 = tpu.memref_slice %arg9[%add3A_239, %dma_wait3A_293] : memref<10000x128xf32, #tpu.memory_space<vmem_shared>> -> memref<40x128xf32, #tpu.memory_space<vmem_shared>>
        %dma_wait3A_295 = arith.constant 0 : i32
        %dma_wait3A_296 = arith.constant 0 : i32
        %dma_wait3A_297 = tpu.memref_slice %arg8[%run_scoped3A_240, %dma_wait3A_295, %dma_wait3A_296] : memref<7x40x128xf32, #tpu.memory_space<vmem>> -> memref<1x40x128xf32, #tpu.memory_space<vmem>>
        %dma_wait3A_298 = tpu.memref_squeeze %dma_wait3A_297 : memref<1x40x128xf32, #tpu.memory_space<vmem>> -> memref<40x128xf32, #tpu.memory_space<vmem>>
        tpu.wait_dma2 semaphore(%run_scoped3A_274 : memref<!tpu.dma_semaphore, #tpu.memory_space<semaphore_mem>>) src(%dma_wait3A_298 : memref<40x128xf32, #tpu.memory_space<vmem>>) dst(%dma_wait3A_294 : memref<40x128xf32, #tpu.memory_space<vmem_shared>>)
        tpu.yield
      }) : () -> ()
      %add3A_241 = arith.constant 200 : i32
      %add3A_242 = arith.addi %multiple_of3A, %add3A_241 : i32
      %run_scoped3A_243 = arith.constant 0 : i32
      "tpu.region"() ({
        %run_scoped3A_274 = tpu.sem_alloc : memref<!tpu.dma_semaphore, #tpu.memory_space<semaphore_mem>>
        %dma_start3A_275 = arith.constant 0 : i32
        %dma_start3A_276 = arith.constant 0 : i32
        %dma_start3A_277 = tpu.memref_slice %arg8[%run_scoped3A_243, %dma_start3A_275, %dma_start3A_276] : memref<7x40x128xf32, #tpu.memory_space<vmem>> -> memref<1x40x128xf32, #tpu.memory_space<vmem>>
        %dma_start3A_278 = tpu.memref_squeeze %dma_start3A_277 : memref<1x40x128xf32, #tpu.memory_space<vmem>> -> memref<40x128xf32, #tpu.memory_space<vmem>>
        %dma_start3A_279 = arith.constant 0 : i32
        %dma_start3A_280 = tpu.memref_slice %arg9[%add3A_242, %dma_start3A_279] : memref<10000x128xf32, #tpu.memory_space<vmem_shared>> -> memref<40x128xf32, #tpu.memory_space<vmem_shared>>
        %dma_start3A_281 = arith.constant 0 : i32
        %dma_start3A_282 = tpu.memref_slice %arg9[%add3A_242, %dma_start3A_281] : memref<10000x128xf32, #tpu.memory_space<vmem_shared>> -> memref<40x128xf32, #tpu.memory_space<vmem_shared>>
        %dma_start3A_283 = arith.constant 0 : i32
        %dma_start3A_284 = arith.constant 0 : i32
        %dma_start3A_285 = tpu.memref_slice %arg8[%run_scoped3A_243, %dma_start3A_283, %dma_start3A_284] : memref<7x40x128xf32, #tpu.memory_space<vmem>> -> memref<1x40x128xf32, #tpu.memory_space<vmem>>
        %dma_start3A_286 = tpu.memref_squeeze %dma_start3A_285 : memref<1x40x128xf32, #tpu.memory_space<vmem>> -> memref<40x128xf32, #tpu.memory_space<vmem>>
        tpu.enqueue_dma source(%dma_start3A_286 : memref<40x128xf32, #tpu.memory_space<vmem>>) target(%dma_start3A_282 : memref<40x128xf32, #tpu.memory_space<vmem_shared>>) target_semaphore(%run_scoped3A_274 : memref<!tpu.dma_semaphore, #tpu.memory_space<semaphore_mem>>)
        %dma_wait3A_287 = arith.constant 0 : i32
        %dma_wait3A_288 = arith.constant 0 : i32
        %dma_wait3A_289 = tpu.memref_slice %arg8[%run_scoped3A_243, %dma_wait3A_287, %dma_wait3A_288] : memref<7x40x128xf32, #tpu.memory_space<vmem>> -> memref<1x40x128xf32, #tpu.memory_space<vmem>>
        %dma_wait3A_290 = tpu.memref_squeeze %dma_wait3A_289 : memref<1x40x128xf32, #tpu.memory_space<vmem>> -> memref<40x128xf32, #tpu.memory_space<vmem>>
        %dma_wait3A_291 = arith.constant 0 : i32
        %dma_wait3A_292 = tpu.memref_slice %arg9[%add3A_242, %dma_wait3A_291] : memref<10000x128xf32, #tpu.memory_space<vmem_shared>> -> memref<40x128xf32, #tpu.memory_space<vmem_shared>>
        %dma_wait3A_293 = arith.constant 0 : i32
        %dma_wait3A_294 = tpu.memref_slice %arg9[%add3A_242, %dma_wait3A_293] : memref<10000x128xf32, #tpu.memory_space<vmem_shared>> -> memref<40x128xf32, #tpu.memory_space<vmem_shared>>
        %dma_wait3A_295 = arith.constant 0 : i32
        %dma_wait3A_296 = arith.constant 0 : i32
        %dma_wait3A_297 = tpu.memref_slice %arg8[%run_scoped3A_243, %dma_wait3A_295, %dma_wait3A_296] : memref<7x40x128xf32, #tpu.memory_space<vmem>> -> memref<1x40x128xf32, #tpu.memory_space<vmem>>
        %dma_wait3A_298 = tpu.memref_squeeze %dma_wait3A_297 : memref<1x40x128xf32, #tpu.memory_space<vmem>> -> memref<40x128xf32, #tpu.memory_space<vmem>>
        tpu.wait_dma2 semaphore(%run_scoped3A_274 : memref<!tpu.dma_semaphore, #tpu.memory_space<semaphore_mem>>) src(%dma_wait3A_298 : memref<40x128xf32, #tpu.memory_space<vmem>>) dst(%dma_wait3A_294 : memref<40x128xf32, #tpu.memory_space<vmem_shared>>)
        tpu.yield
      }) : () -> ()
      %add3A_244 = arith.constant 240 : i32
      %add3A_245 = arith.addi %multiple_of3A, %add3A_244 : i32
      %run_scoped3A_246 = arith.constant 0 : i32
      "tpu.region"() ({
        %run_scoped3A_274 = tpu.sem_alloc : memref<!tpu.dma_semaphore, #tpu.memory_space<semaphore_mem>>
        %dma_start3A_275 = arith.constant 0 : i32
        %dma_start3A_276 = arith.constant 0 : i32
        %dma_start3A_277 = tpu.memref_slice %arg8[%run_scoped3A_246, %dma_start3A_275, %dma_start3A_276] : memref<7x40x128xf32, #tpu.memory_space<vmem>> -> memref<1x40x128xf32, #tpu.memory_space<vmem>>
        %dma_start3A_278 = tpu.memref_squeeze %dma_start3A_277 : memref<1x40x128xf32, #tpu.memory_space<vmem>> -> memref<40x128xf32, #tpu.memory_space<vmem>>
        %dma_start3A_279 = arith.constant 0 : i32
        %dma_start3A_280 = tpu.memref_slice %arg9[%add3A_245, %dma_start3A_279] : memref<10000x128xf32, #tpu.memory_space<vmem_shared>> -> memref<40x128xf32, #tpu.memory_space<vmem_shared>>
        %dma_start3A_281 = arith.constant 0 : i32
        %dma_start3A_282 = tpu.memref_slice %arg9[%add3A_245, %dma_start3A_281] : memref<10000x128xf32, #tpu.memory_space<vmem_shared>> -> memref<40x128xf32, #tpu.memory_space<vmem_shared>>
        %dma_start3A_283 = arith.constant 0 : i32
        %dma_start3A_284 = arith.constant 0 : i32
        %dma_start3A_285 = tpu.memref_slice %arg8[%run_scoped3A_246, %dma_start3A_283, %dma_start3A_284] : memref<7x40x128xf32, #tpu.memory_space<vmem>> -> memref<1x40x128xf32, #tpu.memory_space<vmem>>
        %dma_start3A_286 = tpu.memref_squeeze %dma_start3A_285 : memref<1x40x128xf32, #tpu.memory_space<vmem>> -> memref<40x128xf32, #tpu.memory_space<vmem>>
        tpu.enqueue_dma source(%dma_start3A_286 : memref<40x128xf32, #tpu.memory_space<vmem>>) target(%dma_start3A_282 : memref<40x128xf32, #tpu.memory_space<vmem_shared>>) target_semaphore(%run_scoped3A_274 : memref<!tpu.dma_semaphore, #tpu.memory_space<semaphore_mem>>)
        %dma_wait3A_287 = arith.constant 0 : i32
        %dma_wait3A_288 = arith.constant 0 : i32
        %dma_wait3A_289 = tpu.memref_slice %arg8[%run_scoped3A_246, %dma_wait3A_287, %dma_wait3A_288] : memref<7x40x128xf32, #tpu.memory_space<vmem>> -> memref<1x40x128xf32, #tpu.memory_space<vmem>>
        %dma_wait3A_290 = tpu.memref_squeeze %dma_wait3A_289 : memref<1x40x128xf32, #tpu.memory_space<vmem>> -> memref<40x128xf32, #tpu.memory_space<vmem>>
        %dma_wait3A_291 = arith.constant 0 : i32
        %dma_wait3A_292 = tpu.memref_slice %arg9[%add3A_245, %dma_wait3A_291] : memref<10000x128xf32, #tpu.memory_space<vmem_shared>> -> memref<40x128xf32, #tpu.memory_space<vmem_shared>>
        %dma_wait3A_293 = arith.constant 0 : i32
        %dma_wait3A_294 = tpu.memref_slice %arg9[%add3A_245, %dma_wait3A_293] : memref<10000x128xf32, #tpu.memory_space<vmem_shared>> -> memref<40x128xf32, #tpu.memory_space<vmem_shared>>
        %dma_wait3A_295 = arith.constant 0 : i32
        %dma_wait3A_296 = arith.constant 0 : i32
        %dma_wait3A_297 = tpu.memref_slice %arg8[%run_scoped3A_246, %dma_wait3A_295, %dma_wait3A_296] : memref<7x40x128xf32, #tpu.memory_space<vmem>> -> memref<1x40x128xf32, #tpu.memory_space<vmem>>
        %dma_wait3A_298 = tpu.memref_squeeze %dma_wait3A_297 : memref<1x40x128xf32, #tpu.memory_space<vmem>> -> memref<40x128xf32, #tpu.memory_space<vmem>>
        tpu.wait_dma2 semaphore(%run_scoped3A_274 : memref<!tpu.dma_semaphore, #tpu.memory_space<semaphore_mem>>) src(%dma_wait3A_298 : memref<40x128xf32, #tpu.memory_space<vmem>>) dst(%dma_wait3A_294 : memref<40x128xf32, #tpu.memory_space<vmem_shared>>)
        tpu.yield
      }) : () -> ()
      %add3A_247 = arith.constant 280 : i32
      %add3A_248 = arith.addi %multiple_of3A, %add3A_247 : i32
      %run_scoped3A_249 = arith.constant 0 : i32
      "tpu.region"() ({
        %run_scoped3A_274 = tpu.sem_alloc : memref<!tpu.dma_semaphore, #tpu.memory_space<semaphore_mem>>
        %dma_start3A_275 = arith.constant 0 : i32
        %dma_start3A_276 = arith.constant 0 : i32
        %dma_start3A_277 = tpu.memref_slice %arg8[%run_scoped3A_249, %dma_start3A_275, %dma_start3A_276] : memref<7x40x128xf32, #tpu.memory_space<vmem>> -> memref<1x40x128xf32, #tpu.memory_space<vmem>>
        %dma_start3A_278 = tpu.memref_squeeze %dma_start3A_277 : memref<1x40x128xf32, #tpu.memory_space<vmem>> -> memref<40x128xf32, #tpu.memory_space<vmem>>
        %dma_start3A_279 = arith.constant 0 : i32
        %dma_start3A_280 = tpu.memref_slice %arg9[%add3A_248, %dma_start3A_279] : memref<10000x128xf32, #tpu.memory_space<vmem_shared>> -> memref<40x128xf32, #tpu.memory_space<vmem_shared>>
        %dma_start3A_281 = arith.constant 0 : i32
        %dma_start3A_282 = tpu.memref_slice %arg9[%add3A_248, %dma_start3A_281] : memref<10000x128xf32, #tpu.memory_space<vmem_shared>> -> memref<40x128xf32, #tpu.memory_space<vmem_shared>>
        %dma_start3A_283 = arith.constant 0 : i32
        %dma_start3A_284 = arith.constant 0 : i32
        %dma_start3A_285 = tpu.memref_slice %arg8[%run_scoped3A_249, %dma_start3A_283, %dma_start3A_284] : memref<7x40x128xf32, #tpu.memory_space<vmem>> -> memref<1x40x128xf32, #tpu.memory_space<vmem>>
        %dma_start3A_286 = tpu.memref_squeeze %dma_start3A_285 : memref<1x40x128xf32, #tpu.memory_space<vmem>> -> memref<40x128xf32, #tpu.memory_space<vmem>>
        tpu.enqueue_dma source(%dma_start3A_286 : memref<40x128xf32, #tpu.memory_space<vmem>>) target(%dma_start3A_282 : memref<40x128xf32, #tpu.memory_space<vmem_shared>>) target_semaphore(%run_scoped3A_274 : memref<!tpu.dma_semaphore, #tpu.memory_space<semaphore_mem>>)
        %dma_wait3A_287 = arith.constant 0 : i32
        %dma_wait3A_288 = arith.constant 0 : i32
        %dma_wait3A_289 = tpu.memref_slice %arg8[%run_scoped3A_249, %dma_wait3A_287, %dma_wait3A_288] : memref<7x40x128xf32, #tpu.memory_space<vmem>> -> memref<1x40x128xf32, #tpu.memory_space<vmem>>
        %dma_wait3A_290 = tpu.memref_squeeze %dma_wait3A_289 : memref<1x40x128xf32, #tpu.memory_space<vmem>> -> memref<40x128xf32, #tpu.memory_space<vmem>>
        %dma_wait3A_291 = arith.constant 0 : i32
        %dma_wait3A_292 = tpu.memref_slice %arg9[%add3A_248, %dma_wait3A_291] : memref<10000x128xf32, #tpu.memory_space<vmem_shared>> -> memref<40x128xf32, #tpu.memory_space<vmem_shared>>
        %dma_wait3A_293 = arith.constant 0 : i32
        %dma_wait3A_294 = tpu.memref_slice %arg9[%add3A_248, %dma_wait3A_293] : memref<10000x128xf32, #tpu.memory_space<vmem_shared>> -> memref<40x128xf32, #tpu.memory_space<vmem_shared>>
        %dma_wait3A_295 = arith.constant 0 : i32
        %dma_wait3A_296 = arith.constant 0 : i32
        %dma_wait3A_297 = tpu.memref_slice %arg8[%run_scoped3A_249, %dma_wait3A_295, %dma_wait3A_296] : memref<7x40x128xf32, #tpu.memory_space<vmem>> -> memref<1x40x128xf32, #tpu.memory_space<vmem>>
        %dma_wait3A_298 = tpu.memref_squeeze %dma_wait3A_297 : memref<1x40x128xf32, #tpu.memory_space<vmem>> -> memref<40x128xf32, #tpu.memory_space<vmem>>
        tpu.wait_dma2 semaphore(%run_scoped3A_274 : memref<!tpu.dma_semaphore, #tpu.memory_space<semaphore_mem>>) src(%dma_wait3A_298 : memref<40x128xf32, #tpu.memory_space<vmem>>) dst(%dma_wait3A_294 : memref<40x128xf32, #tpu.memory_space<vmem_shared>>)
        tpu.yield
      }) : () -> ()
      %add3A_250 = arith.constant 320 : i32
      %add3A_251 = arith.addi %multiple_of3A, %add3A_250 : i32
      %run_scoped3A_252 = arith.constant 0 : i32
      "tpu.region"() ({
        %run_scoped3A_274 = tpu.sem_alloc : memref<!tpu.dma_semaphore, #tpu.memory_space<semaphore_mem>>
        %dma_start3A_275 = arith.constant 0 : i32
        %dma_start3A_276 = arith.constant 0 : i32
        %dma_start3A_277 = tpu.memref_slice %arg8[%run_scoped3A_252, %dma_start3A_275, %dma_start3A_276] : memref<7x40x128xf32, #tpu.memory_space<vmem>> -> memref<1x40x128xf32, #tpu.memory_space<vmem>>
        %dma_start3A_278 = tpu.memref_squeeze %dma_start3A_277 : memref<1x40x128xf32, #tpu.memory_space<vmem>> -> memref<40x128xf32, #tpu.memory_space<vmem>>
        %dma_start3A_279 = arith.constant 0 : i32
        %dma_start3A_280 = tpu.memref_slice %arg9[%add3A_251, %dma_start3A_279] : memref<10000x128xf32, #tpu.memory_space<vmem_shared>> -> memref<40x128xf32, #tpu.memory_space<vmem_shared>>
        %dma_start3A_281 = arith.constant 0 : i32
        %dma_start3A_282 = tpu.memref_slice %arg9[%add3A_251, %dma_start3A_281] : memref<10000x128xf32, #tpu.memory_space<vmem_shared>> -> memref<40x128xf32, #tpu.memory_space<vmem_shared>>
        %dma_start3A_283 = arith.constant 0 : i32
        %dma_start3A_284 = arith.constant 0 : i32
        %dma_start3A_285 = tpu.memref_slice %arg8[%run_scoped3A_252, %dma_start3A_283, %dma_start3A_284] : memref<7x40x128xf32, #tpu.memory_space<vmem>> -> memref<1x40x128xf32, #tpu.memory_space<vmem>>
        %dma_start3A_286 = tpu.memref_squeeze %dma_start3A_285 : memref<1x40x128xf32, #tpu.memory_space<vmem>> -> memref<40x128xf32, #tpu.memory_space<vmem>>
        tpu.enqueue_dma source(%dma_start3A_286 : memref<40x128xf32, #tpu.memory_space<vmem>>) target(%dma_start3A_282 : memref<40x128xf32, #tpu.memory_space<vmem_shared>>) target_semaphore(%run_scoped3A_274 : memref<!tpu.dma_semaphore, #tpu.memory_space<semaphore_mem>>)
        %dma_wait3A_287 = arith.constant 0 : i32
        %dma_wait3A_288 = arith.constant 0 : i32
        %dma_wait3A_289 = tpu.memref_slice %arg8[%run_scoped3A_252, %dma_wait3A_287, %dma_wait3A_288] : memref<7x40x128xf32, #tpu.memory_space<vmem>> -> memref<1x40x128xf32, #tpu.memory_space<vmem>>
        %dma_wait3A_290 = tpu.memref_squeeze %dma_wait3A_289 : memref<1x40x128xf32, #tpu.memory_space<vmem>> -> memref<40x128xf32, #tpu.memory_space<vmem>>
        %dma_wait3A_291 = arith.constant 0 : i32
        %dma_wait3A_292 = tpu.memref_slice %arg9[%add3A_251, %dma_wait3A_291] : memref<10000x128xf32, #tpu.memory_space<vmem_shared>> -> memref<40x128xf32, #tpu.memory_space<vmem_shared>>
        %dma_wait3A_293 = arith.constant 0 : i32
        %dma_wait3A_294 = tpu.memref_slice %arg9[%add3A_251, %dma_wait3A_293] : memref<10000x128xf32, #tpu.memory_space<vmem_shared>> -> memref<40x128xf32, #tpu.memory_space<vmem_shared>>
        %dma_wait3A_295 = arith.constant 0 : i32
        %dma_wait3A_296 = arith.constant 0 : i32
        %dma_wait3A_297 = tpu.memref_slice %arg8[%run_scoped3A_252, %dma_wait3A_295, %dma_wait3A_296] : memref<7x40x128xf32, #tpu.memory_space<vmem>> -> memref<1x40x128xf32, #tpu.memory_space<vmem>>
        %dma_wait3A_298 = tpu.memref_squeeze %dma_wait3A_297 : memref<1x40x128xf32, #tpu.memory_space<vmem>> -> memref<40x128xf32, #tpu.memory_space<vmem>>
        tpu.wait_dma2 semaphore(%run_scoped3A_274 : memref<!tpu.dma_semaphore, #tpu.memory_space<semaphore_mem>>) src(%dma_wait3A_298 : memref<40x128xf32, #tpu.memory_space<vmem>>) dst(%dma_wait3A_294 : memref<40x128xf32, #tpu.memory_space<vmem_shared>>)
        tpu.yield
      }) : () -> ()
      %add3A_253 = arith.constant 360 : i32
      %add3A_254 = arith.addi %multiple_of3A, %add3A_253 : i32
      %run_scoped3A_255 = arith.constant 0 : i32
      "tpu.region"() ({
        %run_scoped3A_274 = tpu.sem_alloc : memref<!tpu.dma_semaphore, #tpu.memory_space<semaphore_mem>>
        %dma_start3A_275 = arith.constant 0 : i32
        %dma_start3A_276 = arith.constant 0 : i32
        %dma_start3A_277 = tpu.memref_slice %arg8[%run_scoped3A_255, %dma_start3A_275, %dma_start3A_276] : memref<7x40x128xf32, #tpu.memory_space<vmem>> -> memref<1x40x128xf32, #tpu.memory_space<vmem>>
        %dma_start3A_278 = tpu.memref_squeeze %dma_start3A_277 : memref<1x40x128xf32, #tpu.memory_space<vmem>> -> memref<40x128xf32, #tpu.memory_space<vmem>>
        %dma_start3A_279 = arith.constant 0 : i32
        %dma_start3A_280 = tpu.memref_slice %arg9[%add3A_254, %dma_start3A_279] : memref<10000x128xf32, #tpu.memory_space<vmem_shared>> -> memref<40x128xf32, #tpu.memory_space<vmem_shared>>
        %dma_start3A_281 = arith.constant 0 : i32
        %dma_start3A_282 = tpu.memref_slice %arg9[%add3A_254, %dma_start3A_281] : memref<10000x128xf32, #tpu.memory_space<vmem_shared>> -> memref<40x128xf32, #tpu.memory_space<vmem_shared>>
        %dma_start3A_283 = arith.constant 0 : i32
        %dma_start3A_284 = arith.constant 0 : i32
        %dma_start3A_285 = tpu.memref_slice %arg8[%run_scoped3A_255, %dma_start3A_283, %dma_start3A_284] : memref<7x40x128xf32, #tpu.memory_space<vmem>> -> memref<1x40x128xf32, #tpu.memory_space<vmem>>
        %dma_start3A_286 = tpu.memref_squeeze %dma_start3A_285 : memref<1x40x128xf32, #tpu.memory_space<vmem>> -> memref<40x128xf32, #tpu.memory_space<vmem>>
        tpu.enqueue_dma source(%dma_start3A_286 : memref<40x128xf32, #tpu.memory_space<vmem>>) target(%dma_start3A_282 : memref<40x128xf32, #tpu.memory_space<vmem_shared>>) target_semaphore(%run_scoped3A_274 : memref<!tpu.dma_semaphore, #tpu.memory_space<semaphore_mem>>)
        %dma_wait3A_287 = arith.constant 0 : i32
        %dma_wait3A_288 = arith.constant 0 : i32
        %dma_wait3A_289 = tpu.memref_slice %arg8[%run_scoped3A_255, %dma_wait3A_287, %dma_wait3A_288] : memref<7x40x128xf32, #tpu.memory_space<vmem>> -> memref<1x40x128xf32, #tpu.memory_space<vmem>>
        %dma_wait3A_290 = tpu.memref_squeeze %dma_wait3A_289 : memref<1x40x128xf32, #tpu.memory_space<vmem>> -> memref<40x128xf32, #tpu.memory_space<vmem>>
        %dma_wait3A_291 = arith.constant 0 : i32
        %dma_wait3A_292 = tpu.memref_slice %arg9[%add3A_254, %dma_wait3A_291] : memref<10000x128xf32, #tpu.memory_space<vmem_shared>> -> memref<40x128xf32, #tpu.memory_space<vmem_shared>>
        %dma_wait3A_293 = arith.constant 0 : i32
        %dma_wait3A_294 = tpu.memref_slice %arg9[%add3A_254, %dma_wait3A_293] : memref<10000x128xf32, #tpu.memory_space<vmem_shared>> -> memref<40x128xf32, #tpu.memory_space<vmem_shared>>
        %dma_wait3A_295 = arith.constant 0 : i32
        %dma_wait3A_296 = arith.constant 0 : i32
        %dma_wait3A_297 = tpu.memref_slice %arg8[%run_scoped3A_255, %dma_wait3A_295, %dma_wait3A_296] : memref<7x40x128xf32, #tpu.memory_space<vmem>> -> memref<1x40x128xf32, #tpu.memory_space<vmem>>
        %dma_wait3A_298 = tpu.memref_squeeze %dma_wait3A_297 : memref<1x40x128xf32, #tpu.memory_space<vmem>> -> memref<40x128xf32, #tpu.memory_space<vmem>>
        tpu.wait_dma2 semaphore(%run_scoped3A_274 : memref<!tpu.dma_semaphore, #tpu.memory_space<semaphore_mem>>) src(%dma_wait3A_298 : memref<40x128xf32, #tpu.memory_space<vmem>>) dst(%dma_wait3A_294 : memref<40x128xf32, #tpu.memory_space<vmem_shared>>)
        tpu.yield
      }) : () -> ()
      %add3A_256 = arith.constant 400 : i32
      %add3A_257 = arith.addi %multiple_of3A, %add3A_256 : i32
      %run_scoped3A_258 = arith.constant 0 : i32
      "tpu.region"() ({
        %run_scoped3A_274 = tpu.sem_alloc : memref<!tpu.dma_semaphore, #tpu.memory_space<semaphore_mem>>
        %dma_start3A_275 = arith.constant 0 : i32
        %dma_start3A_276 = arith.constant 0 : i32
        %dma_start3A_277 = tpu.memref_slice %arg8[%run_scoped3A_258, %dma_start3A_275, %dma_start3A_276] : memref<7x40x128xf32, #tpu.memory_space<vmem>> -> memref<1x40x128xf32, #tpu.memory_space<vmem>>
        %dma_start3A_278 = tpu.memref_squeeze %dma_start3A_277 : memref<1x40x128xf32, #tpu.memory_space<vmem>> -> memref<40x128xf32, #tpu.memory_space<vmem>>
        %dma_start3A_279 = arith.constant 0 : i32
        %dma_start3A_280 = tpu.memref_slice %arg9[%add3A_257, %dma_start3A_279] : memref<10000x128xf32, #tpu.memory_space<vmem_shared>> -> memref<40x128xf32, #tpu.memory_space<vmem_shared>>
        %dma_start3A_281 = arith.constant 0 : i32
        %dma_start3A_282 = tpu.memref_slice %arg9[%add3A_257, %dma_start3A_281] : memref<10000x128xf32, #tpu.memory_space<vmem_shared>> -> memref<40x128xf32, #tpu.memory_space<vmem_shared>>
        %dma_start3A_283 = arith.constant 0 : i32
        %dma_start3A_284 = arith.constant 0 : i32
        %dma_start3A_285 = tpu.memref_slice %arg8[%run_scoped3A_258, %dma_start3A_283, %dma_start3A_284] : memref<7x40x128xf32, #tpu.memory_space<vmem>> -> memref<1x40x128xf32, #tpu.memory_space<vmem>>
        %dma_start3A_286 = tpu.memref_squeeze %dma_start3A_285 : memref<1x40x128xf32, #tpu.memory_space<vmem>> -> memref<40x128xf32, #tpu.memory_space<vmem>>
        tpu.enqueue_dma source(%dma_start3A_286 : memref<40x128xf32, #tpu.memory_space<vmem>>) target(%dma_start3A_282 : memref<40x128xf32, #tpu.memory_space<vmem_shared>>) target_semaphore(%run_scoped3A_274 : memref<!tpu.dma_semaphore, #tpu.memory_space<semaphore_mem>>)
        %dma_wait3A_287 = arith.constant 0 : i32
        %dma_wait3A_288 = arith.constant 0 : i32
        %dma_wait3A_289 = tpu.memref_slice %arg8[%run_scoped3A_258, %dma_wait3A_287, %dma_wait3A_288] : memref<7x40x128xf32, #tpu.memory_space<vmem>> -> memref<1x40x128xf32, #tpu.memory_space<vmem>>
        %dma_wait3A_290 = tpu.memref_squeeze %dma_wait3A_289 : memref<1x40x128xf32, #tpu.memory_space<vmem>> -> memref<40x128xf32, #tpu.memory_space<vmem>>
        %dma_wait3A_291 = arith.constant 0 : i32
        %dma_wait3A_292 = tpu.memref_slice %arg9[%add3A_257, %dma_wait3A_291] : memref<10000x128xf32, #tpu.memory_space<vmem_shared>> -> memref<40x128xf32, #tpu.memory_space<vmem_shared>>
        %dma_wait3A_293 = arith.constant 0 : i32
        %dma_wait3A_294 = tpu.memref_slice %arg9[%add3A_257, %dma_wait3A_293] : memref<10000x128xf32, #tpu.memory_space<vmem_shared>> -> memref<40x128xf32, #tpu.memory_space<vmem_shared>>
        %dma_wait3A_295 = arith.constant 0 : i32
        %dma_wait3A_296 = arith.constant 0 : i32
        %dma_wait3A_297 = tpu.memref_slice %arg8[%run_scoped3A_258, %dma_wait3A_295, %dma_wait3A_296] : memref<7x40x128xf32, #tpu.memory_space<vmem>> -> memref<1x40x128xf32, #tpu.memory_space<vmem>>
        %dma_wait3A_298 = tpu.memref_squeeze %dma_wait3A_297 : memref<1x40x128xf32, #tpu.memory_space<vmem>> -> memref<40x128xf32, #tpu.memory_space<vmem>>
        tpu.wait_dma2 semaphore(%run_scoped3A_274 : memref<!tpu.dma_semaphore, #tpu.memory_space<semaphore_mem>>) src(%dma_wait3A_298 : memref<40x128xf32, #tpu.memory_space<vmem>>) dst(%dma_wait3A_294 : memref<40x128xf32, #tpu.memory_space<vmem_shared>>)
        tpu.yield
      }) : () -> ()
      %add3A_259 = arith.constant 440 : i32
      %add3A_260 = arith.addi %multiple_of3A, %add3A_259 : i32
      %run_scoped3A_261 = arith.constant 0 : i32
      "tpu.region"() ({
        %run_scoped3A_274 = tpu.sem_alloc : memref<!tpu.dma_semaphore, #tpu.memory_space<semaphore_mem>>
        %dma_start3A_275 = arith.constant 0 : i32
        %dma_start3A_276 = arith.constant 0 : i32
        %dma_start3A_277 = tpu.memref_slice %arg8[%run_scoped3A_261, %dma_start3A_275, %dma_start3A_276] : memref<7x40x128xf32, #tpu.memory_space<vmem>> -> memref<1x40x128xf32, #tpu.memory_space<vmem>>
        %dma_start3A_278 = tpu.memref_squeeze %dma_start3A_277 : memref<1x40x128xf32, #tpu.memory_space<vmem>> -> memref<40x128xf32, #tpu.memory_space<vmem>>
        %dma_start3A_279 = arith.constant 0 : i32
        %dma_start3A_280 = tpu.memref_slice %arg9[%add3A_260, %dma_start3A_279] : memref<10000x128xf32, #tpu.memory_space<vmem_shared>> -> memref<40x128xf32, #tpu.memory_space<vmem_shared>>
        %dma_start3A_281 = arith.constant 0 : i32
        %dma_start3A_282 = tpu.memref_slice %arg9[%add3A_260, %dma_start3A_281] : memref<10000x128xf32, #tpu.memory_space<vmem_shared>> -> memref<40x128xf32, #tpu.memory_space<vmem_shared>>
        %dma_start3A_283 = arith.constant 0 : i32
        %dma_start3A_284 = arith.constant 0 : i32
        %dma_start3A_285 = tpu.memref_slice %arg8[%run_scoped3A_261, %dma_start3A_283, %dma_start3A_284] : memref<7x40x128xf32, #tpu.memory_space<vmem>> -> memref<1x40x128xf32, #tpu.memory_space<vmem>>
        %dma_start3A_286 = tpu.memref_squeeze %dma_start3A_285 : memref<1x40x128xf32, #tpu.memory_space<vmem>> -> memref<40x128xf32, #tpu.memory_space<vmem>>
        tpu.enqueue_dma source(%dma_start3A_286 : memref<40x128xf32, #tpu.memory_space<vmem>>) target(%dma_start3A_282 : memref<40x128xf32, #tpu.memory_space<vmem_shared>>) target_semaphore(%run_scoped3A_274 : memref<!tpu.dma_semaphore, #tpu.memory_space<semaphore_mem>>)
        %dma_wait3A_287 = arith.constant 0 : i32
        %dma_wait3A_288 = arith.constant 0 : i32
        %dma_wait3A_289 = tpu.memref_slice %arg8[%run_scoped3A_261, %dma_wait3A_287, %dma_wait3A_288] : memref<7x40x128xf32, #tpu.memory_space<vmem>> -> memref<1x40x128xf32, #tpu.memory_space<vmem>>
        %dma_wait3A_290 = tpu.memref_squeeze %dma_wait3A_289 : memref<1x40x128xf32, #tpu.memory_space<vmem>> -> memref<40x128xf32, #tpu.memory_space<vmem>>
        %dma_wait3A_291 = arith.constant 0 : i32
        %dma_wait3A_292 = tpu.memref_slice %arg9[%add3A_260, %dma_wait3A_291] : memref<10000x128xf32, #tpu.memory_space<vmem_shared>> -> memref<40x128xf32, #tpu.memory_space<vmem_shared>>
        %dma_wait3A_293 = arith.constant 0 : i32
        %dma_wait3A_294 = tpu.memref_slice %arg9[%add3A_260, %dma_wait3A_293] : memref<10000x128xf32, #tpu.memory_space<vmem_shared>> -> memref<40x128xf32, #tpu.memory_space<vmem_shared>>
        %dma_wait3A_295 = arith.constant 0 : i32
        %dma_wait3A_296 = arith.constant 0 : i32
        %dma_wait3A_297 = tpu.memref_slice %arg8[%run_scoped3A_261, %dma_wait3A_295, %dma_wait3A_296] : memref<7x40x128xf32, #tpu.memory_space<vmem>> -> memref<1x40x128xf32, #tpu.memory_space<vmem>>
        %dma_wait3A_298 = tpu.memref_squeeze %dma_wait3A_297 : memref<1x40x128xf32, #tpu.memory_space<vmem>> -> memref<40x128xf32, #tpu.memory_space<vmem>>
        tpu.wait_dma2 semaphore(%run_scoped3A_274 : memref<!tpu.dma_semaphore, #tpu.memory_space<semaphore_mem>>) src(%dma_wait3A_298 : memref<40x128xf32, #tpu.memory_space<vmem>>) dst(%dma_wait3A_294 : memref<40x128xf32, #tpu.memory_space<vmem_shared>>)
        tpu.yield
      }) : () -> ()
      %add3A_262 = arith.constant 480 : i32
      %add3A_263 = arith.addi %multiple_of3A, %add3A_262 : i32
      %run_scoped3A_264 = arith.constant 0 : i32
      "tpu.region"() ({
        %run_scoped3A_274 = tpu.sem_alloc : memref<!tpu.dma_semaphore, #tpu.memory_space<semaphore_mem>>
        %dma_start3A_275 = arith.constant 0 : i32
        %dma_start3A_276 = arith.constant 0 : i32
        %dma_start3A_277 = tpu.memref_slice %arg8[%run_scoped3A_264, %dma_start3A_275, %dma_start3A_276] : memref<7x40x128xf32, #tpu.memory_space<vmem>> -> memref<1x40x128xf32, #tpu.memory_space<vmem>>
        %dma_start3A_278 = tpu.memref_squeeze %dma_start3A_277 : memref<1x40x128xf32, #tpu.memory_space<vmem>> -> memref<40x128xf32, #tpu.memory_space<vmem>>
        %dma_start3A_279 = arith.constant 0 : i32
        %dma_start3A_280 = tpu.memref_slice %arg9[%add3A_263, %dma_start3A_279] : memref<10000x128xf32, #tpu.memory_space<vmem_shared>> -> memref<40x128xf32, #tpu.memory_space<vmem_shared>>
        %dma_start3A_281 = arith.constant 0 : i32
        %dma_start3A_282 = tpu.memref_slice %arg9[%add3A_263, %dma_start3A_281] : memref<10000x128xf32, #tpu.memory_space<vmem_shared>> -> memref<40x128xf32, #tpu.memory_space<vmem_shared>>
        %dma_start3A_283 = arith.constant 0 : i32
        %dma_start3A_284 = arith.constant 0 : i32
        %dma_start3A_285 = tpu.memref_slice %arg8[%run_scoped3A_264, %dma_start3A_283, %dma_start3A_284] : memref<7x40x128xf32, #tpu.memory_space<vmem>> -> memref<1x40x128xf32, #tpu.memory_space<vmem>>
        %dma_start3A_286 = tpu.memref_squeeze %dma_start3A_285 : memref<1x40x128xf32, #tpu.memory_space<vmem>> -> memref<40x128xf32, #tpu.memory_space<vmem>>
        tpu.enqueue_dma source(%dma_start3A_286 : memref<40x128xf32, #tpu.memory_space<vmem>>) target(%dma_start3A_282 : memref<40x128xf32, #tpu.memory_space<vmem_shared>>) target_semaphore(%run_scoped3A_274 : memref<!tpu.dma_semaphore, #tpu.memory_space<semaphore_mem>>)
        %dma_wait3A_287 = arith.constant 0 : i32
        %dma_wait3A_288 = arith.constant 0 : i32
        %dma_wait3A_289 = tpu.memref_slice %arg8[%run_scoped3A_264, %dma_wait3A_287, %dma_wait3A_288] : memref<7x40x128xf32, #tpu.memory_space<vmem>> -> memref<1x40x128xf32, #tpu.memory_space<vmem>>
        %dma_wait3A_290 = tpu.memref_squeeze %dma_wait3A_289 : memref<1x40x128xf32, #tpu.memory_space<vmem>> -> memref<40x128xf32, #tpu.memory_space<vmem>>
        %dma_wait3A_291 = arith.constant 0 : i32
        %dma_wait3A_292 = tpu.memref_slice %arg9[%add3A_263, %dma_wait3A_291] : memref<10000x128xf32, #tpu.memory_space<vmem_shared>> -> memref<40x128xf32, #tpu.memory_space<vmem_shared>>
        %dma_wait3A_293 = arith.constant 0 : i32
        %dma_wait3A_294 = tpu.memref_slice %arg9[%add3A_263, %dma_wait3A_293] : memref<10000x128xf32, #tpu.memory_space<vmem_shared>> -> memref<40x128xf32, #tpu.memory_space<vmem_shared>>
        %dma_wait3A_295 = arith.constant 0 : i32
        %dma_wait3A_296 = arith.constant 0 : i32
        %dma_wait3A_297 = tpu.memref_slice %arg8[%run_scoped3A_264, %dma_wait3A_295, %dma_wait3A_296] : memref<7x40x128xf32, #tpu.memory_space<vmem>> -> memref<1x40x128xf32, #tpu.memory_space<vmem>>
        %dma_wait3A_298 = tpu.memref_squeeze %dma_wait3A_297 : memref<1x40x128xf32, #tpu.memory_space<vmem>> -> memref<40x128xf32, #tpu.memory_space<vmem>>
        tpu.wait_dma2 semaphore(%run_scoped3A_274 : memref<!tpu.dma_semaphore, #tpu.memory_space<semaphore_mem>>) src(%dma_wait3A_298 : memref<40x128xf32, #tpu.memory_space<vmem>>) dst(%dma_wait3A_294 : memref<40x128xf32, #tpu.memory_space<vmem_shared>>)
        tpu.yield
      }) : () -> ()
      %add3A_265 = arith.constant 520 : i32
      %add3A_266 = arith.addi %multiple_of3A, %add3A_265 : i32
      %run_scoped3A_267 = arith.constant 0 : i32
      "tpu.region"() ({
        %run_scoped3A_274 = tpu.sem_alloc : memref<!tpu.dma_semaphore, #tpu.memory_space<semaphore_mem>>
        %dma_start3A_275 = arith.constant 0 : i32
        %dma_start3A_276 = arith.constant 0 : i32
        %dma_start3A_277 = tpu.memref_slice %arg8[%run_scoped3A_267, %dma_start3A_275, %dma_start3A_276] : memref<7x40x128xf32, #tpu.memory_space<vmem>> -> memref<1x40x128xf32, #tpu.memory_space<vmem>>
        %dma_start3A_278 = tpu.memref_squeeze %dma_start3A_277 : memref<1x40x128xf32, #tpu.memory_space<vmem>> -> memref<40x128xf32, #tpu.memory_space<vmem>>
        %dma_start3A_279 = arith.constant 0 : i32
        %dma_start3A_280 = tpu.memref_slice %arg9[%add3A_266, %dma_start3A_279] : memref<10000x128xf32, #tpu.memory_space<vmem_shared>> -> memref<40x128xf32, #tpu.memory_space<vmem_shared>>
        %dma_start3A_281 = arith.constant 0 : i32
        %dma_start3A_282 = tpu.memref_slice %arg9[%add3A_266, %dma_start3A_281] : memref<10000x128xf32, #tpu.memory_space<vmem_shared>> -> memref<40x128xf32, #tpu.memory_space<vmem_shared>>
        %dma_start3A_283 = arith.constant 0 : i32
        %dma_start3A_284 = arith.constant 0 : i32
        %dma_start3A_285 = tpu.memref_slice %arg8[%run_scoped3A_267, %dma_start3A_283, %dma_start3A_284] : memref<7x40x128xf32, #tpu.memory_space<vmem>> -> memref<1x40x128xf32, #tpu.memory_space<vmem>>
        %dma_start3A_286 = tpu.memref_squeeze %dma_start3A_285 : memref<1x40x128xf32, #tpu.memory_space<vmem>> -> memref<40x128xf32, #tpu.memory_space<vmem>>
        tpu.enqueue_dma source(%dma_start3A_286 : memref<40x128xf32, #tpu.memory_space<vmem>>) target(%dma_start3A_282 : memref<40x128xf32, #tpu.memory_space<vmem_shared>>) target_semaphore(%run_scoped3A_274 : memref<!tpu.dma_semaphore, #tpu.memory_space<semaphore_mem>>)
        %dma_wait3A_287 = arith.constant 0 : i32
        %dma_wait3A_288 = arith.constant 0 : i32
        %dma_wait3A_289 = tpu.memref_slice %arg8[%run_scoped3A_267, %dma_wait3A_287, %dma_wait3A_288] : memref<7x40x128xf32, #tpu.memory_space<vmem>> -> memref<1x40x128xf32, #tpu.memory_space<vmem>>
        %dma_wait3A_290 = tpu.memref_squeeze %dma_wait3A_289 : memref<1x40x128xf32, #tpu.memory_space<vmem>> -> memref<40x128xf32, #tpu.memory_space<vmem>>
        %dma_wait3A_291 = arith.constant 0 : i32
        %dma_wait3A_292 = tpu.memref_slice %arg9[%add3A_266, %dma_wait3A_291] : memref<10000x128xf32, #tpu.memory_space<vmem_shared>> -> memref<40x128xf32, #tpu.memory_space<vmem_shared>>
        %dma_wait3A_293 = arith.constant 0 : i32
        %dma_wait3A_294 = tpu.memref_slice %arg9[%add3A_266, %dma_wait3A_293] : memref<10000x128xf32, #tpu.memory_space<vmem_shared>> -> memref<40x128xf32, #tpu.memory_space<vmem_shared>>
        %dma_wait3A_295 = arith.constant 0 : i32
        %dma_wait3A_296 = arith.constant 0 : i32
        %dma_wait3A_297 = tpu.memref_slice %arg8[%run_scoped3A_267, %dma_wait3A_295, %dma_wait3A_296] : memref<7x40x128xf32, #tpu.memory_space<vmem>> -> memref<1x40x128xf32, #tpu.memory_space<vmem>>
        %dma_wait3A_298 = tpu.memref_squeeze %dma_wait3A_297 : memref<1x40x128xf32, #tpu.memory_space<vmem>> -> memref<40x128xf32, #tpu.memory_space<vmem>>
        tpu.wait_dma2 semaphore(%run_scoped3A_274 : memref<!tpu.dma_semaphore, #tpu.memory_space<semaphore_mem>>) src(%dma_wait3A_298 : memref<40x128xf32, #tpu.memory_space<vmem>>) dst(%dma_wait3A_294 : memref<40x128xf32, #tpu.memory_space<vmem_shared>>)
        tpu.yield
      }) : () -> ()
      %add3A_268 = arith.constant 560 : i32
      %add3A_269 = arith.addi %multiple_of3A, %add3A_268 : i32
      %run_scoped3A_270 = arith.constant 0 : i32
      "tpu.region"() ({
        %run_scoped3A_274 = tpu.sem_alloc : memref<!tpu.dma_semaphore, #tpu.memory_space<semaphore_mem>>
        %dma_start3A_275 = arith.constant 0 : i32
        %dma_start3A_276 = arith.constant 0 : i32
        %dma_start3A_277 = tpu.memref_slice %arg8[%run_scoped3A_270, %dma_start3A_275, %dma_start3A_276] : memref<7x40x128xf32, #tpu.memory_space<vmem>> -> memref<1x40x128xf32, #tpu.memory_space<vmem>>
        %dma_start3A_278 = tpu.memref_squeeze %dma_start3A_277 : memref<1x40x128xf32, #tpu.memory_space<vmem>> -> memref<40x128xf32, #tpu.memory_space<vmem>>
        %dma_start3A_279 = arith.constant 0 : i32
        %dma_start3A_280 = tpu.memref_slice %arg9[%add3A_269, %dma_start3A_279] : memref<10000x128xf32, #tpu.memory_space<vmem_shared>> -> memref<40x128xf32, #tpu.memory_space<vmem_shared>>
        %dma_start3A_281 = arith.constant 0 : i32
        %dma_start3A_282 = tpu.memref_slice %arg9[%add3A_269, %dma_start3A_281] : memref<10000x128xf32, #tpu.memory_space<vmem_shared>> -> memref<40x128xf32, #tpu.memory_space<vmem_shared>>
        %dma_start3A_283 = arith.constant 0 : i32
        %dma_start3A_284 = arith.constant 0 : i32
        %dma_start3A_285 = tpu.memref_slice %arg8[%run_scoped3A_270, %dma_start3A_283, %dma_start3A_284] : memref<7x40x128xf32, #tpu.memory_space<vmem>> -> memref<1x40x128xf32, #tpu.memory_space<vmem>>
        %dma_start3A_286 = tpu.memref_squeeze %dma_start3A_285 : memref<1x40x128xf32, #tpu.memory_space<vmem>> -> memref<40x128xf32, #tpu.memory_space<vmem>>
        tpu.enqueue_dma source(%dma_start3A_286 : memref<40x128xf32, #tpu.memory_space<vmem>>) target(%dma_start3A_282 : memref<40x128xf32, #tpu.memory_space<vmem_shared>>) target_semaphore(%run_scoped3A_274 : memref<!tpu.dma_semaphore, #tpu.memory_space<semaphore_mem>>)
        %dma_wait3A_287 = arith.constant 0 : i32
        %dma_wait3A_288 = arith.constant 0 : i32
        %dma_wait3A_289 = tpu.memref_slice %arg8[%run_scoped3A_270, %dma_wait3A_287, %dma_wait3A_288] : memref<7x40x128xf32, #tpu.memory_space<vmem>> -> memref<1x40x128xf32, #tpu.memory_space<vmem>>
        %dma_wait3A_290 = tpu.memref_squeeze %dma_wait3A_289 : memref<1x40x128xf32, #tpu.memory_space<vmem>> -> memref<40x128xf32, #tpu.memory_space<vmem>>
        %dma_wait3A_291 = arith.constant 0 : i32
        %dma_wait3A_292 = tpu.memref_slice %arg9[%add3A_269, %dma_wait3A_291] : memref<10000x128xf32, #tpu.memory_space<vmem_shared>> -> memref<40x128xf32, #tpu.memory_space<vmem_shared>>
        %dma_wait3A_293 = arith.constant 0 : i32
        %dma_wait3A_294 = tpu.memref_slice %arg9[%add3A_269, %dma_wait3A_293] : memref<10000x128xf32, #tpu.memory_space<vmem_shared>> -> memref<40x128xf32, #tpu.memory_space<vmem_shared>>
        %dma_wait3A_295 = arith.constant 0 : i32
        %dma_wait3A_296 = arith.constant 0 : i32
        %dma_wait3A_297 = tpu.memref_slice %arg8[%run_scoped3A_270, %dma_wait3A_295, %dma_wait3A_296] : memref<7x40x128xf32, #tpu.memory_space<vmem>> -> memref<1x40x128xf32, #tpu.memory_space<vmem>>
        %dma_wait3A_298 = tpu.memref_squeeze %dma_wait3A_297 : memref<1x40x128xf32, #tpu.memory_space<vmem>> -> memref<40x128xf32, #tpu.memory_space<vmem>>
        tpu.wait_dma2 semaphore(%run_scoped3A_274 : memref<!tpu.dma_semaphore, #tpu.memory_space<semaphore_mem>>) src(%dma_wait3A_298 : memref<40x128xf32, #tpu.memory_space<vmem>>) dst(%dma_wait3A_294 : memref<40x128xf32, #tpu.memory_space<vmem_shared>>)
        tpu.yield
      }) : () -> ()
      %add3A_271 = arith.constant 600 : i32
      %add3A_272 = arith.addi %multiple_of3A, %add3A_271 : i32
      %run_scoped3A_273 = arith.constant 0 : i32
      "tpu.region"() ({
        %run_scoped3A_274 = tpu.sem_alloc : memref<!tpu.dma_semaphore, #tpu.memory_space<semaphore_mem>>
        %dma_start3A_275 = arith.constant 0 : i32
        %dma_start3A_276 = arith.constant 0 : i32
        %dma_start3A_277 = tpu.memref_slice %arg8[%run_scoped3A_273, %dma_start3A_275, %dma_start3A_276] : memref<7x40x128xf32, #tpu.memory_space<vmem>> -> memref<1x24x128xf32, #tpu.memory_space<vmem>>
        %dma_start3A_278 = tpu.memref_squeeze %dma_start3A_277 : memref<1x24x128xf32, #tpu.memory_space<vmem>> -> memref<24x128xf32, #tpu.memory_space<vmem>>
        %dma_start3A_279 = arith.constant 0 : i32
        %dma_start3A_280 = tpu.memref_slice %arg9[%add3A_272, %dma_start3A_279] : memref<10000x128xf32, #tpu.memory_space<vmem_shared>> -> memref<24x128xf32, #tpu.memory_space<vmem_shared>>
        %dma_start3A_281 = arith.constant 0 : i32
        %dma_start3A_282 = tpu.memref_slice %arg9[%add3A_272, %dma_start3A_281] : memref<10000x128xf32, #tpu.memory_space<vmem_shared>> -> memref<24x128xf32, #tpu.memory_space<vmem_shared>>
        %dma_start3A_283 = arith.constant 0 : i32
        %dma_start3A_284 = arith.constant 0 : i32
        %dma_start3A_285 = tpu.memref_slice %arg8[%run_scoped3A_273, %dma_start3A_283, %dma_start3A_284] : memref<7x40x128xf32, #tpu.memory_space<vmem>> -> memref<1x24x128xf32, #tpu.memory_space<vmem>>
        %dma_start3A_286 = tpu.memref_squeeze %dma_start3A_285 : memref<1x24x128xf32, #tpu.memory_space<vmem>> -> memref<24x128xf32, #tpu.memory_space<vmem>>
        tpu.enqueue_dma source(%dma_start3A_286 : memref<24x128xf32, #tpu.memory_space<vmem>>) target(%dma_start3A_282 : memref<24x128xf32, #tpu.memory_space<vmem_shared>>) target_semaphore(%run_scoped3A_274 : memref<!tpu.dma_semaphore, #tpu.memory_space<semaphore_mem>>)
        %dma_wait3A_287 = arith.constant 0 : i32
        %dma_wait3A_288 = arith.constant 0 : i32
        %dma_wait3A_289 = tpu.memref_slice %arg8[%run_scoped3A_273, %dma_wait3A_287, %dma_wait3A_288] : memref<7x40x128xf32, #tpu.memory_space<vmem>> -> memref<1x24x128xf32, #tpu.memory_space<vmem>>
        %dma_wait3A_290 = tpu.memref_squeeze %dma_wait3A_289 : memref<1x24x128xf32, #tpu.memory_space<vmem>> -> memref<24x128xf32, #tpu.memory_space<vmem>>
        %dma_wait3A_291 = arith.constant 0 : i32
        %dma_wait3A_292 = tpu.memref_slice %arg9[%add3A_272, %dma_wait3A_291] : memref<10000x128xf32, #tpu.memory_space<vmem_shared>> -> memref<24x128xf32, #tpu.memory_space<vmem_shared>>
        %dma_wait3A_293 = arith.constant 0 : i32
        %dma_wait3A_294 = tpu.memref_slice %arg9[%add3A_272, %dma_wait3A_293] : memref<10000x128xf32, #tpu.memory_space<vmem_shared>> -> memref<24x128xf32, #tpu.memory_space<vmem_shared>>
        %dma_wait3A_295 = arith.constant 0 : i32
        %dma_wait3A_296 = arith.constant 0 : i32
        %dma_wait3A_297 = tpu.memref_slice %arg8[%run_scoped3A_273, %dma_wait3A_295, %dma_wait3A_296] : memref<7x40x128xf32, #tpu.memory_space<vmem>> -> memref<1x24x128xf32, #tpu.memory_space<vmem>>
        %dma_wait3A_298 = tpu.memref_squeeze %dma_wait3A_297 : memref<1x24x128xf32, #tpu.memory_space<vmem>> -> memref<24x128xf32, #tpu.memory_space<vmem>>
        tpu.wait_dma2 semaphore(%run_scoped3A_274 : memref<!tpu.dma_semaphore, #tpu.memory_space<semaphore_mem>>) src(%dma_wait3A_298 : memref<24x128xf32, #tpu.memory_space<vmem>>) dst(%dma_wait3A_294 : memref<24x128xf32, #tpu.memory_space<vmem_shared>>)
        tpu.yield
      }) : () -> ()
    } else {
    }
    %eq3A_17 = arith.constant 1 : i32
    %eq3A_18 = arith.cmpi eq, %arg0, %eq3A_17 : i32
    %and3A_19 = arith.andi %eq3A_18, %eq3A_3 : i1
    %convert_element_type3A_20 = arith.extui %and3A_19 : i1 to i32
    %cond3A_21 = arith.constant 0 : i32
    %cond3A_22 = arith.cmpi ne, %convert_element_type3A_20, %cond3A_21 : i32
    scf.if %cond3A_22 {
      %run_scoped3A = arith.constant 0 : i32
      "tpu.region"() ({
        %run_scoped3A_221 = tpu.sem_alloc : memref<!tpu.dma_semaphore, #tpu.memory_space<semaphore_mem>>
        %dma_start3A_222 = arith.constant 0 : i32
        %dma_start3A_223 = arith.constant 0 : i32
        %dma_start3A_224 = tpu.memref_slice %arg8[%run_scoped3A, %dma_start3A_222, %dma_start3A_223] : memref<7x40x128xf32, #tpu.memory_space<vmem>> -> memref<1x16x128xf32, #tpu.memory_space<vmem>>
        %dma_start3A_225 = tpu.memref_squeeze %dma_start3A_224 : memref<1x16x128xf32, #tpu.memory_space<vmem>> -> memref<16x128xf32, #tpu.memory_space<vmem>>
        %dma_start3A_226 = arith.constant 9984 : i32
        %dma_start3A_227 = arith.constant 0 : i32
        %dma_start3A_228 = tpu.memref_slice %arg9[%dma_start3A_226, %dma_start3A_227] : memref<10000x128xf32, #tpu.memory_space<vmem_shared>> -> memref<16x128xf32, #tpu.memory_space<vmem_shared>>
        %dma_start3A_229 = arith.constant 9984 : i32
        %dma_start3A_230 = arith.constant 0 : i32
        %dma_start3A_231 = tpu.memref_slice %arg9[%dma_start3A_229, %dma_start3A_230] : memref<10000x128xf32, #tpu.memory_space<vmem_shared>> -> memref<16x128xf32, #tpu.memory_space<vmem_shared>>
        %dma_start3A_232 = arith.constant 0 : i32
        %dma_start3A_233 = arith.constant 0 : i32
        %dma_start3A_234 = tpu.memref_slice %arg8[%run_scoped3A, %dma_start3A_232, %dma_start3A_233] : memref<7x40x128xf32, #tpu.memory_space<vmem>> -> memref<1x16x128xf32, #tpu.memory_space<vmem>>
        %dma_start3A_235 = tpu.memref_squeeze %dma_start3A_234 : memref<1x16x128xf32, #tpu.memory_space<vmem>> -> memref<16x128xf32, #tpu.memory_space<vmem>>
        tpu.enqueue_dma source(%dma_start3A_235 : memref<16x128xf32, #tpu.memory_space<vmem>>) target(%dma_start3A_231 : memref<16x128xf32, #tpu.memory_space<vmem_shared>>) target_semaphore(%run_scoped3A_221 : memref<!tpu.dma_semaphore, #tpu.memory_space<semaphore_mem>>)
        %dma_wait3A_236 = arith.constant 0 : i32
        %dma_wait3A_237 = arith.constant 0 : i32
        %dma_wait3A_238 = tpu.memref_slice %arg8[%run_scoped3A, %dma_wait3A_236, %dma_wait3A_237] : memref<7x40x128xf32, #tpu.memory_space<vmem>> -> memref<1x16x128xf32, #tpu.memory_space<vmem>>
        %dma_wait3A_239 = tpu.memref_squeeze %dma_wait3A_238 : memref<1x16x128xf32, #tpu.memory_space<vmem>> -> memref<16x128xf32, #tpu.memory_space<vmem>>
        %dma_wait3A_240 = arith.constant 9984 : i32
        %dma_wait3A_241 = arith.constant 0 : i32
        %dma_wait3A_242 = tpu.memref_slice %arg9[%dma_wait3A_240, %dma_wait3A_241] : memref<10000x128xf32, #tpu.memory_space<vmem_shared>> -> memref<16x128xf32, #tpu.memory_space<vmem_shared>>
        %dma_wait3A_243 = arith.constant 9984 : i32
        %dma_wait3A_244 = arith.constant 0 : i32
        %dma_wait3A_245 = tpu.memref_slice %arg9[%dma_wait3A_243, %dma_wait3A_244] : memref<10000x128xf32, #tpu.memory_space<vmem_shared>> -> memref<16x128xf32, #tpu.memory_space<vmem_shared>>
        %dma_wait3A_246 = arith.constant 0 : i32
        %dma_wait3A_247 = arith.constant 0 : i32
        %dma_wait3A_248 = tpu.memref_slice %arg8[%run_scoped3A, %dma_wait3A_246, %dma_wait3A_247] : memref<7x40x128xf32, #tpu.memory_space<vmem>> -> memref<1x16x128xf32, #tpu.memory_space<vmem>>
        %dma_wait3A_249 = tpu.memref_squeeze %dma_wait3A_248 : memref<1x16x128xf32, #tpu.memory_space<vmem>> -> memref<16x128xf32, #tpu.memory_space<vmem>>
        tpu.wait_dma2 semaphore(%run_scoped3A_221 : memref<!tpu.dma_semaphore, #tpu.memory_space<semaphore_mem>>) src(%dma_wait3A_249 : memref<16x128xf32, #tpu.memory_space<vmem>>) dst(%dma_wait3A_245 : memref<16x128xf32, #tpu.memory_space<vmem_shared>>)
        tpu.yield
      }) : () -> ()
    } else {
    }
    %mul3A_23 = arith.constant 10000 : i32
    %mul3A_24 = arith.muli %add3A, %mul3A_23 : i32
    "tpu.region"() ({
      %run_scoped3A = tpu.sem_alloc : memref<!tpu.dma_semaphore, #tpu.memory_space<semaphore_mem>>
      %dma_start3A_221 = tpu.memref_slice %arg3[%mul3A_24] : memref<320000xi32, #tpu.memory_space<hbm>> -> memref<10000xi32, #tpu.memory_space<hbm>>
      %dma_start3A_222 = tpu.memref_slice %arg3[%mul3A_24] : memref<320000xi32, #tpu.memory_space<hbm>> -> memref<10000xi32, #tpu.memory_space<hbm>>
      tpu.enqueue_dma source(%dma_start3A_222 : memref<10000xi32, #tpu.memory_space<hbm>>) target(%arg6 : memref<10000xi32, #tpu.memory_space<vmem>>) target_semaphore(%run_scoped3A : memref<!tpu.dma_semaphore, #tpu.memory_space<semaphore_mem>>)
      %dma_wait3A_223 = tpu.memref_slice %arg3[%mul3A_24] : memref<320000xi32, #tpu.memory_space<hbm>> -> memref<10000xi32, #tpu.memory_space<hbm>>
      %dma_wait3A_224 = tpu.memref_slice %arg3[%mul3A_24] : memref<320000xi32, #tpu.memory_space<hbm>> -> memref<10000xi32, #tpu.memory_space<hbm>>
      tpu.wait_dma2 semaphore(%run_scoped3A : memref<!tpu.dma_semaphore, #tpu.memory_space<semaphore_mem>>) src(%dma_wait3A_224 : memref<10000xi32, #tpu.memory_space<hbm>>) dst(%arg6 : memref<10000xi32, #tpu.memory_space<vmem>>)
      tpu.yield
    }) : () -> ()
    %barrier3A = arith.constant 0 : index
    tpu.barrier barrier_id(%barrier3A)
    %rem3A = arith.constant 0 : i32
    %rem3A_25 = arith.constant 7 : i32
    %rem3A_26 = arith.remsi %rem3A, %rem3A_25 : i32
    %mul3A_27 = arith.constant 10000 : i32
    %mul3A_28 = arith.muli %add3A, %mul3A_27 : i32
    %add3A_29 = arith.constant 0 : i32
    %add3A_30 = arith.addi %mul3A_28, %add3A_29 : i32
    %dma_start3A = arith.constant 0 : i32
    %dma_start3A_31 = tpu.memref_slice %arg7[%rem3A_26, %dma_start3A] : memref<7x40xi32, #tpu.memory_space<vmem>> -> memref<1x40xi32, #tpu.memory_space<vmem>>
    %dma_start3A_32 = tpu.memref_squeeze %dma_start3A_31 : memref<1x40xi32, #tpu.memory_space<vmem>> -> memref<40xi32, #tpu.memory_space<vmem>>
    %dma_start3A_33 = tpu.memref_slice %arg4[%add3A_30] : memref<320000xi32, #tpu.memory_space<hbm>> -> memref<40xi32, #tpu.memory_space<hbm>>
    %dma_start3A_34 = tpu.memref_slice %arg11[%rem3A_26] : memref<7x!tpu.dma_semaphore, #tpu.memory_space<semaphore_mem>> -> memref<1x!tpu.dma_semaphore, #tpu.memory_space<semaphore_mem>>
    %dma_start3A_35 = tpu.memref_squeeze %dma_start3A_34 : memref<1x!tpu.dma_semaphore, #tpu.memory_space<semaphore_mem>> -> memref<!tpu.dma_semaphore, #tpu.memory_space<semaphore_mem>>
    %dma_start3A_36 = arith.constant 0 : i32
    %dma_start3A_37 = tpu.memref_slice %arg7[%rem3A_26, %dma_start3A_36] : memref<7x40xi32, #tpu.memory_space<vmem>> -> memref<1x40xi32, #tpu.memory_space<vmem>>
    %dma_start3A_38 = tpu.memref_squeeze %dma_start3A_37 : memref<1x40xi32, #tpu.memory_space<vmem>> -> memref<40xi32, #tpu.memory_space<vmem>>
    %dma_start3A_39 = tpu.memref_slice %arg4[%add3A_30] : memref<320000xi32, #tpu.memory_space<hbm>> -> memref<40xi32, #tpu.memory_space<hbm>>
    tpu.enqueue_dma source(%dma_start3A_39 : memref<40xi32, #tpu.memory_space<hbm>>) target(%dma_start3A_38 : memref<40xi32, #tpu.memory_space<vmem>>) target_semaphore(%dma_start3A_35 : memref<!tpu.dma_semaphore, #tpu.memory_space<semaphore_mem>>)
    %mul3A_40 = arith.constant 1 : i32
    %mul3A_41 = arith.muli %mul3A_40, %rem3A_26 : i32
    %add3A_42 = arith.constant 0 : i32
    %add3A_43 = arith.addi %mul3A_41, %add3A_42 : i32
    %dma_start3A_44 = arith.constant 0 : i32
    %dma_start3A_45 = arith.constant 0 : i32
    %dma_start3A_46 = tpu.memref_slice %arg8[%rem3A_26, %dma_start3A_44, %dma_start3A_45] : memref<7x40x128xf32, #tpu.memory_space<vmem>> -> memref<1x40x128xf32, #tpu.memory_space<vmem>>
    %dma_start3A_47 = tpu.memref_squeeze %dma_start3A_46 : memref<1x40x128xf32, #tpu.memory_space<vmem>> -> memref<40x128xf32, #tpu.memory_space<vmem>>
    %dma_start3A_48 = arith.constant 0 : i32
    %dma_start3A_49 = tpu.memref_slice %arg6[%dma_start3A_48] : memref<10000xi32, #tpu.memory_space<vmem>> -> memref<40xi32, #tpu.memory_space<vmem>>
    %dma_start3A_50 = arith.constant 0 : i32
    %dma_start3A_51 = arith.constant 0 : i32
    %dma_start3A_52 = tpu.memref_slice %arg2[%dma_start3A_50, %dma_start3A_51] : memref<10000x128xf32, #tpu.memory_space<hbm>> -> memref<10000x128xf32, #tpu.memory_space<hbm>>
    %dma_start3A_53 = tpu.memref_slice %arg10[%add3A_43] : memref<7x!tpu.dma_semaphore, #tpu.memory_space<semaphore_mem>> -> memref<1x!tpu.dma_semaphore, #tpu.memory_space<semaphore_mem>>
    %dma_start3A_54 = tpu.memref_squeeze %dma_start3A_53 : memref<1x!tpu.dma_semaphore, #tpu.memory_space<semaphore_mem>> -> memref<!tpu.dma_semaphore, #tpu.memory_space<semaphore_mem>>
    tpu.enqueue_indirect_dma source(%dma_start3A_52 : memref<10000x128xf32, #tpu.memory_space<hbm>>) target(%dma_start3A_47 : memref<40x128xf32, #tpu.memory_space<vmem>>) offsets(%dma_start3A_49 : memref<40xi32, #tpu.memory_space<vmem>>) semaphore(%dma_start3A_54 : memref<!tpu.dma_semaphore, #tpu.memory_space<semaphore_mem>>)
    %rem3A_55 = arith.constant 1 : i32
    %rem3A_56 = arith.constant 7 : i32
    %rem3A_57 = arith.remsi %rem3A_55, %rem3A_56 : i32
    %mul3A_58 = arith.constant 10000 : i32
    %mul3A_59 = arith.muli %add3A, %mul3A_58 : i32
    %add3A_60 = arith.constant 40 : i32
    %add3A_61 = arith.addi %mul3A_59, %add3A_60 : i32
    %dma_start3A_62 = arith.constant 0 : i32
    %dma_start3A_63 = tpu.memref_slice %arg7[%rem3A_57, %dma_start3A_62] : memref<7x40xi32, #tpu.memory_space<vmem>> -> memref<1x40xi32, #tpu.memory_space<vmem>>
    %dma_start3A_64 = tpu.memref_squeeze %dma_start3A_63 : memref<1x40xi32, #tpu.memory_space<vmem>> -> memref<40xi32, #tpu.memory_space<vmem>>
    %dma_start3A_65 = tpu.memref_slice %arg4[%add3A_61] : memref<320000xi32, #tpu.memory_space<hbm>> -> memref<40xi32, #tpu.memory_space<hbm>>
    %dma_start3A_66 = tpu.memref_slice %arg11[%rem3A_57] : memref<7x!tpu.dma_semaphore, #tpu.memory_space<semaphore_mem>> -> memref<1x!tpu.dma_semaphore, #tpu.memory_space<semaphore_mem>>
    %dma_start3A_67 = tpu.memref_squeeze %dma_start3A_66 : memref<1x!tpu.dma_semaphore, #tpu.memory_space<semaphore_mem>> -> memref<!tpu.dma_semaphore, #tpu.memory_space<semaphore_mem>>
    %dma_start3A_68 = arith.constant 0 : i32
    %dma_start3A_69 = tpu.memref_slice %arg7[%rem3A_57, %dma_start3A_68] : memref<7x40xi32, #tpu.memory_space<vmem>> -> memref<1x40xi32, #tpu.memory_space<vmem>>
    %dma_start3A_70 = tpu.memref_squeeze %dma_start3A_69 : memref<1x40xi32, #tpu.memory_space<vmem>> -> memref<40xi32, #tpu.memory_space<vmem>>
    %dma_start3A_71 = tpu.memref_slice %arg4[%add3A_61] : memref<320000xi32, #tpu.memory_space<hbm>> -> memref<40xi32, #tpu.memory_space<hbm>>
    tpu.enqueue_dma source(%dma_start3A_71 : memref<40xi32, #tpu.memory_space<hbm>>) target(%dma_start3A_70 : memref<40xi32, #tpu.memory_space<vmem>>) target_semaphore(%dma_start3A_67 : memref<!tpu.dma_semaphore, #tpu.memory_space<semaphore_mem>>)
    %mul3A_72 = arith.constant 1 : i32
    %mul3A_73 = arith.muli %mul3A_72, %rem3A_57 : i32
    %add3A_74 = arith.constant 0 : i32
    %add3A_75 = arith.addi %mul3A_73, %add3A_74 : i32
    %dma_start3A_76 = arith.constant 0 : i32
    %dma_start3A_77 = arith.constant 0 : i32
    %dma_start3A_78 = tpu.memref_slice %arg8[%rem3A_57, %dma_start3A_76, %dma_start3A_77] : memref<7x40x128xf32, #tpu.memory_space<vmem>> -> memref<1x40x128xf32, #tpu.memory_space<vmem>>
    %dma_start3A_79 = tpu.memref_squeeze %dma_start3A_78 : memref<1x40x128xf32, #tpu.memory_space<vmem>> -> memref<40x128xf32, #tpu.memory_space<vmem>>
    %dma_start3A_80 = arith.constant 40 : i32
    %dma_start3A_81 = tpu.memref_slice %arg6[%dma_start3A_80] : memref<10000xi32, #tpu.memory_space<vmem>> -> memref<40xi32, #tpu.memory_space<vmem>>
    %dma_start3A_82 = arith.constant 0 : i32
    %dma_start3A_83 = arith.constant 0 : i32
    %dma_start3A_84 = tpu.memref_slice %arg2[%dma_start3A_82, %dma_start3A_83] : memref<10000x128xf32, #tpu.memory_space<hbm>> -> memref<10000x128xf32, #tpu.memory_space<hbm>>
    %dma_start3A_85 = tpu.memref_slice %arg10[%add3A_75] : memref<7x!tpu.dma_semaphore, #tpu.memory_space<semaphore_mem>> -> memref<1x!tpu.dma_semaphore, #tpu.memory_space<semaphore_mem>>
    %dma_start3A_86 = tpu.memref_squeeze %dma_start3A_85 : memref<1x!tpu.dma_semaphore, #tpu.memory_space<semaphore_mem>> -> memref<!tpu.dma_semaphore, #tpu.memory_space<semaphore_mem>>
    tpu.enqueue_indirect_dma source(%dma_start3A_84 : memref<10000x128xf32, #tpu.memory_space<hbm>>) target(%dma_start3A_79 : memref<40x128xf32, #tpu.memory_space<vmem>>) offsets(%dma_start3A_81 : memref<40xi32, #tpu.memory_space<vmem>>) semaphore(%dma_start3A_86 : memref<!tpu.dma_semaphore, #tpu.memory_space<semaphore_mem>>)
    %rem3A_87 = arith.constant 2 : i32
    %rem3A_88 = arith.constant 7 : i32
    %rem3A_89 = arith.remsi %rem3A_87, %rem3A_88 : i32
    %mul3A_90 = arith.constant 10000 : i32
    %mul3A_91 = arith.muli %add3A, %mul3A_90 : i32
    %add3A_92 = arith.constant 80 : i32
    %add3A_93 = arith.addi %mul3A_91, %add3A_92 : i32
    %dma_start3A_94 = arith.constant 0 : i32
    %dma_start3A_95 = tpu.memref_slice %arg7[%rem3A_89, %dma_start3A_94] : memref<7x40xi32, #tpu.memory_space<vmem>> -> memref<1x40xi32, #tpu.memory_space<vmem>>
    %dma_start3A_96 = tpu.memref_squeeze %dma_start3A_95 : memref<1x40xi32, #tpu.memory_space<vmem>> -> memref<40xi32, #tpu.memory_space<vmem>>
    %dma_start3A_97 = tpu.memref_slice %arg4[%add3A_93] : memref<320000xi32, #tpu.memory_space<hbm>> -> memref<40xi32, #tpu.memory_space<hbm>>
    %dma_start3A_98 = tpu.memref_slice %arg11[%rem3A_89] : memref<7x!tpu.dma_semaphore, #tpu.memory_space<semaphore_mem>> -> memref<1x!tpu.dma_semaphore, #tpu.memory_space<semaphore_mem>>
    %dma_start3A_99 = tpu.memref_squeeze %dma_start3A_98 : memref<1x!tpu.dma_semaphore, #tpu.memory_space<semaphore_mem>> -> memref<!tpu.dma_semaphore, #tpu.memory_space<semaphore_mem>>
    %dma_start3A_100 = arith.constant 0 : i32
    %dma_start3A_101 = tpu.memref_slice %arg7[%rem3A_89, %dma_start3A_100] : memref<7x40xi32, #tpu.memory_space<vmem>> -> memref<1x40xi32, #tpu.memory_space<vmem>>
    %dma_start3A_102 = tpu.memref_squeeze %dma_start3A_101 : memref<1x40xi32, #tpu.memory_space<vmem>> -> memref<40xi32, #tpu.memory_space<vmem>>
    %dma_start3A_103 = tpu.memref_slice %arg4[%add3A_93] : memref<320000xi32, #tpu.memory_space<hbm>> -> memref<40xi32, #tpu.memory_space<hbm>>
    tpu.enqueue_dma source(%dma_start3A_103 : memref<40xi32, #tpu.memory_space<hbm>>) target(%dma_start3A_102 : memref<40xi32, #tpu.memory_space<vmem>>) target_semaphore(%dma_start3A_99 : memref<!tpu.dma_semaphore, #tpu.memory_space<semaphore_mem>>)
    %mul3A_104 = arith.constant 1 : i32
    %mul3A_105 = arith.muli %mul3A_104, %rem3A_89 : i32
    %add3A_106 = arith.constant 0 : i32
    %add3A_107 = arith.addi %mul3A_105, %add3A_106 : i32
    %dma_start3A_108 = arith.constant 0 : i32
    %dma_start3A_109 = arith.constant 0 : i32
    %dma_start3A_110 = tpu.memref_slice %arg8[%rem3A_89, %dma_start3A_108, %dma_start3A_109] : memref<7x40x128xf32, #tpu.memory_space<vmem>> -> memref<1x40x128xf32, #tpu.memory_space<vmem>>
    %dma_start3A_111 = tpu.memref_squeeze %dma_start3A_110 : memref<1x40x128xf32, #tpu.memory_space<vmem>> -> memref<40x128xf32, #tpu.memory_space<vmem>>
    %dma_start3A_112 = arith.constant 80 : i32
    %dma_start3A_113 = tpu.memref_slice %arg6[%dma_start3A_112] : memref<10000xi32, #tpu.memory_space<vmem>> -> memref<40xi32, #tpu.memory_space<vmem>>
    %dma_start3A_114 = arith.constant 0 : i32
    %dma_start3A_115 = arith.constant 0 : i32
    %dma_start3A_116 = tpu.memref_slice %arg2[%dma_start3A_114, %dma_start3A_115] : memref<10000x128xf32, #tpu.memory_space<hbm>> -> memref<10000x128xf32, #tpu.memory_space<hbm>>
    %dma_start3A_117 = tpu.memref_slice %arg10[%add3A_107] : memref<7x!tpu.dma_semaphore, #tpu.memory_space<semaphore_mem>> -> memref<1x!tpu.dma_semaphore, #tpu.memory_space<semaphore_mem>>
    %dma_start3A_118 = tpu.memref_squeeze %dma_start3A_117 : memref<1x!tpu.dma_semaphore, #tpu.memory_space<semaphore_mem>> -> memref<!tpu.dma_semaphore, #tpu.memory_space<semaphore_mem>>
    tpu.enqueue_indirect_dma source(%dma_start3A_116 : memref<10000x128xf32, #tpu.memory_space<hbm>>) target(%dma_start3A_111 : memref<40x128xf32, #tpu.memory_space<vmem>>) offsets(%dma_start3A_113 : memref<40xi32, #tpu.memory_space<vmem>>) semaphore(%dma_start3A_118 : memref<!tpu.dma_semaphore, #tpu.memory_space<semaphore_mem>>)
    %rem3A_119 = arith.constant 3 : i32
    %rem3A_120 = arith.constant 7 : i32
    %rem3A_121 = arith.remsi %rem3A_119, %rem3A_120 : i32
    %mul3A_122 = arith.constant 10000 : i32
    %mul3A_123 = arith.muli %add3A, %mul3A_122 : i32
    %add3A_124 = arith.constant 120 : i32
    %add3A_125 = arith.addi %mul3A_123, %add3A_124 : i32
    %dma_start3A_126 = arith.constant 0 : i32
    %dma_start3A_127 = tpu.memref_slice %arg7[%rem3A_121, %dma_start3A_126] : memref<7x40xi32, #tpu.memory_space<vmem>> -> memref<1x40xi32, #tpu.memory_space<vmem>>
    %dma_start3A_128 = tpu.memref_squeeze %dma_start3A_127 : memref<1x40xi32, #tpu.memory_space<vmem>> -> memref<40xi32, #tpu.memory_space<vmem>>
    %dma_start3A_129 = tpu.memref_slice %arg4[%add3A_125] : memref<320000xi32, #tpu.memory_space<hbm>> -> memref<40xi32, #tpu.memory_space<hbm>>
    %dma_start3A_130 = tpu.memref_slice %arg11[%rem3A_121] : memref<7x!tpu.dma_semaphore, #tpu.memory_space<semaphore_mem>> -> memref<1x!tpu.dma_semaphore, #tpu.memory_space<semaphore_mem>>
    %dma_start3A_131 = tpu.memref_squeeze %dma_start3A_130 : memref<1x!tpu.dma_semaphore, #tpu.memory_space<semaphore_mem>> -> memref<!tpu.dma_semaphore, #tpu.memory_space<semaphore_mem>>
    %dma_start3A_132 = arith.constant 0 : i32
    %dma_start3A_133 = tpu.memref_slice %arg7[%rem3A_121, %dma_start3A_132] : memref<7x40xi32, #tpu.memory_space<vmem>> -> memref<1x40xi32, #tpu.memory_space<vmem>>
    %dma_start3A_134 = tpu.memref_squeeze %dma_start3A_133 : memref<1x40xi32, #tpu.memory_space<vmem>> -> memref<40xi32, #tpu.memory_space<vmem>>
    %dma_start3A_135 = tpu.memref_slice %arg4[%add3A_125] : memref<320000xi32, #tpu.memory_space<hbm>> -> memref<40xi32, #tpu.memory_space<hbm>>
    tpu.enqueue_dma source(%dma_start3A_135 : memref<40xi32, #tpu.memory_space<hbm>>) target(%dma_start3A_134 : memref<40xi32, #tpu.memory_space<vmem>>) target_semaphore(%dma_start3A_131 : memref<!tpu.dma_semaphore, #tpu.memory_space<semaphore_mem>>)
    %mul3A_136 = arith.constant 1 : i32
    %mul3A_137 = arith.muli %mul3A_136, %rem3A_121 : i32
    %add3A_138 = arith.constant 0 : i32
    %add3A_139 = arith.addi %mul3A_137, %add3A_138 : i32
    %dma_start3A_140 = arith.constant 0 : i32
    %dma_start3A_141 = arith.constant 0 : i32
    %dma_start3A_142 = tpu.memref_slice %arg8[%rem3A_121, %dma_start3A_140, %dma_start3A_141] : memref<7x40x128xf32, #tpu.memory_space<vmem>> -> memref<1x40x128xf32, #tpu.memory_space<vmem>>
    %dma_start3A_143 = tpu.memref_squeeze %dma_start3A_142 : memref<1x40x128xf32, #tpu.memory_space<vmem>> -> memref<40x128xf32, #tpu.memory_space<vmem>>
    %dma_start3A_144 = arith.constant 120 : i32
    %dma_start3A_145 = tpu.memref_slice %arg6[%dma_start3A_144] : memref<10000xi32, #tpu.memory_space<vmem>> -> memref<40xi32, #tpu.memory_space<vmem>>
    %dma_start3A_146 = arith.constant 0 : i32
    %dma_start3A_147 = arith.constant 0 : i32
    %dma_start3A_148 = tpu.memref_slice %arg2[%dma_start3A_146, %dma_start3A_147] : memref<10000x128xf32, #tpu.memory_space<hbm>> -> memref<10000x128xf32, #tpu.memory_space<hbm>>
    %dma_start3A_149 = tpu.memref_slice %arg10[%add3A_139] : memref<7x!tpu.dma_semaphore, #tpu.memory_space<semaphore_mem>> -> memref<1x!tpu.dma_semaphore, #tpu.memory_space<semaphore_mem>>
    %dma_start3A_150 = tpu.memref_squeeze %dma_start3A_149 : memref<1x!tpu.dma_semaphore, #tpu.memory_space<semaphore_mem>> -> memref<!tpu.dma_semaphore, #tpu.memory_space<semaphore_mem>>
    tpu.enqueue_indirect_dma source(%dma_start3A_148 : memref<10000x128xf32, #tpu.memory_space<hbm>>) target(%dma_start3A_143 : memref<40x128xf32, #tpu.memory_space<vmem>>) offsets(%dma_start3A_145 : memref<40xi32, #tpu.memory_space<vmem>>) semaphore(%dma_start3A_150 : memref<!tpu.dma_semaphore, #tpu.memory_space<semaphore_mem>>)
    %rem3A_151 = arith.constant 4 : i32
    %rem3A_152 = arith.constant 7 : i32
    %rem3A_153 = arith.remsi %rem3A_151, %rem3A_152 : i32
    %mul3A_154 = arith.constant 10000 : i32
    %mul3A_155 = arith.muli %add3A, %mul3A_154 : i32
    %add3A_156 = arith.constant 160 : i32
    %add3A_157 = arith.addi %mul3A_155, %add3A_156 : i32
    %dma_start3A_158 = arith.constant 0 : i32
    %dma_start3A_159 = tpu.memref_slice %arg7[%rem3A_153, %dma_start3A_158] : memref<7x40xi32, #tpu.memory_space<vmem>> -> memref<1x40xi32, #tpu.memory_space<vmem>>
    %dma_start3A_160 = tpu.memref_squeeze %dma_start3A_159 : memref<1x40xi32, #tpu.memory_space<vmem>> -> memref<40xi32, #tpu.memory_space<vmem>>
    %dma_start3A_161 = tpu.memref_slice %arg4[%add3A_157] : memref<320000xi32, #tpu.memory_space<hbm>> -> memref<40xi32, #tpu.memory_space<hbm>>
    %dma_start3A_162 = tpu.memref_slice %arg11[%rem3A_153] : memref<7x!tpu.dma_semaphore, #tpu.memory_space<semaphore_mem>> -> memref<1x!tpu.dma_semaphore, #tpu.memory_space<semaphore_mem>>
    %dma_start3A_163 = tpu.memref_squeeze %dma_start3A_162 : memref<1x!tpu.dma_semaphore, #tpu.memory_space<semaphore_mem>> -> memref<!tpu.dma_semaphore, #tpu.memory_space<semaphore_mem>>
    %dma_start3A_164 = arith.constant 0 : i32
    %dma_start3A_165 = tpu.memref_slice %arg7[%rem3A_153, %dma_start3A_164] : memref<7x40xi32, #tpu.memory_space<vmem>> -> memref<1x40xi32, #tpu.memory_space<vmem>>
    %dma_start3A_166 = tpu.memref_squeeze %dma_start3A_165 : memref<1x40xi32, #tpu.memory_space<vmem>> -> memref<40xi32, #tpu.memory_space<vmem>>
    %dma_start3A_167 = tpu.memref_slice %arg4[%add3A_157] : memref<320000xi32, #tpu.memory_space<hbm>> -> memref<40xi32, #tpu.memory_space<hbm>>
    tpu.enqueue_dma source(%dma_start3A_167 : memref<40xi32, #tpu.memory_space<hbm>>) target(%dma_start3A_166 : memref<40xi32, #tpu.memory_space<vmem>>) target_semaphore(%dma_start3A_163 : memref<!tpu.dma_semaphore, #tpu.memory_space<semaphore_mem>>)
    %mul3A_168 = arith.constant 1 : i32
    %mul3A_169 = arith.muli %mul3A_168, %rem3A_153 : i32
    %add3A_170 = arith.constant 0 : i32
    %add3A_171 = arith.addi %mul3A_169, %add3A_170 : i32
    %dma_start3A_172 = arith.constant 0 : i32
    %dma_start3A_173 = arith.constant 0 : i32
    %dma_start3A_174 = tpu.memref_slice %arg8[%rem3A_153, %dma_start3A_172, %dma_start3A_173] : memref<7x40x128xf32, #tpu.memory_space<vmem>> -> memref<1x40x128xf32, #tpu.memory_space<vmem>>
    %dma_start3A_175 = tpu.memref_squeeze %dma_start3A_174 : memref<1x40x128xf32, #tpu.memory_space<vmem>> -> memref<40x128xf32, #tpu.memory_space<vmem>>
    %dma_start3A_176 = arith.constant 160 : i32
    %dma_start3A_177 = tpu.memref_slice %arg6[%dma_start3A_176] : memref<10000xi32, #tpu.memory_space<vmem>> -> memref<40xi32, #tpu.memory_space<vmem>>
    %dma_start3A_178 = arith.constant 0 : i32
    %dma_start3A_179 = arith.constant 0 : i32
    %dma_start3A_180 = tpu.memref_slice %arg2[%dma_start3A_178, %dma_start3A_179] : memref<10000x128xf32, #tpu.memory_space<hbm>> -> memref<10000x128xf32, #tpu.memory_space<hbm>>
    %dma_start3A_181 = tpu.memref_slice %arg10[%add3A_171] : memref<7x!tpu.dma_semaphore, #tpu.memory_space<semaphore_mem>> -> memref<1x!tpu.dma_semaphore, #tpu.memory_space<semaphore_mem>>
    %dma_start3A_182 = tpu.memref_squeeze %dma_start3A_181 : memref<1x!tpu.dma_semaphore, #tpu.memory_space<semaphore_mem>> -> memref<!tpu.dma_semaphore, #tpu.memory_space<semaphore_mem>>
    tpu.enqueue_indirect_dma source(%dma_start3A_180 : memref<10000x128xf32, #tpu.memory_space<hbm>>) target(%dma_start3A_175 : memref<40x128xf32, #tpu.memory_space<vmem>>) offsets(%dma_start3A_177 : memref<40xi32, #tpu.memory_space<vmem>>) semaphore(%dma_start3A_182 : memref<!tpu.dma_semaphore, #tpu.memory_space<semaphore_mem>>)
    %scan3A = arith.constant 0 : i32
    %scan3A_183 = arith.constant 0 : i32
    %scan3A_184 = arith.constant 250 : i32
    %scan3A_185 = arith.addi %scan3A_183, %scan3A_184 : i32
    %scan3A_186 = arith.constant 1 : i32
    scf.for %scan3A_221 = %scan3A_183 to %scan3A_185 step %scan3A_186  : i32 {
      %rem3A_222 = arith.constant 7 : i32
      %rem3A_223 = arith.remsi %scan3A_221, %rem3A_222 : i32
      %ge3A = arith.constant 2 : i32
      %ge3A_224 = arith.cmpi sge, %scan3A_221, %ge3A : i32
      %convert_element_type3A_225 = arith.extui %ge3A_224 : i1 to i32
      %cond3A_226 = arith.constant 0 : i32
      %cond3A_227 = arith.cmpi ne, %convert_element_type3A_225, %cond3A_226 : i32
      scf.if %cond3A_227 {
        %sub3A = arith.constant 2 : i32
        %sub3A_281 = arith.subi %scan3A_221, %sub3A : i32
        %rem3A_282 = arith.constant 7 : i32
        %rem3A_283 = arith.remsi %sub3A_281, %rem3A_282 : i32
        %dma_wait3A_284 = arith.constant 0 : i32
        %dma_wait3A_285 = arith.constant 0 : i32
        %dma_wait3A_286 = tpu.memref_slice %arg8[%rem3A_283, %dma_wait3A_284, %dma_wait3A_285] : memref<7x40x128xf32, #tpu.memory_space<vmem>> -> memref<1x40x128xf32, #tpu.memory_space<vmem>>
        %dma_wait3A_287 = tpu.memref_squeeze %dma_wait3A_286 : memref<1x40x128xf32, #tpu.memory_space<vmem>> -> memref<40x128xf32, #tpu.memory_space<vmem>>
        %dma_wait3A_288 = arith.constant 0 : i32
        %dma_wait3A_289 = tpu.memref_slice %arg7[%rem3A_283, %dma_wait3A_288] : memref<7x40xi32, #tpu.memory_space<vmem>> -> memref<1x40xi32, #tpu.memory_space<vmem>>
        %dma_wait3A_290 = tpu.memref_squeeze %dma_wait3A_289 : memref<1x40xi32, #tpu.memory_space<vmem>> -> memref<40xi32, #tpu.memory_space<vmem>>
        %dma_wait3A_291 = arith.constant 0 : i32
        %dma_wait3A_292 = arith.constant 0 : i32
        %dma_wait3A_293 = tpu.memref_slice %arg9[%dma_wait3A_291, %dma_wait3A_292] : memref<10000x128xf32, #tpu.memory_space<vmem_shared>> -> memref<10000x128xf32, #tpu.memory_space<vmem_shared>>
        %dma_wait3A_294 = tpu.memref_slice %arg12[%rem3A_283] : memref<7x!tpu.dma_semaphore, #tpu.memory_space<semaphore_mem>> -> memref<1x!tpu.dma_semaphore, #tpu.memory_space<semaphore_mem>>
        %dma_wait3A_295 = tpu.memref_squeeze %dma_wait3A_294 : memref<1x!tpu.dma_semaphore, #tpu.memory_space<semaphore_mem>> -> memref<!tpu.dma_semaphore, #tpu.memory_space<semaphore_mem>>
        tpu.wait_indirect_dma semaphore(%dma_wait3A_295 : memref<!tpu.dma_semaphore, #tpu.memory_space<semaphore_mem>>) src(%dma_wait3A_287 : memref<40x128xf32, #tpu.memory_space<vmem>>) dst(%dma_wait3A_293 : memref<10000x128xf32, #tpu.memory_space<vmem_shared>>)
      } else {
      }
      %add3A_228 = arith.constant 5 : i32
      %add3A_229 = arith.addi %scan3A_221, %add3A_228 : i32
      %lt3A = arith.constant 250 : i32
      %lt3A_230 = arith.cmpi slt, %add3A_229, %lt3A : i32
      %convert_element_type3A_231 = arith.extui %lt3A_230 : i1 to i32
      %cond3A_232 = arith.constant 0 : i32
      %cond3A_233 = arith.cmpi ne, %convert_element_type3A_231, %cond3A_232 : i32
      scf.if %cond3A_233 {
        %add3A_281 = arith.constant 5 : i32
        %add3A_282 = arith.addi %scan3A_221, %add3A_281 : i32
        %rem3A_283 = arith.constant 7 : i32
        %rem3A_284 = arith.remsi %add3A_282, %rem3A_283 : i32
        %mul3A_285 = arith.constant 10000 : i32
        %mul3A_286 = arith.muli %add3A, %mul3A_285 : i32
        %mul3A_287 = arith.constant 40 : i32
        %mul3A_288 = arith.muli %add3A_282, %mul3A_287 : i32
        %add3A_289 = arith.addi %mul3A_286, %mul3A_288 : i32
        %dma_start3A_290 = arith.constant 0 : i32
        %dma_start3A_291 = tpu.memref_slice %arg7[%rem3A_284, %dma_start3A_290] : memref<7x40xi32, #tpu.memory_space<vmem>> -> memref<1x40xi32, #tpu.memory_space<vmem>>
        %dma_start3A_292 = tpu.memref_squeeze %dma_start3A_291 : memref<1x40xi32, #tpu.memory_space<vmem>> -> memref<40xi32, #tpu.memory_space<vmem>>
        %dma_start3A_293 = tpu.memref_slice %arg4[%add3A_289] : memref<320000xi32, #tpu.memory_space<hbm>> -> memref<40xi32, #tpu.memory_space<hbm>>
        %dma_start3A_294 = tpu.memref_slice %arg11[%rem3A_284] : memref<7x!tpu.dma_semaphore, #tpu.memory_space<semaphore_mem>> -> memref<1x!tpu.dma_semaphore, #tpu.memory_space<semaphore_mem>>
        %dma_start3A_295 = tpu.memref_squeeze %dma_start3A_294 : memref<1x!tpu.dma_semaphore, #tpu.memory_space<semaphore_mem>> -> memref<!tpu.dma_semaphore, #tpu.memory_space<semaphore_mem>>
        %dma_start3A_296 = arith.constant 0 : i32
        %dma_start3A_297 = tpu.memref_slice %arg7[%rem3A_284, %dma_start3A_296] : memref<7x40xi32, #tpu.memory_space<vmem>> -> memref<1x40xi32, #tpu.memory_space<vmem>>
        %dma_start3A_298 = tpu.memref_squeeze %dma_start3A_297 : memref<1x40xi32, #tpu.memory_space<vmem>> -> memref<40xi32, #tpu.memory_space<vmem>>
        %dma_start3A_299 = tpu.memref_slice %arg4[%add3A_289] : memref<320000xi32, #tpu.memory_space<hbm>> -> memref<40xi32, #tpu.memory_space<hbm>>
        tpu.enqueue_dma source(%dma_start3A_299 : memref<40xi32, #tpu.memory_space<hbm>>) target(%dma_start3A_298 : memref<40xi32, #tpu.memory_space<vmem>>) target_semaphore(%dma_start3A_295 : memref<!tpu.dma_semaphore, #tpu.memory_space<semaphore_mem>>)
        %mul3A_300 = arith.constant 40 : i32
        %mul3A_301 = arith.muli %add3A_282, %mul3A_300 : i32
        %add3A_302 = arith.constant 0 : i32
        %add3A_303 = arith.addi %mul3A_301, %add3A_302 : i32
        %mul3A_304 = arith.constant 1 : i32
        %mul3A_305 = arith.muli %mul3A_304, %rem3A_284 : i32
        %add3A_306 = arith.constant 0 : i32
        %add3A_307 = arith.addi %mul3A_305, %add3A_306 : i32
        %dma_start3A_308 = arith.constant 0 : i32
        %dma_start3A_309 = arith.constant 0 : i32
        %dma_start3A_310 = tpu.memref_slice %arg8[%rem3A_284, %dma_start3A_308, %dma_start3A_309] : memref<7x40x128xf32, #tpu.memory_space<vmem>> -> memref<1x40x128xf32, #tpu.memory_space<vmem>>
        %dma_start3A_311 = tpu.memref_squeeze %dma_start3A_310 : memref<1x40x128xf32, #tpu.memory_space<vmem>> -> memref<40x128xf32, #tpu.memory_space<vmem>>
        %dma_start3A_312 = tpu.memref_slice %arg6[%add3A_303] : memref<10000xi32, #tpu.memory_space<vmem>> -> memref<40xi32, #tpu.memory_space<vmem>>
        %dma_start3A_313 = arith.constant 0 : i32
        %dma_start3A_314 = arith.constant 0 : i32
        %dma_start3A_315 = tpu.memref_slice %arg2[%dma_start3A_313, %dma_start3A_314] : memref<10000x128xf32, #tpu.memory_space<hbm>> -> memref<10000x128xf32, #tpu.memory_space<hbm>>
        %dma_start3A_316 = tpu.memref_slice %arg10[%add3A_307] : memref<7x!tpu.dma_semaphore, #tpu.memory_space<semaphore_mem>> -> memref<1x!tpu.dma_semaphore, #tpu.memory_space<semaphore_mem>>
        %dma_start3A_317 = tpu.memref_squeeze %dma_start3A_316 : memref<1x!tpu.dma_semaphore, #tpu.memory_space<semaphore_mem>> -> memref<!tpu.dma_semaphore, #tpu.memory_space<semaphore_mem>>
        tpu.enqueue_indirect_dma source(%dma_start3A_315 : memref<10000x128xf32, #tpu.memory_space<hbm>>) target(%dma_start3A_311 : memref<40x128xf32, #tpu.memory_space<vmem>>) offsets(%dma_start3A_312 : memref<40xi32, #tpu.memory_space<vmem>>) semaphore(%dma_start3A_317 : memref<!tpu.dma_semaphore, #tpu.memory_space<semaphore_mem>>)
      } else {
      }
      %rem3A_234 = arith.constant 7 : i32
      %rem3A_235 = arith.remsi %scan3A_221, %rem3A_234 : i32
      %mul3A_236 = arith.constant 10000 : i32
      %mul3A_237 = arith.muli %add3A, %mul3A_236 : i32
      %mul3A_238 = arith.constant 40 : i32
      %mul3A_239 = arith.muli %scan3A_221, %mul3A_238 : i32
      %add3A_240 = arith.addi %mul3A_237, %mul3A_239 : i32
      %dma_wait3A_241 = arith.constant 0 : i32
      %dma_wait3A_242 = tpu.memref_slice %arg7[%rem3A_235, %dma_wait3A_241] : memref<7x40xi32, #tpu.memory_space<vmem>> -> memref<1x40xi32, #tpu.memory_space<vmem>>
      %dma_wait3A_243 = tpu.memref_squeeze %dma_wait3A_242 : memref<1x40xi32, #tpu.memory_space<vmem>> -> memref<40xi32, #tpu.memory_space<vmem>>
      %dma_wait3A_244 = tpu.memref_slice %arg4[%add3A_240] : memref<320000xi32, #tpu.memory_space<hbm>> -> memref<40xi32, #tpu.memory_space<hbm>>
      %dma_wait3A_245 = tpu.memref_slice %arg11[%rem3A_235] : memref<7x!tpu.dma_semaphore, #tpu.memory_space<semaphore_mem>> -> memref<1x!tpu.dma_semaphore, #tpu.memory_space<semaphore_mem>>
      %dma_wait3A_246 = tpu.memref_squeeze %dma_wait3A_245 : memref<1x!tpu.dma_semaphore, #tpu.memory_space<semaphore_mem>> -> memref<!tpu.dma_semaphore, #tpu.memory_space<semaphore_mem>>
      %dma_wait3A_247 = arith.constant 0 : i32
      %dma_wait3A_248 = tpu.memref_slice %arg7[%rem3A_235, %dma_wait3A_247] : memref<7x40xi32, #tpu.memory_space<vmem>> -> memref<1x40xi32, #tpu.memory_space<vmem>>
      %dma_wait3A_249 = tpu.memref_squeeze %dma_wait3A_248 : memref<1x40xi32, #tpu.memory_space<vmem>> -> memref<40xi32, #tpu.memory_space<vmem>>
      %dma_wait3A_250 = tpu.memref_slice %arg4[%add3A_240] : memref<320000xi32, #tpu.memory_space<hbm>> -> memref<40xi32, #tpu.memory_space<hbm>>
      tpu.wait_dma2 semaphore(%dma_wait3A_246 : memref<!tpu.dma_semaphore, #tpu.memory_space<semaphore_mem>>) src(%dma_wait3A_250 : memref<40xi32, #tpu.memory_space<hbm>>) dst(%dma_wait3A_249 : memref<40xi32, #tpu.memory_space<vmem>>)
      %mul3A_251 = arith.constant 40 : i32
      %mul3A_252 = arith.muli %scan3A_221, %mul3A_251 : i32
      %add3A_253 = arith.constant 0 : i32
      %add3A_254 = arith.addi %mul3A_252, %add3A_253 : i32
      %mul3A_255 = arith.constant 1 : i32
      %mul3A_256 = arith.muli %mul3A_255, %rem3A_235 : i32
      %add3A_257 = arith.constant 0 : i32
      %add3A_258 = arith.addi %mul3A_256, %add3A_257 : i32
      %dma_wait3A_259 = arith.constant 0 : i32
      %dma_wait3A_260 = arith.constant 0 : i32
      %dma_wait3A_261 = tpu.memref_slice %arg8[%rem3A_235, %dma_wait3A_259, %dma_wait3A_260] : memref<7x40x128xf32, #tpu.memory_space<vmem>> -> memref<1x40x128xf32, #tpu.memory_space<vmem>>
      %dma_wait3A_262 = tpu.memref_squeeze %dma_wait3A_261 : memref<1x40x128xf32, #tpu.memory_space<vmem>> -> memref<40x128xf32, #tpu.memory_space<vmem>>
      %dma_wait3A_263 = tpu.memref_slice %arg6[%add3A_254] : memref<10000xi32, #tpu.memory_space<vmem>> -> memref<40xi32, #tpu.memory_space<vmem>>
      %dma_wait3A_264 = arith.constant 0 : i32
      %dma_wait3A_265 = arith.constant 0 : i32
      %dma_wait3A_266 = tpu.memref_slice %arg2[%dma_wait3A_264, %dma_wait3A_265] : memref<10000x128xf32, #tpu.memory_space<hbm>> -> memref<10000x128xf32, #tpu.memory_space<hbm>>
      %dma_wait3A_267 = tpu.memref_slice %arg10[%add3A_258] : memref<7x!tpu.dma_semaphore, #tpu.memory_space<semaphore_mem>> -> memref<1x!tpu.dma_semaphore, #tpu.memory_space<semaphore_mem>>
      %dma_wait3A_268 = tpu.memref_squeeze %dma_wait3A_267 : memref<1x!tpu.dma_semaphore, #tpu.memory_space<semaphore_mem>> -> memref<!tpu.dma_semaphore, #tpu.memory_space<semaphore_mem>>
      tpu.wait_indirect_dma semaphore(%dma_wait3A_268 : memref<!tpu.dma_semaphore, #tpu.memory_space<semaphore_mem>>) src(%dma_wait3A_266 : memref<10000x128xf32, #tpu.memory_space<hbm>>) dst(%dma_wait3A_262 : memref<40x128xf32, #tpu.memory_space<vmem>>)
      %dma_start3A_269 = arith.constant 0 : i32
      %dma_start3A_270 = arith.constant 0 : i32
      %dma_start3A_271 = tpu.memref_slice %arg8[%rem3A_223, %dma_start3A_269, %dma_start3A_270] : memref<7x40x128xf32, #tpu.memory_space<vmem>> -> memref<1x40x128xf32, #tpu.memory_space<vmem>>
      %dma_start3A_272 = tpu.memref_squeeze %dma_start3A_271 : memref<1x40x128xf32, #tpu.memory_space<vmem>> -> memref<40x128xf32, #tpu.memory_space<vmem>>
      %dma_start3A_273 = arith.constant 0 : i32
      %dma_start3A_274 = tpu.memref_slice %arg7[%rem3A_223, %dma_start3A_273] : memref<7x40xi32, #tpu.memory_space<vmem>> -> memref<1x40xi32, #tpu.memory_space<vmem>>
      %dma_start3A_275 = tpu.memref_squeeze %dma_start3A_274 : memref<1x40xi32, #tpu.memory_space<vmem>> -> memref<40xi32, #tpu.memory_space<vmem>>
      %dma_start3A_276 = arith.constant 0 : i32
      %dma_start3A_277 = arith.constant 0 : i32
      %dma_start3A_278 = tpu.memref_slice %arg9[%dma_start3A_276, %dma_start3A_277] : memref<10000x128xf32, #tpu.memory_space<vmem_shared>> -> memref<10000x128xf32, #tpu.memory_space<vmem_shared>>
      %dma_start3A_279 = tpu.memref_slice %arg12[%rem3A_223] : memref<7x!tpu.dma_semaphore, #tpu.memory_space<semaphore_mem>> -> memref<1x!tpu.dma_semaphore, #tpu.memory_space<semaphore_mem>>
      %dma_start3A_280 = tpu.memref_squeeze %dma_start3A_279 : memref<1x!tpu.dma_semaphore, #tpu.memory_space<semaphore_mem>> -> memref<!tpu.dma_semaphore, #tpu.memory_space<semaphore_mem>>
      tpu.enqueue_indirect_dma source(%dma_start3A_272 : memref<40x128xf32, #tpu.memory_space<vmem>>) target(%dma_start3A_278 : memref<10000x128xf32, #tpu.memory_space<vmem_shared>>) offsets(%dma_start3A_275 : memref<40xi32, #tpu.memory_space<vmem>>) semaphore(%dma_start3A_280 : memref<!tpu.dma_semaphore, #tpu.memory_space<semaphore_mem>>) {add = true}
    }
    %scan3A_187 = arith.constant 250 : i32
    %dma_wait3A = arith.constant 3 : i32
    %dma_wait3A_188 = arith.constant 3 : i32
    %dma_wait3A_189 = arith.constant 3 : i32
    %dma_wait3A_190 = arith.constant 0 : i32
    %dma_wait3A_191 = arith.constant 0 : i32
    %dma_wait3A_192 = tpu.memref_slice %arg8[%dma_wait3A, %dma_wait3A_190, %dma_wait3A_191] : memref<7x40x128xf32, #tpu.memory_space<vmem>> -> memref<1x40x128xf32, #tpu.memory_space<vmem>>
    %dma_wait3A_193 = tpu.memref_squeeze %dma_wait3A_192 : memref<1x40x128xf32, #tpu.memory_space<vmem>> -> memref<40x128xf32, #tpu.memory_space<vmem>>
    %dma_wait3A_194 = arith.constant 0 : i32
    %dma_wait3A_195 = tpu.memref_slice %arg7[%dma_wait3A_188, %dma_wait3A_194] : memref<7x40xi32, #tpu.memory_space<vmem>> -> memref<1x40xi32, #tpu.memory_space<vmem>>
    %dma_wait3A_196 = tpu.memref_squeeze %dma_wait3A_195 : memref<1x40xi32, #tpu.memory_space<vmem>> -> memref<40xi32, #tpu.memory_space<vmem>>
    %dma_wait3A_197 = arith.constant 0 : i32
    %dma_wait3A_198 = arith.constant 0 : i32
    %dma_wait3A_199 = tpu.memref_slice %arg9[%dma_wait3A_197, %dma_wait3A_198] : memref<10000x128xf32, #tpu.memory_space<vmem_shared>> -> memref<10000x128xf32, #tpu.memory_space<vmem_shared>>
    %dma_wait3A_200 = tpu.memref_slice %arg12[%dma_wait3A_189] : memref<7x!tpu.dma_semaphore, #tpu.memory_space<semaphore_mem>> -> memref<1x!tpu.dma_semaphore, #tpu.memory_space<semaphore_mem>>
    %dma_wait3A_201 = tpu.memref_squeeze %dma_wait3A_200 : memref<1x!tpu.dma_semaphore, #tpu.memory_space<semaphore_mem>> -> memref<!tpu.dma_semaphore, #tpu.memory_space<semaphore_mem>>
    tpu.wait_indirect_dma semaphore(%dma_wait3A_201 : memref<!tpu.dma_semaphore, #tpu.memory_space<semaphore_mem>>) src(%dma_wait3A_193 : memref<40x128xf32, #tpu.memory_space<vmem>>) dst(%dma_wait3A_199 : memref<10000x128xf32, #tpu.memory_space<vmem_shared>>)
    %dma_wait3A_202 = arith.constant 4 : i32
    %dma_wait3A_203 = arith.constant 4 : i32
    %dma_wait3A_204 = arith.constant 4 : i32
    %dma_wait3A_205 = arith.constant 0 : i32
    %dma_wait3A_206 = arith.constant 0 : i32
    %dma_wait3A_207 = tpu.memref_slice %arg8[%dma_wait3A_202, %dma_wait3A_205, %dma_wait3A_206] : memref<7x40x128xf32, #tpu.memory_space<vmem>> -> memref<1x40x128xf32, #tpu.memory_space<vmem>>
    %dma_wait3A_208 = tpu.memref_squeeze %dma_wait3A_207 : memref<1x40x128xf32, #tpu.memory_space<vmem>> -> memref<40x128xf32, #tpu.memory_space<vmem>>
    %dma_wait3A_209 = arith.constant 0 : i32
    %dma_wait3A_210 = tpu.memref_slice %arg7[%dma_wait3A_203, %dma_wait3A_209] : memref<7x40xi32, #tpu.memory_space<vmem>> -> memref<1x40xi32, #tpu.memory_space<vmem>>
    %dma_wait3A_211 = tpu.memref_squeeze %dma_wait3A_210 : memref<1x40xi32, #tpu.memory_space<vmem>> -> memref<40xi32, #tpu.memory_space<vmem>>
    %dma_wait3A_212 = arith.constant 0 : i32
    %dma_wait3A_213 = arith.constant 0 : i32
    %dma_wait3A_214 = tpu.memref_slice %arg9[%dma_wait3A_212, %dma_wait3A_213] : memref<10000x128xf32, #tpu.memory_space<vmem_shared>> -> memref<10000x128xf32, #tpu.memory_space<vmem_shared>>
    %dma_wait3A_215 = tpu.memref_slice %arg12[%dma_wait3A_204] : memref<7x!tpu.dma_semaphore, #tpu.memory_space<semaphore_mem>> -> memref<1x!tpu.dma_semaphore, #tpu.memory_space<semaphore_mem>>
    %dma_wait3A_216 = tpu.memref_squeeze %dma_wait3A_215 : memref<1x!tpu.dma_semaphore, #tpu.memory_space<semaphore_mem>> -> memref<!tpu.dma_semaphore, #tpu.memory_space<semaphore_mem>>
    tpu.wait_indirect_dma semaphore(%dma_wait3A_216 : memref<!tpu.dma_semaphore, #tpu.memory_space<semaphore_mem>>) src(%dma_wait3A_208 : memref<40x128xf32, #tpu.memory_space<vmem>>) dst(%dma_wait3A_214 : memref<10000x128xf32, #tpu.memory_space<vmem_shared>>)
    %barrier3A_217 = arith.constant 0 : index
    tpu.barrier barrier_id(%barrier3A_217)
    "tpu.region"() ({
      %run_scoped3A = tpu.sem_alloc : memref<!tpu.dma_semaphore, #tpu.memory_space<semaphore_mem>>
      %dma_start3A_221 = arith.constant 0 : i32
      %dma_start3A_222 = tpu.memref_slice %arg5[%arg0, %multiple_of3A, %dma_start3A_221] : memref<2x10000x128xf32, #tpu.memory_space<hbm>> -> memref<1x624x128xf32, #tpu.memory_space<hbm>>
      %dma_start3A_223 = tpu.memref_squeeze %dma_start3A_222 : memref<1x624x128xf32, #tpu.memory_space<hbm>> -> memref<624x128xf32, #tpu.memory_space<hbm>>
      %dma_start3A_224 = arith.constant 0 : i32
      %dma_start3A_225 = tpu.memref_slice %arg9[%multiple_of3A, %dma_start3A_224] : memref<10000x128xf32, #tpu.memory_space<vmem_shared>> -> memref<624x128xf32, #tpu.memory_space<vmem_shared>>
      tpu.enqueue_dma source(%dma_start3A_225 : memref<624x128xf32, #tpu.memory_space<vmem_shared>>) target(%dma_start3A_223 : memref<624x128xf32, #tpu.memory_space<hbm>>) target_semaphore(%run_scoped3A : memref<!tpu.dma_semaphore, #tpu.memory_space<semaphore_mem>>)
      %dma_wait3A_226 = arith.constant 0 : i32
      %dma_wait3A_227 = tpu.memref_slice %arg5[%arg0, %multiple_of3A, %dma_wait3A_226] : memref<2x10000x128xf32, #tpu.memory_space<hbm>> -> memref<1x624x128xf32, #tpu.memory_space<hbm>>
      %dma_wait3A_228 = tpu.memref_squeeze %dma_wait3A_227 : memref<1x624x128xf32, #tpu.memory_space<hbm>> -> memref<624x128xf32, #tpu.memory_space<hbm>>
      %dma_wait3A_229 = arith.constant 0 : i32
      %dma_wait3A_230 = tpu.memref_slice %arg9[%multiple_of3A, %dma_wait3A_229] : memref<10000x128xf32, #tpu.memory_space<vmem_shared>> -> memref<624x128xf32, #tpu.memory_space<vmem_shared>>
      tpu.wait_dma2 semaphore(%run_scoped3A : memref<!tpu.dma_semaphore, #tpu.memory_space<semaphore_mem>>) src(%dma_wait3A_230 : memref<624x128xf32, #tpu.memory_space<vmem_shared>>) dst(%dma_wait3A_228 : memref<624x128xf32, #tpu.memory_space<hbm>>)
      tpu.yield
    }) : () -> ()
    %convert_element_type3A_218 = arith.extui %eq3A_3 : i1 to i32
    %cond3A_219 = arith.constant 0 : i32
    %cond3A_220 = arith.cmpi ne, %convert_element_type3A_218, %cond3A_219 : i32
    scf.if %cond3A_220 {
      "tpu.region"() ({
        %run_scoped3A = tpu.sem_alloc : memref<!tpu.dma_semaphore, #tpu.memory_space<semaphore_mem>>
        %dma_start3A_221 = arith.constant 9984 : i32
        %dma_start3A_222 = arith.constant 0 : i32
        %dma_start3A_223 = tpu.memref_slice %arg5[%arg0, %dma_start3A_221, %dma_start3A_222] : memref<2x10000x128xf32, #tpu.memory_space<hbm>> -> memref<1x16x128xf32, #tpu.memory_space<hbm>>
        %dma_start3A_224 = tpu.memref_squeeze %dma_start3A_223 : memref<1x16x128xf32, #tpu.memory_space<hbm>> -> memref<16x128xf32, #tpu.memory_space<hbm>>
        %dma_start3A_225 = arith.constant 9984 : i32
        %dma_start3A_226 = arith.constant 0 : i32
        %dma_start3A_227 = tpu.memref_slice %arg9[%dma_start3A_225, %dma_start3A_226] : memref<10000x128xf32, #tpu.memory_space<vmem_shared>> -> memref<16x128xf32, #tpu.memory_space<vmem_shared>>
        tpu.enqueue_dma source(%dma_start3A_227 : memref<16x128xf32, #tpu.memory_space<vmem_shared>>) target(%dma_start3A_224 : memref<16x128xf32, #tpu.memory_space<hbm>>) target_semaphore(%run_scoped3A : memref<!tpu.dma_semaphore, #tpu.memory_space<semaphore_mem>>)
        %dma_wait3A_228 = arith.constant 9984 : i32
        %dma_wait3A_229 = arith.constant 0 : i32
        %dma_wait3A_230 = tpu.memref_slice %arg5[%arg0, %dma_wait3A_228, %dma_wait3A_229] : memref<2x10000x128xf32, #tpu.memory_space<hbm>> -> memref<1x16x128xf32, #tpu.memory_space<hbm>>
        %dma_wait3A_231 = tpu.memref_squeeze %dma_wait3A_230 : memref<1x16x128xf32, #tpu.memory_space<hbm>> -> memref<16x128xf32, #tpu.memory_space<hbm>>
        %dma_wait3A_232 = arith.constant 9984 : i32
        %dma_wait3A_233 = arith.constant 0 : i32
        %dma_wait3A_234 = tpu.memref_slice %arg9[%dma_wait3A_232, %dma_wait3A_233] : memref<10000x128xf32, #tpu.memory_space<vmem_shared>> -> memref<16x128xf32, #tpu.memory_space<vmem_shared>>
        tpu.wait_dma2 semaphore(%run_scoped3A : memref<!tpu.dma_semaphore, #tpu.memory_space<semaphore_mem>>) src(%dma_wait3A_234 : memref<16x128xf32, #tpu.memory_space<vmem_shared>>) dst(%dma_wait3A_231 : memref<16x128xf32, #tpu.memory_space<hbm>>)
        tpu.yield
      }) : () -> ()
    } else {
    }
    return
  }
}

#map = affine_map<(d0, d1) -> (0, 0)>
#map1 = affine_map<(d0, d1) -> (0)>
#map2 = affine_map<(d0, d1) -> (0, 0, 0)>
module attributes {stable_mosaic.version = 14 : i64} {
  func.func @agg_kernel(%arg0: i32, %arg1: i32, %arg2: memref<10000x128xf32, #tpu.memory_space<hbm>>, %arg3: memref<320000xi32, #tpu.memory_space<hbm>>, %arg4: memref<320000xi32, #tpu.memory_space<hbm>>, %arg5: memref<2x10000x128xf32, #tpu.memory_space<hbm>>, %arg6: memref<10000xi32, #tpu.memory_space<vmem>>, %arg7: memref<7x40xi32, #tpu.memory_space<vmem>>, %arg8: memref<7x40x128xf32, #tpu.memory_space<vmem>>, %arg9: memref<10000x128xf32, #tpu.memory_space<vmem_shared>>, %arg10: memref<7x!tpu.dma_semaphore, #tpu.memory_space<semaphore_mem>>, %arg11: memref<7x!tpu.dma_semaphore, #tpu.memory_space<semaphore_mem>>, %arg12: memref<7x!tpu.dma_semaphore, #tpu.memory_space<semaphore_mem>>) attributes {dimension_semantics = [#tpu.dimension_semantics<core_parallel>, #tpu.dimension_semantics<subcore_parallel>], iteration_bounds = array<i64: 2, 16>, scalar_prefetch = 0 : i64, scratch_operands = 7 : i64, tpu.core_type = #tpu.core_type<sc_vector_subcore>, window_params = [{transform_indices = #map}, {transform_indices = #map1}, {transform_indices = #map1}, {transform_indices = #map2}]} {
    %mul3A = arith.constant 2 : i32
    %mul3A_0 = arith.muli %arg1, %mul3A : i32
    %add3A = arith.addi %mul3A_0, %arg0 : i32
    %mul3A_1 = arith.constant 624 : i32
    %mul3A_2 = arith.muli %arg1, %mul3A_1 : i32
    %multiple_of3A = tpu.assume_multiple %mul3A_2, 8 : i32
    %eq3A = arith.constant 15 : i32
    %eq3A_3 = arith.cmpi eq, %arg1, %eq3A : i32
    %eq3A_4 = arith.constant 0 : i32
    %eq3A_5 = arith.cmpi eq, %arg0, %eq3A_4 : i32
    %convert_element_type3A = arith.extui %eq3A_5 : i1 to i32
    %cond3A = arith.constant 0 : i32
    %cond3A_6 = arith.cmpi ne, %convert_element_type3A, %cond3A : i32
    scf.if %cond3A_6 {
      "tpu.region"() ({
        %run_scoped3A = tpu.sem_alloc : memref<!tpu.dma_semaphore, #tpu.memory_space<semaphore_mem>>
        %dma_start3A_221 = arith.constant 0 : i32
        %dma_start3A_222 = tpu.memref_slice %arg9[%multiple_of3A, %dma_start3A_221] : memref<10000x128xf32, #tpu.memory_space<vmem_shared>> -> memref<624x128xf32, #tpu.memory_space<vmem_shared>>
        %dma_start3A_223 = arith.constant 0 : i32
        %dma_start3A_224 = tpu.memref_slice %arg2[%multiple_of3A, %dma_start3A_223] : memref<10000x128xf32, #tpu.memory_space<hbm>> -> memref<624x128xf32, #tpu.memory_space<hbm>>
        tpu.enqueue_dma source(%dma_start3A_224 : memref<624x128xf32, #tpu.memory_space<hbm>>) target(%dma_start3A_222 : memref<624x128xf32, #tpu.memory_space<vmem_shared>>) target_semaphore(%run_scoped3A : memref<!tpu.dma_semaphore, #tpu.memory_space<semaphore_mem>>)
        %dma_wait3A_225 = arith.constant 0 : i32
        %dma_wait3A_226 = tpu.memref_slice %arg9[%multiple_of3A, %dma_wait3A_225] : memref<10000x128xf32, #tpu.memory_space<vmem_shared>> -> memref<624x128xf32, #tpu.memory_space<vmem_shared>>
        %dma_wait3A_227 = arith.constant 0 : i32
        %dma_wait3A_228 = tpu.memref_slice %arg2[%multiple_of3A, %dma_wait3A_227] : memref<10000x128xf32, #tpu.memory_space<hbm>> -> memref<624x128xf32, #tpu.memory_space<hbm>>
        tpu.wait_dma2 semaphore(%run_scoped3A : memref<!tpu.dma_semaphore, #tpu.memory_space<semaphore_mem>>) src(%dma_wait3A_228 : memref<624x128xf32, #tpu.memory_space<hbm>>) dst(%dma_wait3A_226 : memref<624x128xf32, #tpu.memory_space<vmem_shared>>)
        tpu.yield
      }) : () -> ()
    } else {
    }
    %eq3A_7 = arith.constant 0 : i32
    %eq3A_8 = arith.cmpi eq, %arg0, %eq3A_7 : i32
    %and3A = arith.andi %eq3A_8, %eq3A_3 : i1
    %convert_element_type3A_9 = arith.extui %and3A : i1 to i32
    %cond3A_10 = arith.constant 0 : i32
    %cond3A_11 = arith.cmpi ne, %convert_element_type3A_9, %cond3A_10 : i32
    scf.if %cond3A_11 {
      "tpu.region"() ({
        %run_scoped3A = tpu.sem_alloc : memref<!tpu.dma_semaphore, #tpu.memory_space<semaphore_mem>>
        %dma_start3A_221 = arith.constant 9984 : i32
        %dma_start3A_222 = arith.constant 0 : i32
        %dma_start3A_223 = tpu.memref_slice %arg9[%dma_start3A_221, %dma_start3A_222] : memref<10000x128xf32, #tpu.memory_space<vmem_shared>> -> memref<16x128xf32, #tpu.memory_space<vmem_shared>>
        %dma_start3A_224 = arith.constant 9984 : i32
        %dma_start3A_225 = arith.constant 0 : i32
        %dma_start3A_226 = tpu.memref_slice %arg2[%dma_start3A_224, %dma_start3A_225] : memref<10000x128xf32, #tpu.memory_space<hbm>> -> memref<16x128xf32, #tpu.memory_space<hbm>>
        tpu.enqueue_dma source(%dma_start3A_226 : memref<16x128xf32, #tpu.memory_space<hbm>>) target(%dma_start3A_223 : memref<16x128xf32, #tpu.memory_space<vmem_shared>>) target_semaphore(%run_scoped3A : memref<!tpu.dma_semaphore, #tpu.memory_space<semaphore_mem>>)
        %dma_wait3A_227 = arith.constant 9984 : i32
        %dma_wait3A_228 = arith.constant 0 : i32
        %dma_wait3A_229 = tpu.memref_slice %arg9[%dma_wait3A_227, %dma_wait3A_228] : memref<10000x128xf32, #tpu.memory_space<vmem_shared>> -> memref<16x128xf32, #tpu.memory_space<vmem_shared>>
        %dma_wait3A_230 = arith.constant 9984 : i32
        %dma_wait3A_231 = arith.constant 0 : i32
        %dma_wait3A_232 = tpu.memref_slice %arg2[%dma_wait3A_230, %dma_wait3A_231] : memref<10000x128xf32, #tpu.memory_space<hbm>> -> memref<16x128xf32, #tpu.memory_space<hbm>>
        tpu.wait_dma2 semaphore(%run_scoped3A : memref<!tpu.dma_semaphore, #tpu.memory_space<semaphore_mem>>) src(%dma_wait3A_232 : memref<16x128xf32, #tpu.memory_space<hbm>>) dst(%dma_wait3A_229 : memref<16x128xf32, #tpu.memory_space<vmem_shared>>)
        tpu.yield
      }) : () -> ()
    } else {
    }
    %eq3A_12 = arith.constant 1 : i32
    %eq3A_13 = arith.cmpi eq, %arg0, %eq3A_12 : i32
    %convert_element_type3A_14 = arith.extui %eq3A_13 : i1 to i32
    %cond3A_15 = arith.constant 0 : i32
    %cond3A_16 = arith.cmpi ne, %convert_element_type3A_14, %cond3A_15 : i32
    scf.if %cond3A_16 {
      %scan3A_221 = arith.constant 0 : i32
      %scan3A_222 = arith.constant 0 : i32
      %scan3A_223 = arith.constant 40 : i32
      %scan3A_224 = arith.addi %scan3A_222, %scan3A_223 : i32
      %scan3A_225 = arith.constant 1 : i32
      scf.for %scan3A_274 = %scan3A_222 to %scan3A_224 step %scan3A_225  : i32 {
        %broadcast_in_dim3A = arith.constant 0.000000e+00 : f32
        %broadcast_in_dim3A_275 = vector.broadcast %broadcast_in_dim3A : f32 to vector<16xf32>
        %swap3A = arith.constant 0 : i32
        %swap3A_276 = arith.index_cast %swap3A : i32 to index
        %swap3A_277 = arith.index_cast %scan3A_274 : i32 to index
        %swap3A_278 = arith.constant 0 : index
        %swap3A_279 = tpu.vector_load %arg8[%swap3A_276, %swap3A_277, %swap3A_278] {strides = array<i32>} : memref<7x40x128xf32, #tpu.memory_space<vmem>>, vector<1x1x16xf32>,
        %swap3A_280 = vector.shape_cast %swap3A_279 : vector<1x1x16xf32> to vector<16xf32>
        %swap3A_281 = vector.shape_cast %broadcast_in_dim3A_275 : vector<16xf32> to vector<1x1x16xf32>
        tpu.vector_store %arg8[%swap3A_276, %swap3A_277, %swap3A_278], %swap3A_281 {strides = array<i32>} : memref<7x40x128xf32, #tpu.memory_space<vmem>>, vector<1x1x16xf32>,
        %broadcast_in_dim3A_282 = arith.constant 0.000000e+00 : f32
        %broadcast_in_dim3A_283 = vector.broadcast %broadcast_in_dim3A_282 : f32 to vector<16xf32>
        %swap3A_284 = arith.constant 0 : i32
        %swap3A_285 = arith.index_cast %swap3A_284 : i32 to index
        %swap3A_286 = arith.index_cast %scan3A_274 : i32 to index
        %swap3A_287 = arith.constant 16 : index
        %swap3A_288 = tpu.vector_load %arg8[%swap3A_285, %swap3A_286, %swap3A_287] {strides = array<i32>} : memref<7x40x128xf32, #tpu.memory_space<vmem>>, vector<1x1x16xf32>,
        %swap3A_289 = vector.shape_cast %swap3A_288 : vector<1x1x16xf32> to vector<16xf32>
        %swap3A_290 = vector.shape_cast %broadcast_in_dim3A_283 : vector<16xf32> to vector<1x1x16xf32>
        tpu.vector_store %arg8[%swap3A_285, %swap3A_286, %swap3A_287], %swap3A_290 {strides = array<i32>} : memref<7x40x128xf32, #tpu.memory_space<vmem>>, vector<1x1x16xf32>,
        %broadcast_in_dim3A_291 = arith.constant 0.000000e+00 : f32
        %broadcast_in_dim3A_292 = vector.broadcast %broadcast_in_dim3A_291 : f32 to vector<16xf32>
        %swap3A_293 = arith.constant 0 : i32
        %swap3A_294 = arith.index_cast %swap3A_293 : i32 to index
        %swap3A_295 = arith.index_cast %scan3A_274 : i32 to index
        %swap3A_296 = arith.constant 32 : index
        %swap3A_297 = tpu.vector_load %arg8[%swap3A_294, %swap3A_295, %swap3A_296] {strides = array<i32>} : memref<7x40x128xf32, #tpu.memory_space<vmem>>, vector<1x1x16xf32>,
        %swap3A_298 = vector.shape_cast %swap3A_297 : vector<1x1x16xf32> to vector<16xf32>
        %swap3A_299 = vector.shape_cast %broadcast_in_dim3A_292 : vector<16xf32> to vector<1x1x16xf32>
        tpu.vector_store %arg8[%swap3A_294, %swap3A_295, %swap3A_296], %swap3A_299 {strides = array<i32>} : memref<7x40x128xf32, #tpu.memory_space<vmem>>, vector<1x1x16xf32>,
        %broadcast_in_dim3A_300 = arith.constant 0.000000e+00 : f32
        %broadcast_in_dim3A_301 = vector.broadcast %broadcast_in_dim3A_300 : f32 to vector<16xf32>
        %swap3A_302 = arith.constant 0 : i32
        %swap3A_303 = arith.index_cast %swap3A_302 : i32 to index
        %swap3A_304 = arith.index_cast %scan3A_274 : i32 to index
        %swap3A_305 = arith.constant 48 : index
        %swap3A_306 = tpu.vector_load %arg8[%swap3A_303, %swap3A_304, %swap3A_305] {strides = array<i32>} : memref<7x40x128xf32, #tpu.memory_space<vmem>>, vector<1x1x16xf32>,
        %swap3A_307 = vector.shape_cast %swap3A_306 : vector<1x1x16xf32> to vector<16xf32>
        %swap3A_308 = vector.shape_cast %broadcast_in_dim3A_301 : vector<16xf32> to vector<1x1x16xf32>
        tpu.vector_store %arg8[%swap3A_303, %swap3A_304, %swap3A_305], %swap3A_308 {strides = array<i32>} : memref<7x40x128xf32, #tpu.memory_space<vmem>>, vector<1x1x16xf32>,
        %broadcast_in_dim3A_309 = arith.constant 0.000000e+00 : f32
        %broadcast_in_dim3A_310 = vector.broadcast %broadcast_in_dim3A_309 : f32 to vector<16xf32>
        %swap3A_311 = arith.constant 0 : i32
        %swap3A_312 = arith.index_cast %swap3A_311 : i32 to index
        %swap3A_313 = arith.index_cast %scan3A_274 : i32 to index
        %swap3A_314 = arith.constant 64 : index
        %swap3A_315 = tpu.vector_load %arg8[%swap3A_312, %swap3A_313, %swap3A_314] {strides = array<i32>} : memref<7x40x128xf32, #tpu.memory_space<vmem>>, vector<1x1x16xf32>,
        %swap3A_316 = vector.shape_cast %swap3A_315 : vector<1x1x16xf32> to vector<16xf32>
        %swap3A_317 = vector.shape_cast %broadcast_in_dim3A_310 : vector<16xf32> to vector<1x1x16xf32>
        tpu.vector_store %arg8[%swap3A_312, %swap3A_313, %swap3A_314], %swap3A_317 {strides = array<i32>} : memref<7x40x128xf32, #tpu.memory_space<vmem>>, vector<1x1x16xf32>,
        %broadcast_in_dim3A_318 = arith.constant 0.000000e+00 : f32
        %broadcast_in_dim3A_319 = vector.broadcast %broadcast_in_dim3A_318 : f32 to vector<16xf32>
        %swap3A_320 = arith.constant 0 : i32
        %swap3A_321 = arith.index_cast %swap3A_320 : i32 to index
        %swap3A_322 = arith.index_cast %scan3A_274 : i32 to index
        %swap3A_323 = arith.constant 80 : index
        %swap3A_324 = tpu.vector_load %arg8[%swap3A_321, %swap3A_322, %swap3A_323] {strides = array<i32>} : memref<7x40x128xf32, #tpu.memory_space<vmem>>, vector<1x1x16xf32>,
        %swap3A_325 = vector.shape_cast %swap3A_324 : vector<1x1x16xf32> to vector<16xf32>
        %swap3A_326 = vector.shape_cast %broadcast_in_dim3A_319 : vector<16xf32> to vector<1x1x16xf32>
        tpu.vector_store %arg8[%swap3A_321, %swap3A_322, %swap3A_323], %swap3A_326 {strides = array<i32>} : memref<7x40x128xf32, #tpu.memory_space<vmem>>, vector<1x1x16xf32>,
        %broadcast_in_dim3A_327 = arith.constant 0.000000e+00 : f32
        %broadcast_in_dim3A_328 = vector.broadcast %broadcast_in_dim3A_327 : f32 to vector<16xf32>
        %swap3A_329 = arith.constant 0 : i32
        %swap3A_330 = arith.index_cast %swap3A_329 : i32 to index
        %swap3A_331 = arith.index_cast %scan3A_274 : i32 to index
        %swap3A_332 = arith.constant 96 : index
        %swap3A_333 = tpu.vector_load %arg8[%swap3A_330, %swap3A_331, %swap3A_332] {strides = array<i32>} : memref<7x40x128xf32, #tpu.memory_space<vmem>>, vector<1x1x16xf32>,
        %swap3A_334 = vector.shape_cast %swap3A_333 : vector<1x1x16xf32> to vector<16xf32>
        %swap3A_335 = vector.shape_cast %broadcast_in_dim3A_328 : vector<16xf32> to vector<1x1x16xf32>
        tpu.vector_store %arg8[%swap3A_330, %swap3A_331, %swap3A_332], %swap3A_335 {strides = array<i32>} : memref<7x40x128xf32, #tpu.memory_space<vmem>>, vector<1x1x16xf32>,
        %broadcast_in_dim3A_336 = arith.constant 0.000000e+00 : f32
        %broadcast_in_dim3A_337 = vector.broadcast %broadcast_in_dim3A_336 : f32 to vector<16xf32>
        %swap3A_338 = arith.constant 0 : i32
        %swap3A_339 = arith.index_cast %swap3A_338 : i32 to index
        %swap3A_340 = arith.index_cast %scan3A_274 : i32 to index
        %swap3A_341 = arith.constant 112 : index
        %swap3A_342 = tpu.vector_load %arg8[%swap3A_339, %swap3A_340, %swap3A_341] {strides = array<i32>} : memref<7x40x128xf32, #tpu.memory_space<vmem>>, vector<1x1x16xf32>,
        %swap3A_343 = vector.shape_cast %swap3A_342 : vector<1x1x16xf32> to vector<16xf32>
        %swap3A_344 = vector.shape_cast %broadcast_in_dim3A_337 : vector<16xf32> to vector<1x1x16xf32>
        tpu.vector_store %arg8[%swap3A_339, %swap3A_340, %swap3A_341], %swap3A_344 {strides = array<i32>} : memref<7x40x128xf32, #tpu.memory_space<vmem>>, vector<1x1x16xf32>,
      }
      %scan3A_226 = arith.constant 40 : i32
      %add3A_227 = arith.constant 0 : i32
      %add3A_228 = arith.addi %multiple_of3A, %add3A_227 : i32
      %run_scoped3A = arith.constant 0 : i32
      "tpu.region"() ({
        %run_scoped3A_274 = tpu.sem_alloc : memref<!tpu.dma_semaphore, #tpu.memory_space<semaphore_mem>>
        %dma_start3A_275 = arith.constant 0 : i32
        %dma_start3A_276 = arith.constant 0 : i32
        %dma_start3A_277 = tpu.memref_slice %arg8[%run_scoped3A, %dma_start3A_275, %dma_start3A_276] : memref<7x40x128xf32, #tpu.memory_space<vmem>> -> memref<1x40x128xf32, #tpu.memory_space<vmem>>
        %dma_start3A_278 = tpu.memref_squeeze %dma_start3A_277 : memref<1x40x128xf32, #tpu.memory_space<vmem>> -> memref<40x128xf32, #tpu.memory_space<vmem>>
        %dma_start3A_279 = arith.constant 0 : i32
        %dma_start3A_280 = tpu.memref_slice %arg9[%add3A_228, %dma_start3A_279] : memref<10000x128xf32, #tpu.memory_space<vmem_shared>> -> memref<40x128xf32, #tpu.memory_space<vmem_shared>>
        %dma_start3A_281 = arith.constant 0 : i32
        %dma_start3A_282 = tpu.memref_slice %arg9[%add3A_228, %dma_start3A_281] : memref<10000x128xf32, #tpu.memory_space<vmem_shared>> -> memref<40x128xf32, #tpu.memory_space<vmem_shared>>
        %dma_start3A_283 = arith.constant 0 : i32
        %dma_start3A_284 = arith.constant 0 : i32
        %dma_start3A_285 = tpu.memref_slice %arg8[%run_scoped3A, %dma_start3A_283, %dma_start3A_284] : memref<7x40x128xf32, #tpu.memory_space<vmem>> -> memref<1x40x128xf32, #tpu.memory_space<vmem>>
        %dma_start3A_286 = tpu.memref_squeeze %dma_start3A_285 : memref<1x40x128xf32, #tpu.memory_space<vmem>> -> memref<40x128xf32, #tpu.memory_space<vmem>>
        tpu.enqueue_dma source(%dma_start3A_286 : memref<40x128xf32, #tpu.memory_space<vmem>>) target(%dma_start3A_282 : memref<40x128xf32, #tpu.memory_space<vmem_shared>>) target_semaphore(%run_scoped3A_274 : memref<!tpu.dma_semaphore, #tpu.memory_space<semaphore_mem>>)
        %dma_wait3A_287 = arith.constant 0 : i32
        %dma_wait3A_288 = arith.constant 0 : i32
        %dma_wait3A_289 = tpu.memref_slice %arg8[%run_scoped3A, %dma_wait3A_287, %dma_wait3A_288] : memref<7x40x128xf32, #tpu.memory_space<vmem>> -> memref<1x40x128xf32, #tpu.memory_space<vmem>>
        %dma_wait3A_290 = tpu.memref_squeeze %dma_wait3A_289 : memref<1x40x128xf32, #tpu.memory_space<vmem>> -> memref<40x128xf32, #tpu.memory_space<vmem>>
        %dma_wait3A_291 = arith.constant 0 : i32
        %dma_wait3A_292 = tpu.memref_slice %arg9[%add3A_228, %dma_wait3A_291] : memref<10000x128xf32, #tpu.memory_space<vmem_shared>> -> memref<40x128xf32, #tpu.memory_space<vmem_shared>>
        %dma_wait3A_293 = arith.constant 0 : i32
        %dma_wait3A_294 = tpu.memref_slice %arg9[%add3A_228, %dma_wait3A_293] : memref<10000x128xf32, #tpu.memory_space<vmem_shared>> -> memref<40x128xf32, #tpu.memory_space<vmem_shared>>
        %dma_wait3A_295 = arith.constant 0 : i32
        %dma_wait3A_296 = arith.constant 0 : i32
        %dma_wait3A_297 = tpu.memref_slice %arg8[%run_scoped3A, %dma_wait3A_295, %dma_wait3A_296] : memref<7x40x128xf32, #tpu.memory_space<vmem>> -> memref<1x40x128xf32, #tpu.memory_space<vmem>>
        %dma_wait3A_298 = tpu.memref_squeeze %dma_wait3A_297 : memref<1x40x128xf32, #tpu.memory_space<vmem>> -> memref<40x128xf32, #tpu.memory_space<vmem>>
        tpu.wait_dma2 semaphore(%run_scoped3A_274 : memref<!tpu.dma_semaphore, #tpu.memory_space<semaphore_mem>>) src(%dma_wait3A_298 : memref<40x128xf32, #tpu.memory_space<vmem>>) dst(%dma_wait3A_294 : memref<40x128xf32, #tpu.memory_space<vmem_shared>>)
        tpu.yield
      }) : () -> ()
      %add3A_229 = arith.constant 40 : i32
      %add3A_230 = arith.addi %multiple_of3A, %add3A_229 : i32
      %run_scoped3A_231 = arith.constant 0 : i32
      "tpu.region"() ({
        %run_scoped3A_274 = tpu.sem_alloc : memref<!tpu.dma_semaphore, #tpu.memory_space<semaphore_mem>>
        %dma_start3A_275 = arith.constant 0 : i32
        %dma_start3A_276 = arith.constant 0 : i32
        %dma_start3A_277 = tpu.memref_slice %arg8[%run_scoped3A_231, %dma_start3A_275, %dma_start3A_276] : memref<7x40x128xf32, #tpu.memory_space<vmem>> -> memref<1x40x128xf32, #tpu.memory_space<vmem>>
        %dma_start3A_278 = tpu.memref_squeeze %dma_start3A_277 : memref<1x40x128xf32, #tpu.memory_space<vmem>> -> memref<40x128xf32, #tpu.memory_space<vmem>>
        %dma_start3A_279 = arith.constant 0 : i32
        %dma_start3A_280 = tpu.memref_slice %arg9[%add3A_230, %dma_start3A_279] : memref<10000x128xf32, #tpu.memory_space<vmem_shared>> -> memref<40x128xf32, #tpu.memory_space<vmem_shared>>
        %dma_start3A_281 = arith.constant 0 : i32
        %dma_start3A_282 = tpu.memref_slice %arg9[%add3A_230, %dma_start3A_281] : memref<10000x128xf32, #tpu.memory_space<vmem_shared>> -> memref<40x128xf32, #tpu.memory_space<vmem_shared>>
        %dma_start3A_283 = arith.constant 0 : i32
        %dma_start3A_284 = arith.constant 0 : i32
        %dma_start3A_285 = tpu.memref_slice %arg8[%run_scoped3A_231, %dma_start3A_283, %dma_start3A_284] : memref<7x40x128xf32, #tpu.memory_space<vmem>> -> memref<1x40x128xf32, #tpu.memory_space<vmem>>
        %dma_start3A_286 = tpu.memref_squeeze %dma_start3A_285 : memref<1x40x128xf32, #tpu.memory_space<vmem>> -> memref<40x128xf32, #tpu.memory_space<vmem>>
        tpu.enqueue_dma source(%dma_start3A_286 : memref<40x128xf32, #tpu.memory_space<vmem>>) target(%dma_start3A_282 : memref<40x128xf32, #tpu.memory_space<vmem_shared>>) target_semaphore(%run_scoped3A_274 : memref<!tpu.dma_semaphore, #tpu.memory_space<semaphore_mem>>)
        %dma_wait3A_287 = arith.constant 0 : i32
        %dma_wait3A_288 = arith.constant 0 : i32
        %dma_wait3A_289 = tpu.memref_slice %arg8[%run_scoped3A_231, %dma_wait3A_287, %dma_wait3A_288] : memref<7x40x128xf32, #tpu.memory_space<vmem>> -> memref<1x40x128xf32, #tpu.memory_space<vmem>>
        %dma_wait3A_290 = tpu.memref_squeeze %dma_wait3A_289 : memref<1x40x128xf32, #tpu.memory_space<vmem>> -> memref<40x128xf32, #tpu.memory_space<vmem>>
        %dma_wait3A_291 = arith.constant 0 : i32
        %dma_wait3A_292 = tpu.memref_slice %arg9[%add3A_230, %dma_wait3A_291] : memref<10000x128xf32, #tpu.memory_space<vmem_shared>> -> memref<40x128xf32, #tpu.memory_space<vmem_shared>>
        %dma_wait3A_293 = arith.constant 0 : i32
        %dma_wait3A_294 = tpu.memref_slice %arg9[%add3A_230, %dma_wait3A_293] : memref<10000x128xf32, #tpu.memory_space<vmem_shared>> -> memref<40x128xf32, #tpu.memory_space<vmem_shared>>
        %dma_wait3A_295 = arith.constant 0 : i32
        %dma_wait3A_296 = arith.constant 0 : i32
        %dma_wait3A_297 = tpu.memref_slice %arg8[%run_scoped3A_231, %dma_wait3A_295, %dma_wait3A_296] : memref<7x40x128xf32, #tpu.memory_space<vmem>> -> memref<1x40x128xf32, #tpu.memory_space<vmem>>
        %dma_wait3A_298 = tpu.memref_squeeze %dma_wait3A_297 : memref<1x40x128xf32, #tpu.memory_space<vmem>> -> memref<40x128xf32, #tpu.memory_space<vmem>>
        tpu.wait_dma2 semaphore(%run_scoped3A_274 : memref<!tpu.dma_semaphore, #tpu.memory_space<semaphore_mem>>) src(%dma_wait3A_298 : memref<40x128xf32, #tpu.memory_space<vmem>>) dst(%dma_wait3A_294 : memref<40x128xf32, #tpu.memory_space<vmem_shared>>)
        tpu.yield
      }) : () -> ()
      %add3A_232 = arith.constant 80 : i32
      %add3A_233 = arith.addi %multiple_of3A, %add3A_232 : i32
      %run_scoped3A_234 = arith.constant 0 : i32
      "tpu.region"() ({
        %run_scoped3A_274 = tpu.sem_alloc : memref<!tpu.dma_semaphore, #tpu.memory_space<semaphore_mem>>
        %dma_start3A_275 = arith.constant 0 : i32
        %dma_start3A_276 = arith.constant 0 : i32
        %dma_start3A_277 = tpu.memref_slice %arg8[%run_scoped3A_234, %dma_start3A_275, %dma_start3A_276] : memref<7x40x128xf32, #tpu.memory_space<vmem>> -> memref<1x40x128xf32, #tpu.memory_space<vmem>>
        %dma_start3A_278 = tpu.memref_squeeze %dma_start3A_277 : memref<1x40x128xf32, #tpu.memory_space<vmem>> -> memref<40x128xf32, #tpu.memory_space<vmem>>
        %dma_start3A_279 = arith.constant 0 : i32
        %dma_start3A_280 = tpu.memref_slice %arg9[%add3A_233, %dma_start3A_279] : memref<10000x128xf32, #tpu.memory_space<vmem_shared>> -> memref<40x128xf32, #tpu.memory_space<vmem_shared>>
        %dma_start3A_281 = arith.constant 0 : i32
        %dma_start3A_282 = tpu.memref_slice %arg9[%add3A_233, %dma_start3A_281] : memref<10000x128xf32, #tpu.memory_space<vmem_shared>> -> memref<40x128xf32, #tpu.memory_space<vmem_shared>>
        %dma_start3A_283 = arith.constant 0 : i32
        %dma_start3A_284 = arith.constant 0 : i32
        %dma_start3A_285 = tpu.memref_slice %arg8[%run_scoped3A_234, %dma_start3A_283, %dma_start3A_284] : memref<7x40x128xf32, #tpu.memory_space<vmem>> -> memref<1x40x128xf32, #tpu.memory_space<vmem>>
        %dma_start3A_286 = tpu.memref_squeeze %dma_start3A_285 : memref<1x40x128xf32, #tpu.memory_space<vmem>> -> memref<40x128xf32, #tpu.memory_space<vmem>>
        tpu.enqueue_dma source(%dma_start3A_286 : memref<40x128xf32, #tpu.memory_space<vmem>>) target(%dma_start3A_282 : memref<40x128xf32, #tpu.memory_space<vmem_shared>>) target_semaphore(%run_scoped3A_274 : memref<!tpu.dma_semaphore, #tpu.memory_space<semaphore_mem>>)
        %dma_wait3A_287 = arith.constant 0 : i32
        %dma_wait3A_288 = arith.constant 0 : i32
        %dma_wait3A_289 = tpu.memref_slice %arg8[%run_scoped3A_234, %dma_wait3A_287, %dma_wait3A_288] : memref<7x40x128xf32, #tpu.memory_space<vmem>> -> memref<1x40x128xf32, #tpu.memory_space<vmem>>
        %dma_wait3A_290 = tpu.memref_squeeze %dma_wait3A_289 : memref<1x40x128xf32, #tpu.memory_space<vmem>> -> memref<40x128xf32, #tpu.memory_space<vmem>>
        %dma_wait3A_291 = arith.constant 0 : i32
        %dma_wait3A_292 = tpu.memref_slice %arg9[%add3A_233, %dma_wait3A_291] : memref<10000x128xf32, #tpu.memory_space<vmem_shared>> -> memref<40x128xf32, #tpu.memory_space<vmem_shared>>
        %dma_wait3A_293 = arith.constant 0 : i32
        %dma_wait3A_294 = tpu.memref_slice %arg9[%add3A_233, %dma_wait3A_293] : memref<10000x128xf32, #tpu.memory_space<vmem_shared>> -> memref<40x128xf32, #tpu.memory_space<vmem_shared>>
        %dma_wait3A_295 = arith.constant 0 : i32
        %dma_wait3A_296 = arith.constant 0 : i32
        %dma_wait3A_297 = tpu.memref_slice %arg8[%run_scoped3A_234, %dma_wait3A_295, %dma_wait3A_296] : memref<7x40x128xf32, #tpu.memory_space<vmem>> -> memref<1x40x128xf32, #tpu.memory_space<vmem>>
        %dma_wait3A_298 = tpu.memref_squeeze %dma_wait3A_297 : memref<1x40x128xf32, #tpu.memory_space<vmem>> -> memref<40x128xf32, #tpu.memory_space<vmem>>
        tpu.wait_dma2 semaphore(%run_scoped3A_274 : memref<!tpu.dma_semaphore, #tpu.memory_space<semaphore_mem>>) src(%dma_wait3A_298 : memref<40x128xf32, #tpu.memory_space<vmem>>) dst(%dma_wait3A_294 : memref<40x128xf32, #tpu.memory_space<vmem_shared>>)
        tpu.yield
      }) : () -> ()
      %add3A_235 = arith.constant 120 : i32
      %add3A_236 = arith.addi %multiple_of3A, %add3A_235 : i32
      %run_scoped3A_237 = arith.constant 0 : i32
      "tpu.region"() ({
        %run_scoped3A_274 = tpu.sem_alloc : memref<!tpu.dma_semaphore, #tpu.memory_space<semaphore_mem>>
        %dma_start3A_275 = arith.constant 0 : i32
        %dma_start3A_276 = arith.constant 0 : i32
        %dma_start3A_277 = tpu.memref_slice %arg8[%run_scoped3A_237, %dma_start3A_275, %dma_start3A_276] : memref<7x40x128xf32, #tpu.memory_space<vmem>> -> memref<1x40x128xf32, #tpu.memory_space<vmem>>
        %dma_start3A_278 = tpu.memref_squeeze %dma_start3A_277 : memref<1x40x128xf32, #tpu.memory_space<vmem>> -> memref<40x128xf32, #tpu.memory_space<vmem>>
        %dma_start3A_279 = arith.constant 0 : i32
        %dma_start3A_280 = tpu.memref_slice %arg9[%add3A_236, %dma_start3A_279] : memref<10000x128xf32, #tpu.memory_space<vmem_shared>> -> memref<40x128xf32, #tpu.memory_space<vmem_shared>>
        %dma_start3A_281 = arith.constant 0 : i32
        %dma_start3A_282 = tpu.memref_slice %arg9[%add3A_236, %dma_start3A_281] : memref<10000x128xf32, #tpu.memory_space<vmem_shared>> -> memref<40x128xf32, #tpu.memory_space<vmem_shared>>
        %dma_start3A_283 = arith.constant 0 : i32
        %dma_start3A_284 = arith.constant 0 : i32
        %dma_start3A_285 = tpu.memref_slice %arg8[%run_scoped3A_237, %dma_start3A_283, %dma_start3A_284] : memref<7x40x128xf32, #tpu.memory_space<vmem>> -> memref<1x40x128xf32, #tpu.memory_space<vmem>>
        %dma_start3A_286 = tpu.memref_squeeze %dma_start3A_285 : memref<1x40x128xf32, #tpu.memory_space<vmem>> -> memref<40x128xf32, #tpu.memory_space<vmem>>
        tpu.enqueue_dma source(%dma_start3A_286 : memref<40x128xf32, #tpu.memory_space<vmem>>) target(%dma_start3A_282 : memref<40x128xf32, #tpu.memory_space<vmem_shared>>) target_semaphore(%run_scoped3A_274 : memref<!tpu.dma_semaphore, #tpu.memory_space<semaphore_mem>>)
        %dma_wait3A_287 = arith.constant 0 : i32
        %dma_wait3A_288 = arith.constant 0 : i32
        %dma_wait3A_289 = tpu.memref_slice %arg8[%run_scoped3A_237, %dma_wait3A_287, %dma_wait3A_288] : memref<7x40x128xf32, #tpu.memory_space<vmem>> -> memref<1x40x128xf32, #tpu.memory_space<vmem>>
        %dma_wait3A_290 = tpu.memref_squeeze %dma_wait3A_289 : memref<1x40x128xf32, #tpu.memory_space<vmem>> -> memref<40x128xf32, #tpu.memory_space<vmem>>
        %dma_wait3A_291 = arith.constant 0 : i32
        %dma_wait3A_292 = tpu.memref_slice %arg9[%add3A_236, %dma_wait3A_291] : memref<10000x128xf32, #tpu.memory_space<vmem_shared>> -> memref<40x128xf32, #tpu.memory_space<vmem_shared>>
        %dma_wait3A_293 = arith.constant 0 : i32
        %dma_wait3A_294 = tpu.memref_slice %arg9[%add3A_236, %dma_wait3A_293] : memref<10000x128xf32, #tpu.memory_space<vmem_shared>> -> memref<40x128xf32, #tpu.memory_space<vmem_shared>>
        %dma_wait3A_295 = arith.constant 0 : i32
        %dma_wait3A_296 = arith.constant 0 : i32
        %dma_wait3A_297 = tpu.memref_slice %arg8[%run_scoped3A_237, %dma_wait3A_295, %dma_wait3A_296] : memref<7x40x128xf32, #tpu.memory_space<vmem>> -> memref<1x40x128xf32, #tpu.memory_space<vmem>>
        %dma_wait3A_298 = tpu.memref_squeeze %dma_wait3A_297 : memref<1x40x128xf32, #tpu.memory_space<vmem>> -> memref<40x128xf32, #tpu.memory_space<vmem>>
        tpu.wait_dma2 semaphore(%run_scoped3A_274 : memref<!tpu.dma_semaphore, #tpu.memory_space<semaphore_mem>>) src(%dma_wait3A_298 : memref<40x128xf32, #tpu.memory_space<vmem>>) dst(%dma_wait3A_294 : memref<40x128xf32, #tpu.memory_space<vmem_shared>>)
        tpu.yield
      }) : () -> ()
      %add3A_238 = arith.constant 160 : i32
      %add3A_239 = arith.addi %multiple_of3A, %add3A_238 : i32
      %run_scoped3A_240 = arith.constant 0 : i32
      "tpu.region"() ({
        %run_scoped3A_274 = tpu.sem_alloc : memref<!tpu.dma_semaphore, #tpu.memory_space<semaphore_mem>>
        %dma_start3A_275 = arith.constant 0 : i32
        %dma_start3A_276 = arith.constant 0 : i32
        %dma_start3A_277 = tpu.memref_slice %arg8[%run_scoped3A_240, %dma_start3A_275, %dma_start3A_276] : memref<7x40x128xf32, #tpu.memory_space<vmem>> -> memref<1x40x128xf32, #tpu.memory_space<vmem>>
        %dma_start3A_278 = tpu.memref_squeeze %dma_start3A_277 : memref<1x40x128xf32, #tpu.memory_space<vmem>> -> memref<40x128xf32, #tpu.memory_space<vmem>>
        %dma_start3A_279 = arith.constant 0 : i32
        %dma_start3A_280 = tpu.memref_slice %arg9[%add3A_239, %dma_start3A_279] : memref<10000x128xf32, #tpu.memory_space<vmem_shared>> -> memref<40x128xf32, #tpu.memory_space<vmem_shared>>
        %dma_start3A_281 = arith.constant 0 : i32
        %dma_start3A_282 = tpu.memref_slice %arg9[%add3A_239, %dma_start3A_281] : memref<10000x128xf32, #tpu.memory_space<vmem_shared>> -> memref<40x128xf32, #tpu.memory_space<vmem_shared>>
        %dma_start3A_283 = arith.constant 0 : i32
        %dma_start3A_284 = arith.constant 0 : i32
        %dma_start3A_285 = tpu.memref_slice %arg8[%run_scoped3A_240, %dma_start3A_283, %dma_start3A_284] : memref<7x40x128xf32, #tpu.memory_space<vmem>> -> memref<1x40x128xf32, #tpu.memory_space<vmem>>
        %dma_start3A_286 = tpu.memref_squeeze %dma_start3A_285 : memref<1x40x128xf32, #tpu.memory_space<vmem>> -> memref<40x128xf32, #tpu.memory_space<vmem>>
        tpu.enqueue_dma source(%dma_start3A_286 : memref<40x128xf32, #tpu.memory_space<vmem>>) target(%dma_start3A_282 : memref<40x128xf32, #tpu.memory_space<vmem_shared>>) target_semaphore(%run_scoped3A_274 : memref<!tpu.dma_semaphore, #tpu.memory_space<semaphore_mem>>)
        %dma_wait3A_287 = arith.constant 0 : i32
        %dma_wait3A_288 = arith.constant 0 : i32
        %dma_wait3A_289 = tpu.memref_slice %arg8[%run_scoped3A_240, %dma_wait3A_287, %dma_wait3A_288] : memref<7x40x128xf32, #tpu.memory_space<vmem>> -> memref<1x40x128xf32, #tpu.memory_space<vmem>>
        %dma_wait3A_290 = tpu.memref_squeeze %dma_wait3A_289 : memref<1x40x128xf32, #tpu.memory_space<vmem>> -> memref<40x128xf32, #tpu.memory_space<vmem>>
        %dma_wait3A_291 = arith.constant 0 : i32
        %dma_wait3A_292 = tpu.memref_slice %arg9[%add3A_239, %dma_wait3A_291] : memref<10000x128xf32, #tpu.memory_space<vmem_shared>> -> memref<40x128xf32, #tpu.memory_space<vmem_shared>>
        %dma_wait3A_293 = arith.constant 0 : i32
        %dma_wait3A_294 = tpu.memref_slice %arg9[%add3A_239, %dma_wait3A_293] : memref<10000x128xf32, #tpu.memory_space<vmem_shared>> -> memref<40x128xf32, #tpu.memory_space<vmem_shared>>
        %dma_wait3A_295 = arith.constant 0 : i32
        %dma_wait3A_296 = arith.constant 0 : i32
        %dma_wait3A_297 = tpu.memref_slice %arg8[%run_scoped3A_240, %dma_wait3A_295, %dma_wait3A_296] : memref<7x40x128xf32, #tpu.memory_space<vmem>> -> memref<1x40x128xf32, #tpu.memory_space<vmem>>
        %dma_wait3A_298 = tpu.memref_squeeze %dma_wait3A_297 : memref<1x40x128xf32, #tpu.memory_space<vmem>> -> memref<40x128xf32, #tpu.memory_space<vmem>>
        tpu.wait_dma2 semaphore(%run_scoped3A_274 : memref<!tpu.dma_semaphore, #tpu.memory_space<semaphore_mem>>) src(%dma_wait3A_298 : memref<40x128xf32, #tpu.memory_space<vmem>>) dst(%dma_wait3A_294 : memref<40x128xf32, #tpu.memory_space<vmem_shared>>)
        tpu.yield
      }) : () -> ()
      %add3A_241 = arith.constant 200 : i32
      %add3A_242 = arith.addi %multiple_of3A, %add3A_241 : i32
      %run_scoped3A_243 = arith.constant 0 : i32
      "tpu.region"() ({
        %run_scoped3A_274 = tpu.sem_alloc : memref<!tpu.dma_semaphore, #tpu.memory_space<semaphore_mem>>
        %dma_start3A_275 = arith.constant 0 : i32
        %dma_start3A_276 = arith.constant 0 : i32
        %dma_start3A_277 = tpu.memref_slice %arg8[%run_scoped3A_243, %dma_start3A_275, %dma_start3A_276] : memref<7x40x128xf32, #tpu.memory_space<vmem>> -> memref<1x40x128xf32, #tpu.memory_space<vmem>>
        %dma_start3A_278 = tpu.memref_squeeze %dma_start3A_277 : memref<1x40x128xf32, #tpu.memory_space<vmem>> -> memref<40x128xf32, #tpu.memory_space<vmem>>
        %dma_start3A_279 = arith.constant 0 : i32
        %dma_start3A_280 = tpu.memref_slice %arg9[%add3A_242, %dma_start3A_279] : memref<10000x128xf32, #tpu.memory_space<vmem_shared>> -> memref<40x128xf32, #tpu.memory_space<vmem_shared>>
        %dma_start3A_281 = arith.constant 0 : i32
        %dma_start3A_282 = tpu.memref_slice %arg9[%add3A_242, %dma_start3A_281] : memref<10000x128xf32, #tpu.memory_space<vmem_shared>> -> memref<40x128xf32, #tpu.memory_space<vmem_shared>>
        %dma_start3A_283 = arith.constant 0 : i32
        %dma_start3A_284 = arith.constant 0 : i32
        %dma_start3A_285 = tpu.memref_slice %arg8[%run_scoped3A_243, %dma_start3A_283, %dma_start3A_284] : memref<7x40x128xf32, #tpu.memory_space<vmem>> -> memref<1x40x128xf32, #tpu.memory_space<vmem>>
        %dma_start3A_286 = tpu.memref_squeeze %dma_start3A_285 : memref<1x40x128xf32, #tpu.memory_space<vmem>> -> memref<40x128xf32, #tpu.memory_space<vmem>>
        tpu.enqueue_dma source(%dma_start3A_286 : memref<40x128xf32, #tpu.memory_space<vmem>>) target(%dma_start3A_282 : memref<40x128xf32, #tpu.memory_space<vmem_shared>>) target_semaphore(%run_scoped3A_274 : memref<!tpu.dma_semaphore, #tpu.memory_space<semaphore_mem>>)
        %dma_wait3A_287 = arith.constant 0 : i32
        %dma_wait3A_288 = arith.constant 0 : i32
        %dma_wait3A_289 = tpu.memref_slice %arg8[%run_scoped3A_243, %dma_wait3A_287, %dma_wait3A_288] : memref<7x40x128xf32, #tpu.memory_space<vmem>> -> memref<1x40x128xf32, #tpu.memory_space<vmem>>
        %dma_wait3A_290 = tpu.memref_squeeze %dma_wait3A_289 : memref<1x40x128xf32, #tpu.memory_space<vmem>> -> memref<40x128xf32, #tpu.memory_space<vmem>>
        %dma_wait3A_291 = arith.constant 0 : i32
        %dma_wait3A_292 = tpu.memref_slice %arg9[%add3A_242, %dma_wait3A_291] : memref<10000x128xf32, #tpu.memory_space<vmem_shared>> -> memref<40x128xf32, #tpu.memory_space<vmem_shared>>
        %dma_wait3A_293 = arith.constant 0 : i32
        %dma_wait3A_294 = tpu.memref_slice %arg9[%add3A_242, %dma_wait3A_293] : memref<10000x128xf32, #tpu.memory_space<vmem_shared>> -> memref<40x128xf32, #tpu.memory_space<vmem_shared>>
        %dma_wait3A_295 = arith.constant 0 : i32
        %dma_wait3A_296 = arith.constant 0 : i32
        %dma_wait3A_297 = tpu.memref_slice %arg8[%run_scoped3A_243, %dma_wait3A_295, %dma_wait3A_296] : memref<7x40x128xf32, #tpu.memory_space<vmem>> -> memref<1x40x128xf32, #tpu.memory_space<vmem>>
        %dma_wait3A_298 = tpu.memref_squeeze %dma_wait3A_297 : memref<1x40x128xf32, #tpu.memory_space<vmem>> -> memref<40x128xf32, #tpu.memory_space<vmem>>
        tpu.wait_dma2 semaphore(%run_scoped3A_274 : memref<!tpu.dma_semaphore, #tpu.memory_space<semaphore_mem>>) src(%dma_wait3A_298 : memref<40x128xf32, #tpu.memory_space<vmem>>) dst(%dma_wait3A_294 : memref<40x128xf32, #tpu.memory_space<vmem_shared>>)
        tpu.yield
      }) : () -> ()
      %add3A_244 = arith.constant 240 : i32
      %add3A_245 = arith.addi %multiple_of3A, %add3A_244 : i32
      %run_scoped3A_246 = arith.constant 0 : i32
      "tpu.region"() ({
        %run_scoped3A_274 = tpu.sem_alloc : memref<!tpu.dma_semaphore, #tpu.memory_space<semaphore_mem>>
        %dma_start3A_275 = arith.constant 0 : i32
        %dma_start3A_276 = arith.constant 0 : i32
        %dma_start3A_277 = tpu.memref_slice %arg8[%run_scoped3A_246, %dma_start3A_275, %dma_start3A_276] : memref<7x40x128xf32, #tpu.memory_space<vmem>> -> memref<1x40x128xf32, #tpu.memory_space<vmem>>
        %dma_start3A_278 = tpu.memref_squeeze %dma_start3A_277 : memref<1x40x128xf32, #tpu.memory_space<vmem>> -> memref<40x128xf32, #tpu.memory_space<vmem>>
        %dma_start3A_279 = arith.constant 0 : i32
        %dma_start3A_280 = tpu.memref_slice %arg9[%add3A_245, %dma_start3A_279] : memref<10000x128xf32, #tpu.memory_space<vmem_shared>> -> memref<40x128xf32, #tpu.memory_space<vmem_shared>>
        %dma_start3A_281 = arith.constant 0 : i32
        %dma_start3A_282 = tpu.memref_slice %arg9[%add3A_245, %dma_start3A_281] : memref<10000x128xf32, #tpu.memory_space<vmem_shared>> -> memref<40x128xf32, #tpu.memory_space<vmem_shared>>
        %dma_start3A_283 = arith.constant 0 : i32
        %dma_start3A_284 = arith.constant 0 : i32
        %dma_start3A_285 = tpu.memref_slice %arg8[%run_scoped3A_246, %dma_start3A_283, %dma_start3A_284] : memref<7x40x128xf32, #tpu.memory_space<vmem>> -> memref<1x40x128xf32, #tpu.memory_space<vmem>>
        %dma_start3A_286 = tpu.memref_squeeze %dma_start3A_285 : memref<1x40x128xf32, #tpu.memory_space<vmem>> -> memref<40x128xf32, #tpu.memory_space<vmem>>
        tpu.enqueue_dma source(%dma_start3A_286 : memref<40x128xf32, #tpu.memory_space<vmem>>) target(%dma_start3A_282 : memref<40x128xf32, #tpu.memory_space<vmem_shared>>) target_semaphore(%run_scoped3A_274 : memref<!tpu.dma_semaphore, #tpu.memory_space<semaphore_mem>>)
        %dma_wait3A_287 = arith.constant 0 : i32
        %dma_wait3A_288 = arith.constant 0 : i32
        %dma_wait3A_289 = tpu.memref_slice %arg8[%run_scoped3A_246, %dma_wait3A_287, %dma_wait3A_288] : memref<7x40x128xf32, #tpu.memory_space<vmem>> -> memref<1x40x128xf32, #tpu.memory_space<vmem>>
        %dma_wait3A_290 = tpu.memref_squeeze %dma_wait3A_289 : memref<1x40x128xf32, #tpu.memory_space<vmem>> -> memref<40x128xf32, #tpu.memory_space<vmem>>
        %dma_wait3A_291 = arith.constant 0 : i32
        %dma_wait3A_292 = tpu.memref_slice %arg9[%add3A_245, %dma_wait3A_291] : memref<10000x128xf32, #tpu.memory_space<vmem_shared>> -> memref<40x128xf32, #tpu.memory_space<vmem_shared>>
        %dma_wait3A_293 = arith.constant 0 : i32
        %dma_wait3A_294 = tpu.memref_slice %arg9[%add3A_245, %dma_wait3A_293] : memref<10000x128xf32, #tpu.memory_space<vmem_shared>> -> memref<40x128xf32, #tpu.memory_space<vmem_shared>>
        %dma_wait3A_295 = arith.constant 0 : i32
        %dma_wait3A_296 = arith.constant 0 : i32
        %dma_wait3A_297 = tpu.memref_slice %arg8[%run_scoped3A_246, %dma_wait3A_295, %dma_wait3A_296] : memref<7x40x128xf32, #tpu.memory_space<vmem>> -> memref<1x40x128xf32, #tpu.memory_space<vmem>>
        %dma_wait3A_298 = tpu.memref_squeeze %dma_wait3A_297 : memref<1x40x128xf32, #tpu.memory_space<vmem>> -> memref<40x128xf32, #tpu.memory_space<vmem>>
        tpu.wait_dma2 semaphore(%run_scoped3A_274 : memref<!tpu.dma_semaphore, #tpu.memory_space<semaphore_mem>>) src(%dma_wait3A_298 : memref<40x128xf32, #tpu.memory_space<vmem>>) dst(%dma_wait3A_294 : memref<40x128xf32, #tpu.memory_space<vmem_shared>>)
        tpu.yield
      }) : () -> ()
      %add3A_247 = arith.constant 280 : i32
      %add3A_248 = arith.addi %multiple_of3A, %add3A_247 : i32
      %run_scoped3A_249 = arith.constant 0 : i32
      "tpu.region"() ({
        %run_scoped3A_274 = tpu.sem_alloc : memref<!tpu.dma_semaphore, #tpu.memory_space<semaphore_mem>>
        %dma_start3A_275 = arith.constant 0 : i32
        %dma_start3A_276 = arith.constant 0 : i32
        %dma_start3A_277 = tpu.memref_slice %arg8[%run_scoped3A_249, %dma_start3A_275, %dma_start3A_276] : memref<7x40x128xf32, #tpu.memory_space<vmem>> -> memref<1x40x128xf32, #tpu.memory_space<vmem>>
        %dma_start3A_278 = tpu.memref_squeeze %dma_start3A_277 : memref<1x40x128xf32, #tpu.memory_space<vmem>> -> memref<40x128xf32, #tpu.memory_space<vmem>>
        %dma_start3A_279 = arith.constant 0 : i32
        %dma_start3A_280 = tpu.memref_slice %arg9[%add3A_248, %dma_start3A_279] : memref<10000x128xf32, #tpu.memory_space<vmem_shared>> -> memref<40x128xf32, #tpu.memory_space<vmem_shared>>
        %dma_start3A_281 = arith.constant 0 : i32
        %dma_start3A_282 = tpu.memref_slice %arg9[%add3A_248, %dma_start3A_281] : memref<10000x128xf32, #tpu.memory_space<vmem_shared>> -> memref<40x128xf32, #tpu.memory_space<vmem_shared>>
        %dma_start3A_283 = arith.constant 0 : i32
        %dma_start3A_284 = arith.constant 0 : i32
        %dma_start3A_285 = tpu.memref_slice %arg8[%run_scoped3A_249, %dma_start3A_283, %dma_start3A_284] : memref<7x40x128xf32, #tpu.memory_space<vmem>> -> memref<1x40x128xf32, #tpu.memory_space<vmem>>
        %dma_start3A_286 = tpu.memref_squeeze %dma_start3A_285 : memref<1x40x128xf32, #tpu.memory_space<vmem>> -> memref<40x128xf32, #tpu.memory_space<vmem>>
        tpu.enqueue_dma source(%dma_start3A_286 : memref<40x128xf32, #tpu.memory_space<vmem>>) target(%dma_start3A_282 : memref<40x128xf32, #tpu.memory_space<vmem_shared>>) target_semaphore(%run_scoped3A_274 : memref<!tpu.dma_semaphore, #tpu.memory_space<semaphore_mem>>)
        %dma_wait3A_287 = arith.constant 0 : i32
        %dma_wait3A_288 = arith.constant 0 : i32
        %dma_wait3A_289 = tpu.memref_slice %arg8[%run_scoped3A_249, %dma_wait3A_287, %dma_wait3A_288] : memref<7x40x128xf32, #tpu.memory_space<vmem>> -> memref<1x40x128xf32, #tpu.memory_space<vmem>>
        %dma_wait3A_290 = tpu.memref_squeeze %dma_wait3A_289 : memref<1x40x128xf32, #tpu.memory_space<vmem>> -> memref<40x128xf32, #tpu.memory_space<vmem>>
        %dma_wait3A_291 = arith.constant 0 : i32
        %dma_wait3A_292 = tpu.memref_slice %arg9[%add3A_248, %dma_wait3A_291] : memref<10000x128xf32, #tpu.memory_space<vmem_shared>> -> memref<40x128xf32, #tpu.memory_space<vmem_shared>>
        %dma_wait3A_293 = arith.constant 0 : i32
        %dma_wait3A_294 = tpu.memref_slice %arg9[%add3A_248, %dma_wait3A_293] : memref<10000x128xf32, #tpu.memory_space<vmem_shared>> -> memref<40x128xf32, #tpu.memory_space<vmem_shared>>
        %dma_wait3A_295 = arith.constant 0 : i32
        %dma_wait3A_296 = arith.constant 0 : i32
        %dma_wait3A_297 = tpu.memref_slice %arg8[%run_scoped3A_249, %dma_wait3A_295, %dma_wait3A_296] : memref<7x40x128xf32, #tpu.memory_space<vmem>> -> memref<1x40x128xf32, #tpu.memory_space<vmem>>
        %dma_wait3A_298 = tpu.memref_squeeze %dma_wait3A_297 : memref<1x40x128xf32, #tpu.memory_space<vmem>> -> memref<40x128xf32, #tpu.memory_space<vmem>>
        tpu.wait_dma2 semaphore(%run_scoped3A_274 : memref<!tpu.dma_semaphore, #tpu.memory_space<semaphore_mem>>) src(%dma_wait3A_298 : memref<40x128xf32, #tpu.memory_space<vmem>>) dst(%dma_wait3A_294 : memref<40x128xf32, #tpu.memory_space<vmem_shared>>)
        tpu.yield
      }) : () -> ()
      %add3A_250 = arith.constant 320 : i32
      %add3A_251 = arith.addi %multiple_of3A, %add3A_250 : i32
      %run_scoped3A_252 = arith.constant 0 : i32
      "tpu.region"() ({
        %run_scoped3A_274 = tpu.sem_alloc : memref<!tpu.dma_semaphore, #tpu.memory_space<semaphore_mem>>
        %dma_start3A_275 = arith.constant 0 : i32
        %dma_start3A_276 = arith.constant 0 : i32
        %dma_start3A_277 = tpu.memref_slice %arg8[%run_scoped3A_252, %dma_start3A_275, %dma_start3A_276] : memref<7x40x128xf32, #tpu.memory_space<vmem>> -> memref<1x40x128xf32, #tpu.memory_space<vmem>>
        %dma_start3A_278 = tpu.memref_squeeze %dma_start3A_277 : memref<1x40x128xf32, #tpu.memory_space<vmem>> -> memref<40x128xf32, #tpu.memory_space<vmem>>
        %dma_start3A_279 = arith.constant 0 : i32
        %dma_start3A_280 = tpu.memref_slice %arg9[%add3A_251, %dma_start3A_279] : memref<10000x128xf32, #tpu.memory_space<vmem_shared>> -> memref<40x128xf32, #tpu.memory_space<vmem_shared>>
        %dma_start3A_281 = arith.constant 0 : i32
        %dma_start3A_282 = tpu.memref_slice %arg9[%add3A_251, %dma_start3A_281] : memref<10000x128xf32, #tpu.memory_space<vmem_shared>> -> memref<40x128xf32, #tpu.memory_space<vmem_shared>>
        %dma_start3A_283 = arith.constant 0 : i32
        %dma_start3A_284 = arith.constant 0 : i32
        %dma_start3A_285 = tpu.memref_slice %arg8[%run_scoped3A_252, %dma_start3A_283, %dma_start3A_284] : memref<7x40x128xf32, #tpu.memory_space<vmem>> -> memref<1x40x128xf32, #tpu.memory_space<vmem>>
        %dma_start3A_286 = tpu.memref_squeeze %dma_start3A_285 : memref<1x40x128xf32, #tpu.memory_space<vmem>> -> memref<40x128xf32, #tpu.memory_space<vmem>>
        tpu.enqueue_dma source(%dma_start3A_286 : memref<40x128xf32, #tpu.memory_space<vmem>>) target(%dma_start3A_282 : memref<40x128xf32, #tpu.memory_space<vmem_shared>>) target_semaphore(%run_scoped3A_274 : memref<!tpu.dma_semaphore, #tpu.memory_space<semaphore_mem>>)
        %dma_wait3A_287 = arith.constant 0 : i32
        %dma_wait3A_288 = arith.constant 0 : i32
        %dma_wait3A_289 = tpu.memref_slice %arg8[%run_scoped3A_252, %dma_wait3A_287, %dma_wait3A_288] : memref<7x40x128xf32, #tpu.memory_space<vmem>> -> memref<1x40x128xf32, #tpu.memory_space<vmem>>
        %dma_wait3A_290 = tpu.memref_squeeze %dma_wait3A_289 : memref<1x40x128xf32, #tpu.memory_space<vmem>> -> memref<40x128xf32, #tpu.memory_space<vmem>>
        %dma_wait3A_291 = arith.constant 0 : i32
        %dma_wait3A_292 = tpu.memref_slice %arg9[%add3A_251, %dma_wait3A_291] : memref<10000x128xf32, #tpu.memory_space<vmem_shared>> -> memref<40x128xf32, #tpu.memory_space<vmem_shared>>
        %dma_wait3A_293 = arith.constant 0 : i32
        %dma_wait3A_294 = tpu.memref_slice %arg9[%add3A_251, %dma_wait3A_293] : memref<10000x128xf32, #tpu.memory_space<vmem_shared>> -> memref<40x128xf32, #tpu.memory_space<vmem_shared>>
        %dma_wait3A_295 = arith.constant 0 : i32
        %dma_wait3A_296 = arith.constant 0 : i32
        %dma_wait3A_297 = tpu.memref_slice %arg8[%run_scoped3A_252, %dma_wait3A_295, %dma_wait3A_296] : memref<7x40x128xf32, #tpu.memory_space<vmem>> -> memref<1x40x128xf32, #tpu.memory_space<vmem>>
        %dma_wait3A_298 = tpu.memref_squeeze %dma_wait3A_297 : memref<1x40x128xf32, #tpu.memory_space<vmem>> -> memref<40x128xf32, #tpu.memory_space<vmem>>
        tpu.wait_dma2 semaphore(%run_scoped3A_274 : memref<!tpu.dma_semaphore, #tpu.memory_space<semaphore_mem>>) src(%dma_wait3A_298 : memref<40x128xf32, #tpu.memory_space<vmem>>) dst(%dma_wait3A_294 : memref<40x128xf32, #tpu.memory_space<vmem_shared>>)
        tpu.yield
      }) : () -> ()
      %add3A_253 = arith.constant 360 : i32
      %add3A_254 = arith.addi %multiple_of3A, %add3A_253 : i32
      %run_scoped3A_255 = arith.constant 0 : i32
      "tpu.region"() ({
        %run_scoped3A_274 = tpu.sem_alloc : memref<!tpu.dma_semaphore, #tpu.memory_space<semaphore_mem>>
        %dma_start3A_275 = arith.constant 0 : i32
        %dma_start3A_276 = arith.constant 0 : i32
        %dma_start3A_277 = tpu.memref_slice %arg8[%run_scoped3A_255, %dma_start3A_275, %dma_start3A_276] : memref<7x40x128xf32, #tpu.memory_space<vmem>> -> memref<1x40x128xf32, #tpu.memory_space<vmem>>
        %dma_start3A_278 = tpu.memref_squeeze %dma_start3A_277 : memref<1x40x128xf32, #tpu.memory_space<vmem>> -> memref<40x128xf32, #tpu.memory_space<vmem>>
        %dma_start3A_279 = arith.constant 0 : i32
        %dma_start3A_280 = tpu.memref_slice %arg9[%add3A_254, %dma_start3A_279] : memref<10000x128xf32, #tpu.memory_space<vmem_shared>> -> memref<40x128xf32, #tpu.memory_space<vmem_shared>>
        %dma_start3A_281 = arith.constant 0 : i32
        %dma_start3A_282 = tpu.memref_slice %arg9[%add3A_254, %dma_start3A_281] : memref<10000x128xf32, #tpu.memory_space<vmem_shared>> -> memref<40x128xf32, #tpu.memory_space<vmem_shared>>
        %dma_start3A_283 = arith.constant 0 : i32
        %dma_start3A_284 = arith.constant 0 : i32
        %dma_start3A_285 = tpu.memref_slice %arg8[%run_scoped3A_255, %dma_start3A_283, %dma_start3A_284] : memref<7x40x128xf32, #tpu.memory_space<vmem>> -> memref<1x40x128xf32, #tpu.memory_space<vmem>>
        %dma_start3A_286 = tpu.memref_squeeze %dma_start3A_285 : memref<1x40x128xf32, #tpu.memory_space<vmem>> -> memref<40x128xf32, #tpu.memory_space<vmem>>
        tpu.enqueue_dma source(%dma_start3A_286 : memref<40x128xf32, #tpu.memory_space<vmem>>) target(%dma_start3A_282 : memref<40x128xf32, #tpu.memory_space<vmem_shared>>) target_semaphore(%run_scoped3A_274 : memref<!tpu.dma_semaphore, #tpu.memory_space<semaphore_mem>>)
        %dma_wait3A_287 = arith.constant 0 : i32
        %dma_wait3A_288 = arith.constant 0 : i32
        %dma_wait3A_289 = tpu.memref_slice %arg8[%run_scoped3A_255, %dma_wait3A_287, %dma_wait3A_288] : memref<7x40x128xf32, #tpu.memory_space<vmem>> -> memref<1x40x128xf32, #tpu.memory_space<vmem>>
        %dma_wait3A_290 = tpu.memref_squeeze %dma_wait3A_289 : memref<1x40x128xf32, #tpu.memory_space<vmem>> -> memref<40x128xf32, #tpu.memory_space<vmem>>
        %dma_wait3A_291 = arith.constant 0 : i32
        %dma_wait3A_292 = tpu.memref_slice %arg9[%add3A_254, %dma_wait3A_291] : memref<10000x128xf32, #tpu.memory_space<vmem_shared>> -> memref<40x128xf32, #tpu.memory_space<vmem_shared>>
        %dma_wait3A_293 = arith.constant 0 : i32
        %dma_wait3A_294 = tpu.memref_slice %arg9[%add3A_254, %dma_wait3A_293] : memref<10000x128xf32, #tpu.memory_space<vmem_shared>> -> memref<40x128xf32, #tpu.memory_space<vmem_shared>>
        %dma_wait3A_295 = arith.constant 0 : i32
        %dma_wait3A_296 = arith.constant 0 : i32
        %dma_wait3A_297 = tpu.memref_slice %arg8[%run_scoped3A_255, %dma_wait3A_295, %dma_wait3A_296] : memref<7x40x128xf32, #tpu.memory_space<vmem>> -> memref<1x40x128xf32, #tpu.memory_space<vmem>>
        %dma_wait3A_298 = tpu.memref_squeeze %dma_wait3A_297 : memref<1x40x128xf32, #tpu.memory_space<vmem>> -> memref<40x128xf32, #tpu.memory_space<vmem>>
        tpu.wait_dma2 semaphore(%run_scoped3A_274 : memref<!tpu.dma_semaphore, #tpu.memory_space<semaphore_mem>>) src(%dma_wait3A_298 : memref<40x128xf32, #tpu.memory_space<vmem>>) dst(%dma_wait3A_294 : memref<40x128xf32, #tpu.memory_space<vmem_shared>>)
        tpu.yield
      }) : () -> ()
      %add3A_256 = arith.constant 400 : i32
      %add3A_257 = arith.addi %multiple_of3A, %add3A_256 : i32
      %run_scoped3A_258 = arith.constant 0 : i32
      "tpu.region"() ({
        %run_scoped3A_274 = tpu.sem_alloc : memref<!tpu.dma_semaphore, #tpu.memory_space<semaphore_mem>>
        %dma_start3A_275 = arith.constant 0 : i32
        %dma_start3A_276 = arith.constant 0 : i32
        %dma_start3A_277 = tpu.memref_slice %arg8[%run_scoped3A_258, %dma_start3A_275, %dma_start3A_276] : memref<7x40x128xf32, #tpu.memory_space<vmem>> -> memref<1x40x128xf32, #tpu.memory_space<vmem>>
        %dma_start3A_278 = tpu.memref_squeeze %dma_start3A_277 : memref<1x40x128xf32, #tpu.memory_space<vmem>> -> memref<40x128xf32, #tpu.memory_space<vmem>>
        %dma_start3A_279 = arith.constant 0 : i32
        %dma_start3A_280 = tpu.memref_slice %arg9[%add3A_257, %dma_start3A_279] : memref<10000x128xf32, #tpu.memory_space<vmem_shared>> -> memref<40x128xf32, #tpu.memory_space<vmem_shared>>
        %dma_start3A_281 = arith.constant 0 : i32
        %dma_start3A_282 = tpu.memref_slice %arg9[%add3A_257, %dma_start3A_281] : memref<10000x128xf32, #tpu.memory_space<vmem_shared>> -> memref<40x128xf32, #tpu.memory_space<vmem_shared>>
        %dma_start3A_283 = arith.constant 0 : i32
        %dma_start3A_284 = arith.constant 0 : i32
        %dma_start3A_285 = tpu.memref_slice %arg8[%run_scoped3A_258, %dma_start3A_283, %dma_start3A_284] : memref<7x40x128xf32, #tpu.memory_space<vmem>> -> memref<1x40x128xf32, #tpu.memory_space<vmem>>
        %dma_start3A_286 = tpu.memref_squeeze %dma_start3A_285 : memref<1x40x128xf32, #tpu.memory_space<vmem>> -> memref<40x128xf32, #tpu.memory_space<vmem>>
        tpu.enqueue_dma source(%dma_start3A_286 : memref<40x128xf32, #tpu.memory_space<vmem>>) target(%dma_start3A_282 : memref<40x128xf32, #tpu.memory_space<vmem_shared>>) target_semaphore(%run_scoped3A_274 : memref<!tpu.dma_semaphore, #tpu.memory_space<semaphore_mem>>)
        %dma_wait3A_287 = arith.constant 0 : i32
        %dma_wait3A_288 = arith.constant 0 : i32
        %dma_wait3A_289 = tpu.memref_slice %arg8[%run_scoped3A_258, %dma_wait3A_287, %dma_wait3A_288] : memref<7x40x128xf32, #tpu.memory_space<vmem>> -> memref<1x40x128xf32, #tpu.memory_space<vmem>>
        %dma_wait3A_290 = tpu.memref_squeeze %dma_wait3A_289 : memref<1x40x128xf32, #tpu.memory_space<vmem>> -> memref<40x128xf32, #tpu.memory_space<vmem>>
        %dma_wait3A_291 = arith.constant 0 : i32
        %dma_wait3A_292 = tpu.memref_slice %arg9[%add3A_257, %dma_wait3A_291] : memref<10000x128xf32, #tpu.memory_space<vmem_shared>> -> memref<40x128xf32, #tpu.memory_space<vmem_shared>>
        %dma_wait3A_293 = arith.constant 0 : i32
        %dma_wait3A_294 = tpu.memref_slice %arg9[%add3A_257, %dma_wait3A_293] : memref<10000x128xf32, #tpu.memory_space<vmem_shared>> -> memref<40x128xf32, #tpu.memory_space<vmem_shared>>
        %dma_wait3A_295 = arith.constant 0 : i32
        %dma_wait3A_296 = arith.constant 0 : i32
        %dma_wait3A_297 = tpu.memref_slice %arg8[%run_scoped3A_258, %dma_wait3A_295, %dma_wait3A_296] : memref<7x40x128xf32, #tpu.memory_space<vmem>> -> memref<1x40x128xf32, #tpu.memory_space<vmem>>
        %dma_wait3A_298 = tpu.memref_squeeze %dma_wait3A_297 : memref<1x40x128xf32, #tpu.memory_space<vmem>> -> memref<40x128xf32, #tpu.memory_space<vmem>>
        tpu.wait_dma2 semaphore(%run_scoped3A_274 : memref<!tpu.dma_semaphore, #tpu.memory_space<semaphore_mem>>) src(%dma_wait3A_298 : memref<40x128xf32, #tpu.memory_space<vmem>>) dst(%dma_wait3A_294 : memref<40x128xf32, #tpu.memory_space<vmem_shared>>)
        tpu.yield
      }) : () -> ()
      %add3A_259 = arith.constant 440 : i32
      %add3A_260 = arith.addi %multiple_of3A, %add3A_259 : i32
      %run_scoped3A_261 = arith.constant 0 : i32
      "tpu.region"() ({
        %run_scoped3A_274 = tpu.sem_alloc : memref<!tpu.dma_semaphore, #tpu.memory_space<semaphore_mem>>
        %dma_start3A_275 = arith.constant 0 : i32
        %dma_start3A_276 = arith.constant 0 : i32
        %dma_start3A_277 = tpu.memref_slice %arg8[%run_scoped3A_261, %dma_start3A_275, %dma_start3A_276] : memref<7x40x128xf32, #tpu.memory_space<vmem>> -> memref<1x40x128xf32, #tpu.memory_space<vmem>>
        %dma_start3A_278 = tpu.memref_squeeze %dma_start3A_277 : memref<1x40x128xf32, #tpu.memory_space<vmem>> -> memref<40x128xf32, #tpu.memory_space<vmem>>
        %dma_start3A_279 = arith.constant 0 : i32
        %dma_start3A_280 = tpu.memref_slice %arg9[%add3A_260, %dma_start3A_279] : memref<10000x128xf32, #tpu.memory_space<vmem_shared>> -> memref<40x128xf32, #tpu.memory_space<vmem_shared>>
        %dma_start3A_281 = arith.constant 0 : i32
        %dma_start3A_282 = tpu.memref_slice %arg9[%add3A_260, %dma_start3A_281] : memref<10000x128xf32, #tpu.memory_space<vmem_shared>> -> memref<40x128xf32, #tpu.memory_space<vmem_shared>>
        %dma_start3A_283 = arith.constant 0 : i32
        %dma_start3A_284 = arith.constant 0 : i32
        %dma_start3A_285 = tpu.memref_slice %arg8[%run_scoped3A_261, %dma_start3A_283, %dma_start3A_284] : memref<7x40x128xf32, #tpu.memory_space<vmem>> -> memref<1x40x128xf32, #tpu.memory_space<vmem>>
        %dma_start3A_286 = tpu.memref_squeeze %dma_start3A_285 : memref<1x40x128xf32, #tpu.memory_space<vmem>> -> memref<40x128xf32, #tpu.memory_space<vmem>>
        tpu.enqueue_dma source(%dma_start3A_286 : memref<40x128xf32, #tpu.memory_space<vmem>>) target(%dma_start3A_282 : memref<40x128xf32, #tpu.memory_space<vmem_shared>>) target_semaphore(%run_scoped3A_274 : memref<!tpu.dma_semaphore, #tpu.memory_space<semaphore_mem>>)
        %dma_wait3A_287 = arith.constant 0 : i32
        %dma_wait3A_288 = arith.constant 0 : i32
        %dma_wait3A_289 = tpu.memref_slice %arg8[%run_scoped3A_261, %dma_wait3A_287, %dma_wait3A_288] : memref<7x40x128xf32, #tpu.memory_space<vmem>> -> memref<1x40x128xf32, #tpu.memory_space<vmem>>
        %dma_wait3A_290 = tpu.memref_squeeze %dma_wait3A_289 : memref<1x40x128xf32, #tpu.memory_space<vmem>> -> memref<40x128xf32, #tpu.memory_space<vmem>>
        %dma_wait3A_291 = arith.constant 0 : i32
        %dma_wait3A_292 = tpu.memref_slice %arg9[%add3A_260, %dma_wait3A_291] : memref<10000x128xf32, #tpu.memory_space<vmem_shared>> -> memref<40x128xf32, #tpu.memory_space<vmem_shared>>
        %dma_wait3A_293 = arith.constant 0 : i32
        %dma_wait3A_294 = tpu.memref_slice %arg9[%add3A_260, %dma_wait3A_293] : memref<10000x128xf32, #tpu.memory_space<vmem_shared>> -> memref<40x128xf32, #tpu.memory_space<vmem_shared>>
        %dma_wait3A_295 = arith.constant 0 : i32
        %dma_wait3A_296 = arith.constant 0 : i32
        %dma_wait3A_297 = tpu.memref_slice %arg8[%run_scoped3A_261, %dma_wait3A_295, %dma_wait3A_296] : memref<7x40x128xf32, #tpu.memory_space<vmem>> -> memref<1x40x128xf32, #tpu.memory_space<vmem>>
        %dma_wait3A_298 = tpu.memref_squeeze %dma_wait3A_297 : memref<1x40x128xf32, #tpu.memory_space<vmem>> -> memref<40x128xf32, #tpu.memory_space<vmem>>
        tpu.wait_dma2 semaphore(%run_scoped3A_274 : memref<!tpu.dma_semaphore, #tpu.memory_space<semaphore_mem>>) src(%dma_wait3A_298 : memref<40x128xf32, #tpu.memory_space<vmem>>) dst(%dma_wait3A_294 : memref<40x128xf32, #tpu.memory_space<vmem_shared>>)
        tpu.yield
      }) : () -> ()
      %add3A_262 = arith.constant 480 : i32
      %add3A_263 = arith.addi %multiple_of3A, %add3A_262 : i32
      %run_scoped3A_264 = arith.constant 0 : i32
      "tpu.region"() ({
        %run_scoped3A_274 = tpu.sem_alloc : memref<!tpu.dma_semaphore, #tpu.memory_space<semaphore_mem>>
        %dma_start3A_275 = arith.constant 0 : i32
        %dma_start3A_276 = arith.constant 0 : i32
        %dma_start3A_277 = tpu.memref_slice %arg8[%run_scoped3A_264, %dma_start3A_275, %dma_start3A_276] : memref<7x40x128xf32, #tpu.memory_space<vmem>> -> memref<1x40x128xf32, #tpu.memory_space<vmem>>
        %dma_start3A_278 = tpu.memref_squeeze %dma_start3A_277 : memref<1x40x128xf32, #tpu.memory_space<vmem>> -> memref<40x128xf32, #tpu.memory_space<vmem>>
        %dma_start3A_279 = arith.constant 0 : i32
        %dma_start3A_280 = tpu.memref_slice %arg9[%add3A_263, %dma_start3A_279] : memref<10000x128xf32, #tpu.memory_space<vmem_shared>> -> memref<40x128xf32, #tpu.memory_space<vmem_shared>>
        %dma_start3A_281 = arith.constant 0 : i32
        %dma_start3A_282 = tpu.memref_slice %arg9[%add3A_263, %dma_start3A_281] : memref<10000x128xf32, #tpu.memory_space<vmem_shared>> -> memref<40x128xf32, #tpu.memory_space<vmem_shared>>
        %dma_start3A_283 = arith.constant 0 : i32
        %dma_start3A_284 = arith.constant 0 : i32
        %dma_start3A_285 = tpu.memref_slice %arg8[%run_scoped3A_264, %dma_start3A_283, %dma_start3A_284] : memref<7x40x128xf32, #tpu.memory_space<vmem>> -> memref<1x40x128xf32, #tpu.memory_space<vmem>>
        %dma_start3A_286 = tpu.memref_squeeze %dma_start3A_285 : memref<1x40x128xf32, #tpu.memory_space<vmem>> -> memref<40x128xf32, #tpu.memory_space<vmem>>
        tpu.enqueue_dma source(%dma_start3A_286 : memref<40x128xf32, #tpu.memory_space<vmem>>) target(%dma_start3A_282 : memref<40x128xf32, #tpu.memory_space<vmem_shared>>) target_semaphore(%run_scoped3A_274 : memref<!tpu.dma_semaphore, #tpu.memory_space<semaphore_mem>>)
        %dma_wait3A_287 = arith.constant 0 : i32
        %dma_wait3A_288 = arith.constant 0 : i32
        %dma_wait3A_289 = tpu.memref_slice %arg8[%run_scoped3A_264, %dma_wait3A_287, %dma_wait3A_288] : memref<7x40x128xf32, #tpu.memory_space<vmem>> -> memref<1x40x128xf32, #tpu.memory_space<vmem>>
        %dma_wait3A_290 = tpu.memref_squeeze %dma_wait3A_289 : memref<1x40x128xf32, #tpu.memory_space<vmem>> -> memref<40x128xf32, #tpu.memory_space<vmem>>
        %dma_wait3A_291 = arith.constant 0 : i32
        %dma_wait3A_292 = tpu.memref_slice %arg9[%add3A_263, %dma_wait3A_291] : memref<10000x128xf32, #tpu.memory_space<vmem_shared>> -> memref<40x128xf32, #tpu.memory_space<vmem_shared>>
        %dma_wait3A_293 = arith.constant 0 : i32
        %dma_wait3A_294 = tpu.memref_slice %arg9[%add3A_263, %dma_wait3A_293] : memref<10000x128xf32, #tpu.memory_space<vmem_shared>> -> memref<40x128xf32, #tpu.memory_space<vmem_shared>>
        %dma_wait3A_295 = arith.constant 0 : i32
        %dma_wait3A_296 = arith.constant 0 : i32
        %dma_wait3A_297 = tpu.memref_slice %arg8[%run_scoped3A_264, %dma_wait3A_295, %dma_wait3A_296] : memref<7x40x128xf32, #tpu.memory_space<vmem>> -> memref<1x40x128xf32, #tpu.memory_space<vmem>>
        %dma_wait3A_298 = tpu.memref_squeeze %dma_wait3A_297 : memref<1x40x128xf32, #tpu.memory_space<vmem>> -> memref<40x128xf32, #tpu.memory_space<vmem>>
        tpu.wait_dma2 semaphore(%run_scoped3A_274 : memref<!tpu.dma_semaphore, #tpu.memory_space<semaphore_mem>>) src(%dma_wait3A_298 : memref<40x128xf32, #tpu.memory_space<vmem>>) dst(%dma_wait3A_294 : memref<40x128xf32, #tpu.memory_space<vmem_shared>>)
        tpu.yield
      }) : () -> ()
      %add3A_265 = arith.constant 520 : i32
      %add3A_266 = arith.addi %multiple_of3A, %add3A_265 : i32
      %run_scoped3A_267 = arith.constant 0 : i32
      "tpu.region"() ({
        %run_scoped3A_274 = tpu.sem_alloc : memref<!tpu.dma_semaphore, #tpu.memory_space<semaphore_mem>>
        %dma_start3A_275 = arith.constant 0 : i32
        %dma_start3A_276 = arith.constant 0 : i32
        %dma_start3A_277 = tpu.memref_slice %arg8[%run_scoped3A_267, %dma_start3A_275, %dma_start3A_276] : memref<7x40x128xf32, #tpu.memory_space<vmem>> -> memref<1x40x128xf32, #tpu.memory_space<vmem>>
        %dma_start3A_278 = tpu.memref_squeeze %dma_start3A_277 : memref<1x40x128xf32, #tpu.memory_space<vmem>> -> memref<40x128xf32, #tpu.memory_space<vmem>>
        %dma_start3A_279 = arith.constant 0 : i32
        %dma_start3A_280 = tpu.memref_slice %arg9[%add3A_266, %dma_start3A_279] : memref<10000x128xf32, #tpu.memory_space<vmem_shared>> -> memref<40x128xf32, #tpu.memory_space<vmem_shared>>
        %dma_start3A_281 = arith.constant 0 : i32
        %dma_start3A_282 = tpu.memref_slice %arg9[%add3A_266, %dma_start3A_281] : memref<10000x128xf32, #tpu.memory_space<vmem_shared>> -> memref<40x128xf32, #tpu.memory_space<vmem_shared>>
        %dma_start3A_283 = arith.constant 0 : i32
        %dma_start3A_284 = arith.constant 0 : i32
        %dma_start3A_285 = tpu.memref_slice %arg8[%run_scoped3A_267, %dma_start3A_283, %dma_start3A_284] : memref<7x40x128xf32, #tpu.memory_space<vmem>> -> memref<1x40x128xf32, #tpu.memory_space<vmem>>
        %dma_start3A_286 = tpu.memref_squeeze %dma_start3A_285 : memref<1x40x128xf32, #tpu.memory_space<vmem>> -> memref<40x128xf32, #tpu.memory_space<vmem>>
        tpu.enqueue_dma source(%dma_start3A_286 : memref<40x128xf32, #tpu.memory_space<vmem>>) target(%dma_start3A_282 : memref<40x128xf32, #tpu.memory_space<vmem_shared>>) target_semaphore(%run_scoped3A_274 : memref<!tpu.dma_semaphore, #tpu.memory_space<semaphore_mem>>)
        %dma_wait3A_287 = arith.constant 0 : i32
        %dma_wait3A_288 = arith.constant 0 : i32
        %dma_wait3A_289 = tpu.memref_slice %arg8[%run_scoped3A_267, %dma_wait3A_287, %dma_wait3A_288] : memref<7x40x128xf32, #tpu.memory_space<vmem>> -> memref<1x40x128xf32, #tpu.memory_space<vmem>>
        %dma_wait3A_290 = tpu.memref_squeeze %dma_wait3A_289 : memref<1x40x128xf32, #tpu.memory_space<vmem>> -> memref<40x128xf32, #tpu.memory_space<vmem>>
        %dma_wait3A_291 = arith.constant 0 : i32
        %dma_wait3A_292 = tpu.memref_slice %arg9[%add3A_266, %dma_wait3A_291] : memref<10000x128xf32, #tpu.memory_space<vmem_shared>> -> memref<40x128xf32, #tpu.memory_space<vmem_shared>>
        %dma_wait3A_293 = arith.constant 0 : i32
        %dma_wait3A_294 = tpu.memref_slice %arg9[%add3A_266, %dma_wait3A_293] : memref<10000x128xf32, #tpu.memory_space<vmem_shared>> -> memref<40x128xf32, #tpu.memory_space<vmem_shared>>
        %dma_wait3A_295 = arith.constant 0 : i32
        %dma_wait3A_296 = arith.constant 0 : i32
        %dma_wait3A_297 = tpu.memref_slice %arg8[%run_scoped3A_267, %dma_wait3A_295, %dma_wait3A_296] : memref<7x40x128xf32, #tpu.memory_space<vmem>> -> memref<1x40x128xf32, #tpu.memory_space<vmem>>
        %dma_wait3A_298 = tpu.memref_squeeze %dma_wait3A_297 : memref<1x40x128xf32, #tpu.memory_space<vmem>> -> memref<40x128xf32, #tpu.memory_space<vmem>>
        tpu.wait_dma2 semaphore(%run_scoped3A_274 : memref<!tpu.dma_semaphore, #tpu.memory_space<semaphore_mem>>) src(%dma_wait3A_298 : memref<40x128xf32, #tpu.memory_space<vmem>>) dst(%dma_wait3A_294 : memref<40x128xf32, #tpu.memory_space<vmem_shared>>)
        tpu.yield
      }) : () -> ()
      %add3A_268 = arith.constant 560 : i32
      %add3A_269 = arith.addi %multiple_of3A, %add3A_268 : i32
      %run_scoped3A_270 = arith.constant 0 : i32
      "tpu.region"() ({
        %run_scoped3A_274 = tpu.sem_alloc : memref<!tpu.dma_semaphore, #tpu.memory_space<semaphore_mem>>
        %dma_start3A_275 = arith.constant 0 : i32
        %dma_start3A_276 = arith.constant 0 : i32
        %dma_start3A_277 = tpu.memref_slice %arg8[%run_scoped3A_270, %dma_start3A_275, %dma_start3A_276] : memref<7x40x128xf32, #tpu.memory_space<vmem>> -> memref<1x40x128xf32, #tpu.memory_space<vmem>>
        %dma_start3A_278 = tpu.memref_squeeze %dma_start3A_277 : memref<1x40x128xf32, #tpu.memory_space<vmem>> -> memref<40x128xf32, #tpu.memory_space<vmem>>
        %dma_start3A_279 = arith.constant 0 : i32
        %dma_start3A_280 = tpu.memref_slice %arg9[%add3A_269, %dma_start3A_279] : memref<10000x128xf32, #tpu.memory_space<vmem_shared>> -> memref<40x128xf32, #tpu.memory_space<vmem_shared>>
        %dma_start3A_281 = arith.constant 0 : i32
        %dma_start3A_282 = tpu.memref_slice %arg9[%add3A_269, %dma_start3A_281] : memref<10000x128xf32, #tpu.memory_space<vmem_shared>> -> memref<40x128xf32, #tpu.memory_space<vmem_shared>>
        %dma_start3A_283 = arith.constant 0 : i32
        %dma_start3A_284 = arith.constant 0 : i32
        %dma_start3A_285 = tpu.memref_slice %arg8[%run_scoped3A_270, %dma_start3A_283, %dma_start3A_284] : memref<7x40x128xf32, #tpu.memory_space<vmem>> -> memref<1x40x128xf32, #tpu.memory_space<vmem>>
        %dma_start3A_286 = tpu.memref_squeeze %dma_start3A_285 : memref<1x40x128xf32, #tpu.memory_space<vmem>> -> memref<40x128xf32, #tpu.memory_space<vmem>>
        tpu.enqueue_dma source(%dma_start3A_286 : memref<40x128xf32, #tpu.memory_space<vmem>>) target(%dma_start3A_282 : memref<40x128xf32, #tpu.memory_space<vmem_shared>>) target_semaphore(%run_scoped3A_274 : memref<!tpu.dma_semaphore, #tpu.memory_space<semaphore_mem>>)
        %dma_wait3A_287 = arith.constant 0 : i32
        %dma_wait3A_288 = arith.constant 0 : i32
        %dma_wait3A_289 = tpu.memref_slice %arg8[%run_scoped3A_270, %dma_wait3A_287, %dma_wait3A_288] : memref<7x40x128xf32, #tpu.memory_space<vmem>> -> memref<1x40x128xf32, #tpu.memory_space<vmem>>
        %dma_wait3A_290 = tpu.memref_squeeze %dma_wait3A_289 : memref<1x40x128xf32, #tpu.memory_space<vmem>> -> memref<40x128xf32, #tpu.memory_space<vmem>>
        %dma_wait3A_291 = arith.constant 0 : i32
        %dma_wait3A_292 = tpu.memref_slice %arg9[%add3A_269, %dma_wait3A_291] : memref<10000x128xf32, #tpu.memory_space<vmem_shared>> -> memref<40x128xf32, #tpu.memory_space<vmem_shared>>
        %dma_wait3A_293 = arith.constant 0 : i32
        %dma_wait3A_294 = tpu.memref_slice %arg9[%add3A_269, %dma_wait3A_293] : memref<10000x128xf32, #tpu.memory_space<vmem_shared>> -> memref<40x128xf32, #tpu.memory_space<vmem_shared>>
        %dma_wait3A_295 = arith.constant 0 : i32
        %dma_wait3A_296 = arith.constant 0 : i32
        %dma_wait3A_297 = tpu.memref_slice %arg8[%run_scoped3A_270, %dma_wait3A_295, %dma_wait3A_296] : memref<7x40x128xf32, #tpu.memory_space<vmem>> -> memref<1x40x128xf32, #tpu.memory_space<vmem>>
        %dma_wait3A_298 = tpu.memref_squeeze %dma_wait3A_297 : memref<1x40x128xf32, #tpu.memory_space<vmem>> -> memref<40x128xf32, #tpu.memory_space<vmem>>
        tpu.wait_dma2 semaphore(%run_scoped3A_274 : memref<!tpu.dma_semaphore, #tpu.memory_space<semaphore_mem>>) src(%dma_wait3A_298 : memref<40x128xf32, #tpu.memory_space<vmem>>) dst(%dma_wait3A_294 : memref<40x128xf32, #tpu.memory_space<vmem_shared>>)
        tpu.yield
      }) : () -> ()
      %add3A_271 = arith.constant 600 : i32
      %add3A_272 = arith.addi %multiple_of3A, %add3A_271 : i32
      %run_scoped3A_273 = arith.constant 0 : i32
      "tpu.region"() ({
        %run_scoped3A_274 = tpu.sem_alloc : memref<!tpu.dma_semaphore, #tpu.memory_space<semaphore_mem>>
        %dma_start3A_275 = arith.constant 0 : i32
        %dma_start3A_276 = arith.constant 0 : i32
        %dma_start3A_277 = tpu.memref_slice %arg8[%run_scoped3A_273, %dma_start3A_275, %dma_start3A_276] : memref<7x40x128xf32, #tpu.memory_space<vmem>> -> memref<1x24x128xf32, #tpu.memory_space<vmem>>
        %dma_start3A_278 = tpu.memref_squeeze %dma_start3A_277 : memref<1x24x128xf32, #tpu.memory_space<vmem>> -> memref<24x128xf32, #tpu.memory_space<vmem>>
        %dma_start3A_279 = arith.constant 0 : i32
        %dma_start3A_280 = tpu.memref_slice %arg9[%add3A_272, %dma_start3A_279] : memref<10000x128xf32, #tpu.memory_space<vmem_shared>> -> memref<24x128xf32, #tpu.memory_space<vmem_shared>>
        %dma_start3A_281 = arith.constant 0 : i32
        %dma_start3A_282 = tpu.memref_slice %arg9[%add3A_272, %dma_start3A_281] : memref<10000x128xf32, #tpu.memory_space<vmem_shared>> -> memref<24x128xf32, #tpu.memory_space<vmem_shared>>
        %dma_start3A_283 = arith.constant 0 : i32
        %dma_start3A_284 = arith.constant 0 : i32
        %dma_start3A_285 = tpu.memref_slice %arg8[%run_scoped3A_273, %dma_start3A_283, %dma_start3A_284] : memref<7x40x128xf32, #tpu.memory_space<vmem>> -> memref<1x24x128xf32, #tpu.memory_space<vmem>>
        %dma_start3A_286 = tpu.memref_squeeze %dma_start3A_285 : memref<1x24x128xf32, #tpu.memory_space<vmem>> -> memref<24x128xf32, #tpu.memory_space<vmem>>
        tpu.enqueue_dma source(%dma_start3A_286 : memref<24x128xf32, #tpu.memory_space<vmem>>) target(%dma_start3A_282 : memref<24x128xf32, #tpu.memory_space<vmem_shared>>) target_semaphore(%run_scoped3A_274 : memref<!tpu.dma_semaphore, #tpu.memory_space<semaphore_mem>>)
        %dma_wait3A_287 = arith.constant 0 : i32
        %dma_wait3A_288 = arith.constant 0 : i32
        %dma_wait3A_289 = tpu.memref_slice %arg8[%run_scoped3A_273, %dma_wait3A_287, %dma_wait3A_288] : memref<7x40x128xf32, #tpu.memory_space<vmem>> -> memref<1x24x128xf32, #tpu.memory_space<vmem>>
        %dma_wait3A_290 = tpu.memref_squeeze %dma_wait3A_289 : memref<1x24x128xf32, #tpu.memory_space<vmem>> -> memref<24x128xf32, #tpu.memory_space<vmem>>
        %dma_wait3A_291 = arith.constant 0 : i32
        %dma_wait3A_292 = tpu.memref_slice %arg9[%add3A_272, %dma_wait3A_291] : memref<10000x128xf32, #tpu.memory_space<vmem_shared>> -> memref<24x128xf32, #tpu.memory_space<vmem_shared>>
        %dma_wait3A_293 = arith.constant 0 : i32
        %dma_wait3A_294 = tpu.memref_slice %arg9[%add3A_272, %dma_wait3A_293] : memref<10000x128xf32, #tpu.memory_space<vmem_shared>> -> memref<24x128xf32, #tpu.memory_space<vmem_shared>>
        %dma_wait3A_295 = arith.constant 0 : i32
        %dma_wait3A_296 = arith.constant 0 : i32
        %dma_wait3A_297 = tpu.memref_slice %arg8[%run_scoped3A_273, %dma_wait3A_295, %dma_wait3A_296] : memref<7x40x128xf32, #tpu.memory_space<vmem>> -> memref<1x24x128xf32, #tpu.memory_space<vmem>>
        %dma_wait3A_298 = tpu.memref_squeeze %dma_wait3A_297 : memref<1x24x128xf32, #tpu.memory_space<vmem>> -> memref<24x128xf32, #tpu.memory_space<vmem>>
        tpu.wait_dma2 semaphore(%run_scoped3A_274 : memref<!tpu.dma_semaphore, #tpu.memory_space<semaphore_mem>>) src(%dma_wait3A_298 : memref<24x128xf32, #tpu.memory_space<vmem>>) dst(%dma_wait3A_294 : memref<24x128xf32, #tpu.memory_space<vmem_shared>>)
        tpu.yield
      }) : () -> ()
    } else {
    }
    %eq3A_17 = arith.constant 1 : i32
    %eq3A_18 = arith.cmpi eq, %arg0, %eq3A_17 : i32
    %and3A_19 = arith.andi %eq3A_18, %eq3A_3 : i1
    %convert_element_type3A_20 = arith.extui %and3A_19 : i1 to i32
    %cond3A_21 = arith.constant 0 : i32
    %cond3A_22 = arith.cmpi ne, %convert_element_type3A_20, %cond3A_21 : i32
    scf.if %cond3A_22 {
      %run_scoped3A = arith.constant 0 : i32
      "tpu.region"() ({
        %run_scoped3A_221 = tpu.sem_alloc : memref<!tpu.dma_semaphore, #tpu.memory_space<semaphore_mem>>
        %dma_start3A_222 = arith.constant 0 : i32
        %dma_start3A_223 = arith.constant 0 : i32
        %dma_start3A_224 = tpu.memref_slice %arg8[%run_scoped3A, %dma_start3A_222, %dma_start3A_223] : memref<7x40x128xf32, #tpu.memory_space<vmem>> -> memref<1x16x128xf32, #tpu.memory_space<vmem>>
        %dma_start3A_225 = tpu.memref_squeeze %dma_start3A_224 : memref<1x16x128xf32, #tpu.memory_space<vmem>> -> memref<16x128xf32, #tpu.memory_space<vmem>>
        %dma_start3A_226 = arith.constant 9984 : i32
        %dma_start3A_227 = arith.constant 0 : i32
        %dma_start3A_228 = tpu.memref_slice %arg9[%dma_start3A_226, %dma_start3A_227] : memref<10000x128xf32, #tpu.memory_space<vmem_shared>> -> memref<16x128xf32, #tpu.memory_space<vmem_shared>>
        %dma_start3A_229 = arith.constant 9984 : i32
        %dma_start3A_230 = arith.constant 0 : i32
        %dma_start3A_231 = tpu.memref_slice %arg9[%dma_start3A_229, %dma_start3A_230] : memref<10000x128xf32, #tpu.memory_space<vmem_shared>> -> memref<16x128xf32, #tpu.memory_space<vmem_shared>>
        %dma_start3A_232 = arith.constant 0 : i32
        %dma_start3A_233 = arith.constant 0 : i32
        %dma_start3A_234 = tpu.memref_slice %arg8[%run_scoped3A, %dma_start3A_232, %dma_start3A_233] : memref<7x40x128xf32, #tpu.memory_space<vmem>> -> memref<1x16x128xf32, #tpu.memory_space<vmem>>
        %dma_start3A_235 = tpu.memref_squeeze %dma_start3A_234 : memref<1x16x128xf32, #tpu.memory_space<vmem>> -> memref<16x128xf32, #tpu.memory_space<vmem>>
        tpu.enqueue_dma source(%dma_start3A_235 : memref<16x128xf32, #tpu.memory_space<vmem>>) target(%dma_start3A_231 : memref<16x128xf32, #tpu.memory_space<vmem_shared>>) target_semaphore(%run_scoped3A_221 : memref<!tpu.dma_semaphore, #tpu.memory_space<semaphore_mem>>)
        %dma_wait3A_236 = arith.constant 0 : i32
        %dma_wait3A_237 = arith.constant 0 : i32
        %dma_wait3A_238 = tpu.memref_slice %arg8[%run_scoped3A, %dma_wait3A_236, %dma_wait3A_237] : memref<7x40x128xf32, #tpu.memory_space<vmem>> -> memref<1x16x128xf32, #tpu.memory_space<vmem>>
        %dma_wait3A_239 = tpu.memref_squeeze %dma_wait3A_238 : memref<1x16x128xf32, #tpu.memory_space<vmem>> -> memref<16x128xf32, #tpu.memory_space<vmem>>
        %dma_wait3A_240 = arith.constant 9984 : i32
        %dma_wait3A_241 = arith.constant 0 : i32
        %dma_wait3A_242 = tpu.memref_slice %arg9[%dma_wait3A_240, %dma_wait3A_241] : memref<10000x128xf32, #tpu.memory_space<vmem_shared>> -> memref<16x128xf32, #tpu.memory_space<vmem_shared>>
        %dma_wait3A_243 = arith.constant 9984 : i32
        %dma_wait3A_244 = arith.constant 0 : i32
        %dma_wait3A_245 = tpu.memref_slice %arg9[%dma_wait3A_243, %dma_wait3A_244] : memref<10000x128xf32, #tpu.memory_space<vmem_shared>> -> memref<16x128xf32, #tpu.memory_space<vmem_shared>>
        %dma_wait3A_246 = arith.constant 0 : i32
        %dma_wait3A_247 = arith.constant 0 : i32
        %dma_wait3A_248 = tpu.memref_slice %arg8[%run_scoped3A, %dma_wait3A_246, %dma_wait3A_247] : memref<7x40x128xf32, #tpu.memory_space<vmem>> -> memref<1x16x128xf32, #tpu.memory_space<vmem>>
        %dma_wait3A_249 = tpu.memref_squeeze %dma_wait3A_248 : memref<1x16x128xf32, #tpu.memory_space<vmem>> -> memref<16x128xf32, #tpu.memory_space<vmem>>
        tpu.wait_dma2 semaphore(%run_scoped3A_221 : memref<!tpu.dma_semaphore, #tpu.memory_space<semaphore_mem>>) src(%dma_wait3A_249 : memref<16x128xf32, #tpu.memory_space<vmem>>) dst(%dma_wait3A_245 : memref<16x128xf32, #tpu.memory_space<vmem_shared>>)
        tpu.yield
      }) : () -> ()
    } else {
    }
    %mul3A_23 = arith.constant 10000 : i32
    %mul3A_24 = arith.muli %add3A, %mul3A_23 : i32
    "tpu.region"() ({
      %run_scoped3A = tpu.sem_alloc : memref<!tpu.dma_semaphore, #tpu.memory_space<semaphore_mem>>
      %dma_start3A_221 = tpu.memref_slice %arg3[%mul3A_24] : memref<320000xi32, #tpu.memory_space<hbm>> -> memref<10000xi32, #tpu.memory_space<hbm>>
      %dma_start3A_222 = tpu.memref_slice %arg3[%mul3A_24] : memref<320000xi32, #tpu.memory_space<hbm>> -> memref<10000xi32, #tpu.memory_space<hbm>>
      tpu.enqueue_dma source(%dma_start3A_222 : memref<10000xi32, #tpu.memory_space<hbm>>) target(%arg6 : memref<10000xi32, #tpu.memory_space<vmem>>) target_semaphore(%run_scoped3A : memref<!tpu.dma_semaphore, #tpu.memory_space<semaphore_mem>>)
      %dma_wait3A_223 = tpu.memref_slice %arg3[%mul3A_24] : memref<320000xi32, #tpu.memory_space<hbm>> -> memref<10000xi32, #tpu.memory_space<hbm>>
      %dma_wait3A_224 = tpu.memref_slice %arg3[%mul3A_24] : memref<320000xi32, #tpu.memory_space<hbm>> -> memref<10000xi32, #tpu.memory_space<hbm>>
      tpu.wait_dma2 semaphore(%run_scoped3A : memref<!tpu.dma_semaphore, #tpu.memory_space<semaphore_mem>>) src(%dma_wait3A_224 : memref<10000xi32, #tpu.memory_space<hbm>>) dst(%arg6 : memref<10000xi32, #tpu.memory_space<vmem>>)
      tpu.yield
    }) : () -> ()
    %barrier3A = arith.constant 0 : index
    tpu.barrier barrier_id(%barrier3A)
    %rem3A = arith.constant 0 : i32
    %rem3A_25 = arith.constant 7 : i32
    %rem3A_26 = arith.remsi %rem3A, %rem3A_25 : i32
    %mul3A_27 = arith.constant 10000 : i32
    %mul3A_28 = arith.muli %add3A, %mul3A_27 : i32
    %add3A_29 = arith.constant 0 : i32
    %add3A_30 = arith.addi %mul3A_28, %add3A_29 : i32
    %dma_start3A = arith.constant 0 : i32
    %dma_start3A_31 = tpu.memref_slice %arg7[%rem3A_26, %dma_start3A] : memref<7x40xi32, #tpu.memory_space<vmem>> -> memref<1x40xi32, #tpu.memory_space<vmem>>
    %dma_start3A_32 = tpu.memref_squeeze %dma_start3A_31 : memref<1x40xi32, #tpu.memory_space<vmem>> -> memref<40xi32, #tpu.memory_space<vmem>>
    %dma_start3A_33 = tpu.memref_slice %arg4[%add3A_30] : memref<320000xi32, #tpu.memory_space<hbm>> -> memref<40xi32, #tpu.memory_space<hbm>>
    %dma_start3A_34 = tpu.memref_slice %arg11[%rem3A_26] : memref<7x!tpu.dma_semaphore, #tpu.memory_space<semaphore_mem>> -> memref<1x!tpu.dma_semaphore, #tpu.memory_space<semaphore_mem>>
    %dma_start3A_35 = tpu.memref_squeeze %dma_start3A_34 : memref<1x!tpu.dma_semaphore, #tpu.memory_space<semaphore_mem>> -> memref<!tpu.dma_semaphore, #tpu.memory_space<semaphore_mem>>
    %dma_start3A_36 = arith.constant 0 : i32
    %dma_start3A_37 = tpu.memref_slice %arg7[%rem3A_26, %dma_start3A_36] : memref<7x40xi32, #tpu.memory_space<vmem>> -> memref<1x40xi32, #tpu.memory_space<vmem>>
    %dma_start3A_38 = tpu.memref_squeeze %dma_start3A_37 : memref<1x40xi32, #tpu.memory_space<vmem>> -> memref<40xi32, #tpu.memory_space<vmem>>
    %dma_start3A_39 = tpu.memref_slice %arg4[%add3A_30] : memref<320000xi32, #tpu.memory_space<hbm>> -> memref<40xi32, #tpu.memory_space<hbm>>
    tpu.enqueue_dma source(%dma_start3A_39 : memref<40xi32, #tpu.memory_space<hbm>>) target(%dma_start3A_38 : memref<40xi32, #tpu.memory_space<vmem>>) target_semaphore(%dma_start3A_35 : memref<!tpu.dma_semaphore, #tpu.memory_space<semaphore_mem>>)
    %mul3A_40 = arith.constant 1 : i32
    %mul3A_41 = arith.muli %mul3A_40, %rem3A_26 : i32
    %add3A_42 = arith.constant 0 : i32
    %add3A_43 = arith.addi %mul3A_41, %add3A_42 : i32
    %dma_start3A_44 = arith.constant 0 : i32
    %dma_start3A_45 = arith.constant 0 : i32
    %dma_start3A_46 = tpu.memref_slice %arg8[%rem3A_26, %dma_start3A_44, %dma_start3A_45] : memref<7x40x128xf32, #tpu.memory_space<vmem>> -> memref<1x40x128xf32, #tpu.memory_space<vmem>>
    %dma_start3A_47 = tpu.memref_squeeze %dma_start3A_46 : memref<1x40x128xf32, #tpu.memory_space<vmem>> -> memref<40x128xf32, #tpu.memory_space<vmem>>
    %dma_start3A_48 = arith.constant 0 : i32
    %dma_start3A_49 = tpu.memref_slice %arg6[%dma_start3A_48] : memref<10000xi32, #tpu.memory_space<vmem>> -> memref<40xi32, #tpu.memory_space<vmem>>
    %dma_start3A_50 = arith.constant 0 : i32
    %dma_start3A_51 = arith.constant 0 : i32
    %dma_start3A_52 = tpu.memref_slice %arg2[%dma_start3A_50, %dma_start3A_51] : memref<10000x128xf32, #tpu.memory_space<hbm>> -> memref<10000x128xf32, #tpu.memory_space<hbm>>
    %dma_start3A_53 = tpu.memref_slice %arg10[%add3A_43] : memref<7x!tpu.dma_semaphore, #tpu.memory_space<semaphore_mem>> -> memref<1x!tpu.dma_semaphore, #tpu.memory_space<semaphore_mem>>
    %dma_start3A_54 = tpu.memref_squeeze %dma_start3A_53 : memref<1x!tpu.dma_semaphore, #tpu.memory_space<semaphore_mem>> -> memref<!tpu.dma_semaphore, #tpu.memory_space<semaphore_mem>>
    tpu.enqueue_indirect_dma source(%dma_start3A_52 : memref<10000x128xf32, #tpu.memory_space<hbm>>) target(%dma_start3A_47 : memref<40x128xf32, #tpu.memory_space<vmem>>) offsets(%dma_start3A_49 : memref<40xi32, #tpu.memory_space<vmem>>) semaphore(%dma_start3A_54 : memref<!tpu.dma_semaphore, #tpu.memory_space<semaphore_mem>>)
    %rem3A_55 = arith.constant 1 : i32
    %rem3A_56 = arith.constant 7 : i32
    %rem3A_57 = arith.remsi %rem3A_55, %rem3A_56 : i32
    %mul3A_58 = arith.constant 10000 : i32
    %mul3A_59 = arith.muli %add3A, %mul3A_58 : i32
    %add3A_60 = arith.constant 40 : i32
    %add3A_61 = arith.addi %mul3A_59, %add3A_60 : i32
    %dma_start3A_62 = arith.constant 0 : i32
    %dma_start3A_63 = tpu.memref_slice %arg7[%rem3A_57, %dma_start3A_62] : memref<7x40xi32, #tpu.memory_space<vmem>> -> memref<1x40xi32, #tpu.memory_space<vmem>>
    %dma_start3A_64 = tpu.memref_squeeze %dma_start3A_63 : memref<1x40xi32, #tpu.memory_space<vmem>> -> memref<40xi32, #tpu.memory_space<vmem>>
    %dma_start3A_65 = tpu.memref_slice %arg4[%add3A_61] : memref<320000xi32, #tpu.memory_space<hbm>> -> memref<40xi32, #tpu.memory_space<hbm>>
    %dma_start3A_66 = tpu.memref_slice %arg11[%rem3A_57] : memref<7x!tpu.dma_semaphore, #tpu.memory_space<semaphore_mem>> -> memref<1x!tpu.dma_semaphore, #tpu.memory_space<semaphore_mem>>
    %dma_start3A_67 = tpu.memref_squeeze %dma_start3A_66 : memref<1x!tpu.dma_semaphore, #tpu.memory_space<semaphore_mem>> -> memref<!tpu.dma_semaphore, #tpu.memory_space<semaphore_mem>>
    %dma_start3A_68 = arith.constant 0 : i32
    %dma_start3A_69 = tpu.memref_slice %arg7[%rem3A_57, %dma_start3A_68] : memref<7x40xi32, #tpu.memory_space<vmem>> -> memref<1x40xi32, #tpu.memory_space<vmem>>
    %dma_start3A_70 = tpu.memref_squeeze %dma_start3A_69 : memref<1x40xi32, #tpu.memory_space<vmem>> -> memref<40xi32, #tpu.memory_space<vmem>>
    %dma_start3A_71 = tpu.memref_slice %arg4[%add3A_61] : memref<320000xi32, #tpu.memory_space<hbm>> -> memref<40xi32, #tpu.memory_space<hbm>>
    tpu.enqueue_dma source(%dma_start3A_71 : memref<40xi32, #tpu.memory_space<hbm>>) target(%dma_start3A_70 : memref<40xi32, #tpu.memory_space<vmem>>) target_semaphore(%dma_start3A_67 : memref<!tpu.dma_semaphore, #tpu.memory_space<semaphore_mem>>)
    %mul3A_72 = arith.constant 1 : i32
    %mul3A_73 = arith.muli %mul3A_72, %rem3A_57 : i32
    %add3A_74 = arith.constant 0 : i32
    %add3A_75 = arith.addi %mul3A_73, %add3A_74 : i32
    %dma_start3A_76 = arith.constant 0 : i32
    %dma_start3A_77 = arith.constant 0 : i32
    %dma_start3A_78 = tpu.memref_slice %arg8[%rem3A_57, %dma_start3A_76, %dma_start3A_77] : memref<7x40x128xf32, #tpu.memory_space<vmem>> -> memref<1x40x128xf32, #tpu.memory_space<vmem>>
    %dma_start3A_79 = tpu.memref_squeeze %dma_start3A_78 : memref<1x40x128xf32, #tpu.memory_space<vmem>> -> memref<40x128xf32, #tpu.memory_space<vmem>>
    %dma_start3A_80 = arith.constant 40 : i32
    %dma_start3A_81 = tpu.memref_slice %arg6[%dma_start3A_80] : memref<10000xi32, #tpu.memory_space<vmem>> -> memref<40xi32, #tpu.memory_space<vmem>>
    %dma_start3A_82 = arith.constant 0 : i32
    %dma_start3A_83 = arith.constant 0 : i32
    %dma_start3A_84 = tpu.memref_slice %arg2[%dma_start3A_82, %dma_start3A_83] : memref<10000x128xf32, #tpu.memory_space<hbm>> -> memref<10000x128xf32, #tpu.memory_space<hbm>>
    %dma_start3A_85 = tpu.memref_slice %arg10[%add3A_75] : memref<7x!tpu.dma_semaphore, #tpu.memory_space<semaphore_mem>> -> memref<1x!tpu.dma_semaphore, #tpu.memory_space<semaphore_mem>>
    %dma_start3A_86 = tpu.memref_squeeze %dma_start3A_85 : memref<1x!tpu.dma_semaphore, #tpu.memory_space<semaphore_mem>> -> memref<!tpu.dma_semaphore, #tpu.memory_space<semaphore_mem>>
    tpu.enqueue_indirect_dma source(%dma_start3A_84 : memref<10000x128xf32, #tpu.memory_space<hbm>>) target(%dma_start3A_79 : memref<40x128xf32, #tpu.memory_space<vmem>>) offsets(%dma_start3A_81 : memref<40xi32, #tpu.memory_space<vmem>>) semaphore(%dma_start3A_86 : memref<!tpu.dma_semaphore, #tpu.memory_space<semaphore_mem>>)
    %rem3A_87 = arith.constant 2 : i32
    %rem3A_88 = arith.constant 7 : i32
    %rem3A_89 = arith.remsi %rem3A_87, %rem3A_88 : i32
    %mul3A_90 = arith.constant 10000 : i32
    %mul3A_91 = arith.muli %add3A, %mul3A_90 : i32
    %add3A_92 = arith.constant 80 : i32
    %add3A_93 = arith.addi %mul3A_91, %add3A_92 : i32
    %dma_start3A_94 = arith.constant 0 : i32
    %dma_start3A_95 = tpu.memref_slice %arg7[%rem3A_89, %dma_start3A_94] : memref<7x40xi32, #tpu.memory_space<vmem>> -> memref<1x40xi32, #tpu.memory_space<vmem>>
    %dma_start3A_96 = tpu.memref_squeeze %dma_start3A_95 : memref<1x40xi32, #tpu.memory_space<vmem>> -> memref<40xi32, #tpu.memory_space<vmem>>
    %dma_start3A_97 = tpu.memref_slice %arg4[%add3A_93] : memref<320000xi32, #tpu.memory_space<hbm>> -> memref<40xi32, #tpu.memory_space<hbm>>
    %dma_start3A_98 = tpu.memref_slice %arg11[%rem3A_89] : memref<7x!tpu.dma_semaphore, #tpu.memory_space<semaphore_mem>> -> memref<1x!tpu.dma_semaphore, #tpu.memory_space<semaphore_mem>>
    %dma_start3A_99 = tpu.memref_squeeze %dma_start3A_98 : memref<1x!tpu.dma_semaphore, #tpu.memory_space<semaphore_mem>> -> memref<!tpu.dma_semaphore, #tpu.memory_space<semaphore_mem>>
    %dma_start3A_100 = arith.constant 0 : i32
    %dma_start3A_101 = tpu.memref_slice %arg7[%rem3A_89, %dma_start3A_100] : memref<7x40xi32, #tpu.memory_space<vmem>> -> memref<1x40xi32, #tpu.memory_space<vmem>>
    %dma_start3A_102 = tpu.memref_squeeze %dma_start3A_101 : memref<1x40xi32, #tpu.memory_space<vmem>> -> memref<40xi32, #tpu.memory_space<vmem>>
    %dma_start3A_103 = tpu.memref_slice %arg4[%add3A_93] : memref<320000xi32, #tpu.memory_space<hbm>> -> memref<40xi32, #tpu.memory_space<hbm>>
    tpu.enqueue_dma source(%dma_start3A_103 : memref<40xi32, #tpu.memory_space<hbm>>) target(%dma_start3A_102 : memref<40xi32, #tpu.memory_space<vmem>>) target_semaphore(%dma_start3A_99 : memref<!tpu.dma_semaphore, #tpu.memory_space<semaphore_mem>>)
    %mul3A_104 = arith.constant 1 : i32
    %mul3A_105 = arith.muli %mul3A_104, %rem3A_89 : i32
    %add3A_106 = arith.constant 0 : i32
    %add3A_107 = arith.addi %mul3A_105, %add3A_106 : i32
    %dma_start3A_108 = arith.constant 0 : i32
    %dma_start3A_109 = arith.constant 0 : i32
    %dma_start3A_110 = tpu.memref_slice %arg8[%rem3A_89, %dma_start3A_108, %dma_start3A_109] : memref<7x40x128xf32, #tpu.memory_space<vmem>> -> memref<1x40x128xf32, #tpu.memory_space<vmem>>
    %dma_start3A_111 = tpu.memref_squeeze %dma_start3A_110 : memref<1x40x128xf32, #tpu.memory_space<vmem>> -> memref<40x128xf32, #tpu.memory_space<vmem>>
    %dma_start3A_112 = arith.constant 80 : i32
    %dma_start3A_113 = tpu.memref_slice %arg6[%dma_start3A_112] : memref<10000xi32, #tpu.memory_space<vmem>> -> memref<40xi32, #tpu.memory_space<vmem>>
    %dma_start3A_114 = arith.constant 0 : i32
    %dma_start3A_115 = arith.constant 0 : i32
    %dma_start3A_116 = tpu.memref_slice %arg2[%dma_start3A_114, %dma_start3A_115] : memref<10000x128xf32, #tpu.memory_space<hbm>> -> memref<10000x128xf32, #tpu.memory_space<hbm>>
    %dma_start3A_117 = tpu.memref_slice %arg10[%add3A_107] : memref<7x!tpu.dma_semaphore, #tpu.memory_space<semaphore_mem>> -> memref<1x!tpu.dma_semaphore, #tpu.memory_space<semaphore_mem>>
    %dma_start3A_118 = tpu.memref_squeeze %dma_start3A_117 : memref<1x!tpu.dma_semaphore, #tpu.memory_space<semaphore_mem>> -> memref<!tpu.dma_semaphore, #tpu.memory_space<semaphore_mem>>
    tpu.enqueue_indirect_dma source(%dma_start3A_116 : memref<10000x128xf32, #tpu.memory_space<hbm>>) target(%dma_start3A_111 : memref<40x128xf32, #tpu.memory_space<vmem>>) offsets(%dma_start3A_113 : memref<40xi32, #tpu.memory_space<vmem>>) semaphore(%dma_start3A_118 : memref<!tpu.dma_semaphore, #tpu.memory_space<semaphore_mem>>)
    %rem3A_119 = arith.constant 3 : i32
    %rem3A_120 = arith.constant 7 : i32
    %rem3A_121 = arith.remsi %rem3A_119, %rem3A_120 : i32
    %mul3A_122 = arith.constant 10000 : i32
    %mul3A_123 = arith.muli %add3A, %mul3A_122 : i32
    %add3A_124 = arith.constant 120 : i32
    %add3A_125 = arith.addi %mul3A_123, %add3A_124 : i32
    %dma_start3A_126 = arith.constant 0 : i32
    %dma_start3A_127 = tpu.memref_slice %arg7[%rem3A_121, %dma_start3A_126] : memref<7x40xi32, #tpu.memory_space<vmem>> -> memref<1x40xi32, #tpu.memory_space<vmem>>
    %dma_start3A_128 = tpu.memref_squeeze %dma_start3A_127 : memref<1x40xi32, #tpu.memory_space<vmem>> -> memref<40xi32, #tpu.memory_space<vmem>>
    %dma_start3A_129 = tpu.memref_slice %arg4[%add3A_125] : memref<320000xi32, #tpu.memory_space<hbm>> -> memref<40xi32, #tpu.memory_space<hbm>>
    %dma_start3A_130 = tpu.memref_slice %arg11[%rem3A_121] : memref<7x!tpu.dma_semaphore, #tpu.memory_space<semaphore_mem>> -> memref<1x!tpu.dma_semaphore, #tpu.memory_space<semaphore_mem>>
    %dma_start3A_131 = tpu.memref_squeeze %dma_start3A_130 : memref<1x!tpu.dma_semaphore, #tpu.memory_space<semaphore_mem>> -> memref<!tpu.dma_semaphore, #tpu.memory_space<semaphore_mem>>
    %dma_start3A_132 = arith.constant 0 : i32
    %dma_start3A_133 = tpu.memref_slice %arg7[%rem3A_121, %dma_start3A_132] : memref<7x40xi32, #tpu.memory_space<vmem>> -> memref<1x40xi32, #tpu.memory_space<vmem>>
    %dma_start3A_134 = tpu.memref_squeeze %dma_start3A_133 : memref<1x40xi32, #tpu.memory_space<vmem>> -> memref<40xi32, #tpu.memory_space<vmem>>
    %dma_start3A_135 = tpu.memref_slice %arg4[%add3A_125] : memref<320000xi32, #tpu.memory_space<hbm>> -> memref<40xi32, #tpu.memory_space<hbm>>
    tpu.enqueue_dma source(%dma_start3A_135 : memref<40xi32, #tpu.memory_space<hbm>>) target(%dma_start3A_134 : memref<40xi32, #tpu.memory_space<vmem>>) target_semaphore(%dma_start3A_131 : memref<!tpu.dma_semaphore, #tpu.memory_space<semaphore_mem>>)
    %mul3A_136 = arith.constant 1 : i32
    %mul3A_137 = arith.muli %mul3A_136, %rem3A_121 : i32
    %add3A_138 = arith.constant 0 : i32
    %add3A_139 = arith.addi %mul3A_137, %add3A_138 : i32
    %dma_start3A_140 = arith.constant 0 : i32
    %dma_start3A_141 = arith.constant 0 : i32
    %dma_start3A_142 = tpu.memref_slice %arg8[%rem3A_121, %dma_start3A_140, %dma_start3A_141] : memref<7x40x128xf32, #tpu.memory_space<vmem>> -> memref<1x40x128xf32, #tpu.memory_space<vmem>>
    %dma_start3A_143 = tpu.memref_squeeze %dma_start3A_142 : memref<1x40x128xf32, #tpu.memory_space<vmem>> -> memref<40x128xf32, #tpu.memory_space<vmem>>
    %dma_start3A_144 = arith.constant 120 : i32
    %dma_start3A_145 = tpu.memref_slice %arg6[%dma_start3A_144] : memref<10000xi32, #tpu.memory_space<vmem>> -> memref<40xi32, #tpu.memory_space<vmem>>
    %dma_start3A_146 = arith.constant 0 : i32
    %dma_start3A_147 = arith.constant 0 : i32
    %dma_start3A_148 = tpu.memref_slice %arg2[%dma_start3A_146, %dma_start3A_147] : memref<10000x128xf32, #tpu.memory_space<hbm>> -> memref<10000x128xf32, #tpu.memory_space<hbm>>
    %dma_start3A_149 = tpu.memref_slice %arg10[%add3A_139] : memref<7x!tpu.dma_semaphore, #tpu.memory_space<semaphore_mem>> -> memref<1x!tpu.dma_semaphore, #tpu.memory_space<semaphore_mem>>
    %dma_start3A_150 = tpu.memref_squeeze %dma_start3A_149 : memref<1x!tpu.dma_semaphore, #tpu.memory_space<semaphore_mem>> -> memref<!tpu.dma_semaphore, #tpu.memory_space<semaphore_mem>>
    tpu.enqueue_indirect_dma source(%dma_start3A_148 : memref<10000x128xf32, #tpu.memory_space<hbm>>) target(%dma_start3A_143 : memref<40x128xf32, #tpu.memory_space<vmem>>) offsets(%dma_start3A_145 : memref<40xi32, #tpu.memory_space<vmem>>) semaphore(%dma_start3A_150 : memref<!tpu.dma_semaphore, #tpu.memory_space<semaphore_mem>>)
    %rem3A_151 = arith.constant 4 : i32
    %rem3A_152 = arith.constant 7 : i32
    %rem3A_153 = arith.remsi %rem3A_151, %rem3A_152 : i32
    %mul3A_154 = arith.constant 10000 : i32
    %mul3A_155 = arith.muli %add3A, %mul3A_154 : i32
    %add3A_156 = arith.constant 160 : i32
    %add3A_157 = arith.addi %mul3A_155, %add3A_156 : i32
    %dma_start3A_158 = arith.constant 0 : i32
    %dma_start3A_159 = tpu.memref_slice %arg7[%rem3A_153, %dma_start3A_158] : memref<7x40xi32, #tpu.memory_space<vmem>> -> memref<1x40xi32, #tpu.memory_space<vmem>>
    %dma_start3A_160 = tpu.memref_squeeze %dma_start3A_159 : memref<1x40xi32, #tpu.memory_space<vmem>> -> memref<40xi32, #tpu.memory_space<vmem>>
    %dma_start3A_161 = tpu.memref_slice %arg4[%add3A_157] : memref<320000xi32, #tpu.memory_space<hbm>> -> memref<40xi32, #tpu.memory_space<hbm>>
    %dma_start3A_162 = tpu.memref_slice %arg11[%rem3A_153] : memref<7x!tpu.dma_semaphore, #tpu.memory_space<semaphore_mem>> -> memref<1x!tpu.dma_semaphore, #tpu.memory_space<semaphore_mem>>
    %dma_start3A_163 = tpu.memref_squeeze %dma_start3A_162 : memref<1x!tpu.dma_semaphore, #tpu.memory_space<semaphore_mem>> -> memref<!tpu.dma_semaphore, #tpu.memory_space<semaphore_mem>>
    %dma_start3A_164 = arith.constant 0 : i32
    %dma_start3A_165 = tpu.memref_slice %arg7[%rem3A_153, %dma_start3A_164] : memref<7x40xi32, #tpu.memory_space<vmem>> -> memref<1x40xi32, #tpu.memory_space<vmem>>
    %dma_start3A_166 = tpu.memref_squeeze %dma_start3A_165 : memref<1x40xi32, #tpu.memory_space<vmem>> -> memref<40xi32, #tpu.memory_space<vmem>>
    %dma_start3A_167 = tpu.memref_slice %arg4[%add3A_157] : memref<320000xi32, #tpu.memory_space<hbm>> -> memref<40xi32, #tpu.memory_space<hbm>>
    tpu.enqueue_dma source(%dma_start3A_167 : memref<40xi32, #tpu.memory_space<hbm>>) target(%dma_start3A_166 : memref<40xi32, #tpu.memory_space<vmem>>) target_semaphore(%dma_start3A_163 : memref<!tpu.dma_semaphore, #tpu.memory_space<semaphore_mem>>)
    %mul3A_168 = arith.constant 1 : i32
    %mul3A_169 = arith.muli %mul3A_168, %rem3A_153 : i32
    %add3A_170 = arith.constant 0 : i32
    %add3A_171 = arith.addi %mul3A_169, %add3A_170 : i32
    %dma_start3A_172 = arith.constant 0 : i32
    %dma_start3A_173 = arith.constant 0 : i32
    %dma_start3A_174 = tpu.memref_slice %arg8[%rem3A_153, %dma_start3A_172, %dma_start3A_173] : memref<7x40x128xf32, #tpu.memory_space<vmem>> -> memref<1x40x128xf32, #tpu.memory_space<vmem>>
    %dma_start3A_175 = tpu.memref_squeeze %dma_start3A_174 : memref<1x40x128xf32, #tpu.memory_space<vmem>> -> memref<40x128xf32, #tpu.memory_space<vmem>>
    %dma_start3A_176 = arith.constant 160 : i32
    %dma_start3A_177 = tpu.memref_slice %arg6[%dma_start3A_176] : memref<10000xi32, #tpu.memory_space<vmem>> -> memref<40xi32, #tpu.memory_space<vmem>>
    %dma_start3A_178 = arith.constant 0 : i32
    %dma_start3A_179 = arith.constant 0 : i32
    %dma_start3A_180 = tpu.memref_slice %arg2[%dma_start3A_178, %dma_start3A_179] : memref<10000x128xf32, #tpu.memory_space<hbm>> -> memref<10000x128xf32, #tpu.memory_space<hbm>>
    %dma_start3A_181 = tpu.memref_slice %arg10[%add3A_171] : memref<7x!tpu.dma_semaphore, #tpu.memory_space<semaphore_mem>> -> memref<1x!tpu.dma_semaphore, #tpu.memory_space<semaphore_mem>>
    %dma_start3A_182 = tpu.memref_squeeze %dma_start3A_181 : memref<1x!tpu.dma_semaphore, #tpu.memory_space<semaphore_mem>> -> memref<!tpu.dma_semaphore, #tpu.memory_space<semaphore_mem>>
    tpu.enqueue_indirect_dma source(%dma_start3A_180 : memref<10000x128xf32, #tpu.memory_space<hbm>>) target(%dma_start3A_175 : memref<40x128xf32, #tpu.memory_space<vmem>>) offsets(%dma_start3A_177 : memref<40xi32, #tpu.memory_space<vmem>>) semaphore(%dma_start3A_182 : memref<!tpu.dma_semaphore, #tpu.memory_space<semaphore_mem>>)
    %scan3A = arith.constant 0 : i32
    %scan3A_183 = arith.constant 0 : i32
    %scan3A_184 = arith.constant 250 : i32
    %scan3A_185 = arith.addi %scan3A_183, %scan3A_184 : i32
    %scan3A_186 = arith.constant 1 : i32
    scf.for %scan3A_221 = %scan3A_183 to %scan3A_185 step %scan3A_186  : i32 {
      %rem3A_222 = arith.constant 7 : i32
      %rem3A_223 = arith.remsi %scan3A_221, %rem3A_222 : i32
      %ge3A = arith.constant 2 : i32
      %ge3A_224 = arith.cmpi sge, %scan3A_221, %ge3A : i32
      %convert_element_type3A_225 = arith.extui %ge3A_224 : i1 to i32
      %cond3A_226 = arith.constant 0 : i32
      %cond3A_227 = arith.cmpi ne, %convert_element_type3A_225, %cond3A_226 : i32
      scf.if %cond3A_227 {
        %sub3A = arith.constant 2 : i32
        %sub3A_281 = arith.subi %scan3A_221, %sub3A : i32
        %rem3A_282 = arith.constant 7 : i32
        %rem3A_283 = arith.remsi %sub3A_281, %rem3A_282 : i32
        %dma_wait3A_284 = arith.constant 0 : i32
        %dma_wait3A_285 = arith.constant 0 : i32
        %dma_wait3A_286 = tpu.memref_slice %arg8[%rem3A_283, %dma_wait3A_284, %dma_wait3A_285] : memref<7x40x128xf32, #tpu.memory_space<vmem>> -> memref<1x40x128xf32, #tpu.memory_space<vmem>>
        %dma_wait3A_287 = tpu.memref_squeeze %dma_wait3A_286 : memref<1x40x128xf32, #tpu.memory_space<vmem>> -> memref<40x128xf32, #tpu.memory_space<vmem>>
        %dma_wait3A_288 = arith.constant 0 : i32
        %dma_wait3A_289 = tpu.memref_slice %arg7[%rem3A_283, %dma_wait3A_288] : memref<7x40xi32, #tpu.memory_space<vmem>> -> memref<1x40xi32, #tpu.memory_space<vmem>>
        %dma_wait3A_290 = tpu.memref_squeeze %dma_wait3A_289 : memref<1x40xi32, #tpu.memory_space<vmem>> -> memref<40xi32, #tpu.memory_space<vmem>>
        %dma_wait3A_291 = arith.constant 0 : i32
        %dma_wait3A_292 = arith.constant 0 : i32
        %dma_wait3A_293 = tpu.memref_slice %arg9[%dma_wait3A_291, %dma_wait3A_292] : memref<10000x128xf32, #tpu.memory_space<vmem_shared>> -> memref<10000x128xf32, #tpu.memory_space<vmem_shared>>
        %dma_wait3A_294 = tpu.memref_slice %arg12[%rem3A_283] : memref<7x!tpu.dma_semaphore, #tpu.memory_space<semaphore_mem>> -> memref<1x!tpu.dma_semaphore, #tpu.memory_space<semaphore_mem>>
        %dma_wait3A_295 = tpu.memref_squeeze %dma_wait3A_294 : memref<1x!tpu.dma_semaphore, #tpu.memory_space<semaphore_mem>> -> memref<!tpu.dma_semaphore, #tpu.memory_space<semaphore_mem>>
        tpu.wait_indirect_dma semaphore(%dma_wait3A_295 : memref<!tpu.dma_semaphore, #tpu.memory_space<semaphore_mem>>) src(%dma_wait3A_287 : memref<40x128xf32, #tpu.memory_space<vmem>>) dst(%dma_wait3A_293 : memref<10000x128xf32, #tpu.memory_space<vmem_shared>>)
      } else {
      }
      %add3A_228 = arith.constant 5 : i32
      %add3A_229 = arith.addi %scan3A_221, %add3A_228 : i32
      %lt3A = arith.constant 250 : i32
      %lt3A_230 = arith.cmpi slt, %add3A_229, %lt3A : i32
      %convert_element_type3A_231 = arith.extui %lt3A_230 : i1 to i32
      %cond3A_232 = arith.constant 0 : i32
      %cond3A_233 = arith.cmpi ne, %convert_element_type3A_231, %cond3A_232 : i32
      scf.if %cond3A_233 {
        %add3A_281 = arith.constant 5 : i32
        %add3A_282 = arith.addi %scan3A_221, %add3A_281 : i32
        %rem3A_283 = arith.constant 7 : i32
        %rem3A_284 = arith.remsi %add3A_282, %rem3A_283 : i32
        %mul3A_285 = arith.constant 10000 : i32
        %mul3A_286 = arith.muli %add3A, %mul3A_285 : i32
        %mul3A_287 = arith.constant 40 : i32
        %mul3A_288 = arith.muli %add3A_282, %mul3A_287 : i32
        %add3A_289 = arith.addi %mul3A_286, %mul3A_288 : i32
        %dma_start3A_290 = arith.constant 0 : i32
        %dma_start3A_291 = tpu.memref_slice %arg7[%rem3A_284, %dma_start3A_290] : memref<7x40xi32, #tpu.memory_space<vmem>> -> memref<1x40xi32, #tpu.memory_space<vmem>>
        %dma_start3A_292 = tpu.memref_squeeze %dma_start3A_291 : memref<1x40xi32, #tpu.memory_space<vmem>> -> memref<40xi32, #tpu.memory_space<vmem>>
        %dma_start3A_293 = tpu.memref_slice %arg4[%add3A_289] : memref<320000xi32, #tpu.memory_space<hbm>> -> memref<40xi32, #tpu.memory_space<hbm>>
        %dma_start3A_294 = tpu.memref_slice %arg11[%rem3A_284] : memref<7x!tpu.dma_semaphore, #tpu.memory_space<semaphore_mem>> -> memref<1x!tpu.dma_semaphore, #tpu.memory_space<semaphore_mem>>
        %dma_start3A_295 = tpu.memref_squeeze %dma_start3A_294 : memref<1x!tpu.dma_semaphore, #tpu.memory_space<semaphore_mem>> -> memref<!tpu.dma_semaphore, #tpu.memory_space<semaphore_mem>>
        %dma_start3A_296 = arith.constant 0 : i32
        %dma_start3A_297 = tpu.memref_slice %arg7[%rem3A_284, %dma_start3A_296] : memref<7x40xi32, #tpu.memory_space<vmem>> -> memref<1x40xi32, #tpu.memory_space<vmem>>
        %dma_start3A_298 = tpu.memref_squeeze %dma_start3A_297 : memref<1x40xi32, #tpu.memory_space<vmem>> -> memref<40xi32, #tpu.memory_space<vmem>>
        %dma_start3A_299 = tpu.memref_slice %arg4[%add3A_289] : memref<320000xi32, #tpu.memory_space<hbm>> -> memref<40xi32, #tpu.memory_space<hbm>>
        tpu.enqueue_dma source(%dma_start3A_299 : memref<40xi32, #tpu.memory_space<hbm>>) target(%dma_start3A_298 : memref<40xi32, #tpu.memory_space<vmem>>) target_semaphore(%dma_start3A_295 : memref<!tpu.dma_semaphore, #tpu.memory_space<semaphore_mem>>)
        %mul3A_300 = arith.constant 40 : i32
        %mul3A_301 = arith.muli %add3A_282, %mul3A_300 : i32
        %add3A_302 = arith.constant 0 : i32
        %add3A_303 = arith.addi %mul3A_301, %add3A_302 : i32
        %mul3A_304 = arith.constant 1 : i32
        %mul3A_305 = arith.muli %mul3A_304, %rem3A_284 : i32
        %add3A_306 = arith.constant 0 : i32
        %add3A_307 = arith.addi %mul3A_305, %add3A_306 : i32
        %dma_start3A_308 = arith.constant 0 : i32
        %dma_start3A_309 = arith.constant 0 : i32
        %dma_start3A_310 = tpu.memref_slice %arg8[%rem3A_284, %dma_start3A_308, %dma_start3A_309] : memref<7x40x128xf32, #tpu.memory_space<vmem>> -> memref<1x40x128xf32, #tpu.memory_space<vmem>>
        %dma_start3A_311 = tpu.memref_squeeze %dma_start3A_310 : memref<1x40x128xf32, #tpu.memory_space<vmem>> -> memref<40x128xf32, #tpu.memory_space<vmem>>
        %dma_start3A_312 = tpu.memref_slice %arg6[%add3A_303] : memref<10000xi32, #tpu.memory_space<vmem>> -> memref<40xi32, #tpu.memory_space<vmem>>
        %dma_start3A_313 = arith.constant 0 : i32
        %dma_start3A_314 = arith.constant 0 : i32
        %dma_start3A_315 = tpu.memref_slice %arg2[%dma_start3A_313, %dma_start3A_314] : memref<10000x128xf32, #tpu.memory_space<hbm>> -> memref<10000x128xf32, #tpu.memory_space<hbm>>
        %dma_start3A_316 = tpu.memref_slice %arg10[%add3A_307] : memref<7x!tpu.dma_semaphore, #tpu.memory_space<semaphore_mem>> -> memref<1x!tpu.dma_semaphore, #tpu.memory_space<semaphore_mem>>
        %dma_start3A_317 = tpu.memref_squeeze %dma_start3A_316 : memref<1x!tpu.dma_semaphore, #tpu.memory_space<semaphore_mem>> -> memref<!tpu.dma_semaphore, #tpu.memory_space<semaphore_mem>>
        tpu.enqueue_indirect_dma source(%dma_start3A_315 : memref<10000x128xf32, #tpu.memory_space<hbm>>) target(%dma_start3A_311 : memref<40x128xf32, #tpu.memory_space<vmem>>) offsets(%dma_start3A_312 : memref<40xi32, #tpu.memory_space<vmem>>) semaphore(%dma_start3A_317 : memref<!tpu.dma_semaphore, #tpu.memory_space<semaphore_mem>>)
      } else {
      }
      %rem3A_234 = arith.constant 7 : i32
      %rem3A_235 = arith.remsi %scan3A_221, %rem3A_234 : i32
      %mul3A_236 = arith.constant 10000 : i32
      %mul3A_237 = arith.muli %add3A, %mul3A_236 : i32
      %mul3A_238 = arith.constant 40 : i32
      %mul3A_239 = arith.muli %scan3A_221, %mul3A_238 : i32
      %add3A_240 = arith.addi %mul3A_237, %mul3A_239 : i32
      %dma_wait3A_241 = arith.constant 0 : i32
      %dma_wait3A_242 = tpu.memref_slice %arg7[%rem3A_235, %dma_wait3A_241] : memref<7x40xi32, #tpu.memory_space<vmem>> -> memref<1x40xi32, #tpu.memory_space<vmem>>
      %dma_wait3A_243 = tpu.memref_squeeze %dma_wait3A_242 : memref<1x40xi32, #tpu.memory_space<vmem>> -> memref<40xi32, #tpu.memory_space<vmem>>
      %dma_wait3A_244 = tpu.memref_slice %arg4[%add3A_240] : memref<320000xi32, #tpu.memory_space<hbm>> -> memref<40xi32, #tpu.memory_space<hbm>>
      %dma_wait3A_245 = tpu.memref_slice %arg11[%rem3A_235] : memref<7x!tpu.dma_semaphore, #tpu.memory_space<semaphore_mem>> -> memref<1x!tpu.dma_semaphore, #tpu.memory_space<semaphore_mem>>
      %dma_wait3A_246 = tpu.memref_squeeze %dma_wait3A_245 : memref<1x!tpu.dma_semaphore, #tpu.memory_space<semaphore_mem>> -> memref<!tpu.dma_semaphore, #tpu.memory_space<semaphore_mem>>
      %dma_wait3A_247 = arith.constant 0 : i32
      %dma_wait3A_248 = tpu.memref_slice %arg7[%rem3A_235, %dma_wait3A_247] : memref<7x40xi32, #tpu.memory_space<vmem>> -> memref<1x40xi32, #tpu.memory_space<vmem>>
      %dma_wait3A_249 = tpu.memref_squeeze %dma_wait3A_248 : memref<1x40xi32, #tpu.memory_space<vmem>> -> memref<40xi32, #tpu.memory_space<vmem>>
      %dma_wait3A_250 = tpu.memref_slice %arg4[%add3A_240] : memref<320000xi32, #tpu.memory_space<hbm>> -> memref<40xi32, #tpu.memory_space<hbm>>
      tpu.wait_dma2 semaphore(%dma_wait3A_246 : memref<!tpu.dma_semaphore, #tpu.memory_space<semaphore_mem>>) src(%dma_wait3A_250 : memref<40xi32, #tpu.memory_space<hbm>>) dst(%dma_wait3A_249 : memref<40xi32, #tpu.memory_space<vmem>>)
      %mul3A_251 = arith.constant 40 : i32
      %mul3A_252 = arith.muli %scan3A_221, %mul3A_251 : i32
      %add3A_253 = arith.constant 0 : i32
      %add3A_254 = arith.addi %mul3A_252, %add3A_253 : i32
      %mul3A_255 = arith.constant 1 : i32
      %mul3A_256 = arith.muli %mul3A_255, %rem3A_235 : i32
      %add3A_257 = arith.constant 0 : i32
      %add3A_258 = arith.addi %mul3A_256, %add3A_257 : i32
      %dma_wait3A_259 = arith.constant 0 : i32
      %dma_wait3A_260 = arith.constant 0 : i32
      %dma_wait3A_261 = tpu.memref_slice %arg8[%rem3A_235, %dma_wait3A_259, %dma_wait3A_260] : memref<7x40x128xf32, #tpu.memory_space<vmem>> -> memref<1x40x128xf32, #tpu.memory_space<vmem>>
      %dma_wait3A_262 = tpu.memref_squeeze %dma_wait3A_261 : memref<1x40x128xf32, #tpu.memory_space<vmem>> -> memref<40x128xf32, #tpu.memory_space<vmem>>
      %dma_wait3A_263 = tpu.memref_slice %arg6[%add3A_254] : memref<10000xi32, #tpu.memory_space<vmem>> -> memref<40xi32, #tpu.memory_space<vmem>>
      %dma_wait3A_264 = arith.constant 0 : i32
      %dma_wait3A_265 = arith.constant 0 : i32
      %dma_wait3A_266 = tpu.memref_slice %arg2[%dma_wait3A_264, %dma_wait3A_265] : memref<10000x128xf32, #tpu.memory_space<hbm>> -> memref<10000x128xf32, #tpu.memory_space<hbm>>
      %dma_wait3A_267 = tpu.memref_slice %arg10[%add3A_258] : memref<7x!tpu.dma_semaphore, #tpu.memory_space<semaphore_mem>> -> memref<1x!tpu.dma_semaphore, #tpu.memory_space<semaphore_mem>>
      %dma_wait3A_268 = tpu.memref_squeeze %dma_wait3A_267 : memref<1x!tpu.dma_semaphore, #tpu.memory_space<semaphore_mem>> -> memref<!tpu.dma_semaphore, #tpu.memory_space<semaphore_mem>>
      tpu.wait_indirect_dma semaphore(%dma_wait3A_268 : memref<!tpu.dma_semaphore, #tpu.memory_space<semaphore_mem>>) src(%dma_wait3A_266 : memref<10000x128xf32, #tpu.memory_space<hbm>>) dst(%dma_wait3A_262 : memref<40x128xf32, #tpu.memory_space<vmem>>)
      %dma_start3A_269 = arith.constant 0 : i32
      %dma_start3A_270 = arith.constant 0 : i32
      %dma_start3A_271 = tpu.memref_slice %arg8[%rem3A_223, %dma_start3A_269, %dma_start3A_270] : memref<7x40x128xf32, #tpu.memory_space<vmem>> -> memref<1x40x128xf32, #tpu.memory_space<vmem>>
      %dma_start3A_272 = tpu.memref_squeeze %dma_start3A_271 : memref<1x40x128xf32, #tpu.memory_space<vmem>> -> memref<40x128xf32, #tpu.memory_space<vmem>>
      %dma_start3A_273 = arith.constant 0 : i32
      %dma_start3A_274 = tpu.memref_slice %arg7[%rem3A_223, %dma_start3A_273] : memref<7x40xi32, #tpu.memory_space<vmem>> -> memref<1x40xi32, #tpu.memory_space<vmem>>
      %dma_start3A_275 = tpu.memref_squeeze %dma_start3A_274 : memref<1x40xi32, #tpu.memory_space<vmem>> -> memref<40xi32, #tpu.memory_space<vmem>>
      %dma_start3A_276 = arith.constant 0 : i32
      %dma_start3A_277 = arith.constant 0 : i32
      %dma_start3A_278 = tpu.memref_slice %arg9[%dma_start3A_276, %dma_start3A_277] : memref<10000x128xf32, #tpu.memory_space<vmem_shared>> -> memref<10000x128xf32, #tpu.memory_space<vmem_shared>>
      %dma_start3A_279 = tpu.memref_slice %arg12[%rem3A_223] : memref<7x!tpu.dma_semaphore, #tpu.memory_space<semaphore_mem>> -> memref<1x!tpu.dma_semaphore, #tpu.memory_space<semaphore_mem>>
      %dma_start3A_280 = tpu.memref_squeeze %dma_start3A_279 : memref<1x!tpu.dma_semaphore, #tpu.memory_space<semaphore_mem>> -> memref<!tpu.dma_semaphore, #tpu.memory_space<semaphore_mem>>
      tpu.enqueue_indirect_dma source(%dma_start3A_272 : memref<40x128xf32, #tpu.memory_space<vmem>>) target(%dma_start3A_278 : memref<10000x128xf32, #tpu.memory_space<vmem_shared>>) offsets(%dma_start3A_275 : memref<40xi32, #tpu.memory_space<vmem>>) semaphore(%dma_start3A_280 : memref<!tpu.dma_semaphore, #tpu.memory_space<semaphore_mem>>) {add = true}
    }
    %scan3A_187 = arith.constant 250 : i32
    %dma_wait3A = arith.constant 3 : i32
    %dma_wait3A_188 = arith.constant 3 : i32
    %dma_wait3A_189 = arith.constant 3 : i32
    %dma_wait3A_190 = arith.constant 0 : i32
    %dma_wait3A_191 = arith.constant 0 : i32
    %dma_wait3A_192 = tpu.memref_slice %arg8[%dma_wait3A, %dma_wait3A_190, %dma_wait3A_191] : memref<7x40x128xf32, #tpu.memory_space<vmem>> -> memref<1x40x128xf32, #tpu.memory_space<vmem>>
    %dma_wait3A_193 = tpu.memref_squeeze %dma_wait3A_192 : memref<1x40x128xf32, #tpu.memory_space<vmem>> -> memref<40x128xf32, #tpu.memory_space<vmem>>
    %dma_wait3A_194 = arith.constant 0 : i32
    %dma_wait3A_195 = tpu.memref_slice %arg7[%dma_wait3A_188, %dma_wait3A_194] : memref<7x40xi32, #tpu.memory_space<vmem>> -> memref<1x40xi32, #tpu.memory_space<vmem>>
    %dma_wait3A_196 = tpu.memref_squeeze %dma_wait3A_195 : memref<1x40xi32, #tpu.memory_space<vmem>> -> memref<40xi32, #tpu.memory_space<vmem>>
    %dma_wait3A_197 = arith.constant 0 : i32
    %dma_wait3A_198 = arith.constant 0 : i32
    %dma_wait3A_199 = tpu.memref_slice %arg9[%dma_wait3A_197, %dma_wait3A_198] : memref<10000x128xf32, #tpu.memory_space<vmem_shared>> -> memref<10000x128xf32, #tpu.memory_space<vmem_shared>>
    %dma_wait3A_200 = tpu.memref_slice %arg12[%dma_wait3A_189] : memref<7x!tpu.dma_semaphore, #tpu.memory_space<semaphore_mem>> -> memref<1x!tpu.dma_semaphore, #tpu.memory_space<semaphore_mem>>
    %dma_wait3A_201 = tpu.memref_squeeze %dma_wait3A_200 : memref<1x!tpu.dma_semaphore, #tpu.memory_space<semaphore_mem>> -> memref<!tpu.dma_semaphore, #tpu.memory_space<semaphore_mem>>
    tpu.wait_indirect_dma semaphore(%dma_wait3A_201 : memref<!tpu.dma_semaphore, #tpu.memory_space<semaphore_mem>>) src(%dma_wait3A_193 : memref<40x128xf32, #tpu.memory_space<vmem>>) dst(%dma_wait3A_199 : memref<10000x128xf32, #tpu.memory_space<vmem_shared>>)
    %dma_wait3A_202 = arith.constant 4 : i32
    %dma_wait3A_203 = arith.constant 4 : i32
    %dma_wait3A_204 = arith.constant 4 : i32
    %dma_wait3A_205 = arith.constant 0 : i32
    %dma_wait3A_206 = arith.constant 0 : i32
    %dma_wait3A_207 = tpu.memref_slice %arg8[%dma_wait3A_202, %dma_wait3A_205, %dma_wait3A_206] : memref<7x40x128xf32, #tpu.memory_space<vmem>> -> memref<1x40x128xf32, #tpu.memory_space<vmem>>
    %dma_wait3A_208 = tpu.memref_squeeze %dma_wait3A_207 : memref<1x40x128xf32, #tpu.memory_space<vmem>> -> memref<40x128xf32, #tpu.memory_space<vmem>>
    %dma_wait3A_209 = arith.constant 0 : i32
    %dma_wait3A_210 = tpu.memref_slice %arg7[%dma_wait3A_203, %dma_wait3A_209] : memref<7x40xi32, #tpu.memory_space<vmem>> -> memref<1x40xi32, #tpu.memory_space<vmem>>
    %dma_wait3A_211 = tpu.memref_squeeze %dma_wait3A_210 : memref<1x40xi32, #tpu.memory_space<vmem>> -> memref<40xi32, #tpu.memory_space<vmem>>
    %dma_wait3A_212 = arith.constant 0 : i32
    %dma_wait3A_213 = arith.constant 0 : i32
    %dma_wait3A_214 = tpu.memref_slice %arg9[%dma_wait3A_212, %dma_wait3A_213] : memref<10000x128xf32, #tpu.memory_space<vmem_shared>> -> memref<10000x128xf32, #tpu.memory_space<vmem_shared>>
    %dma_wait3A_215 = tpu.memref_slice %arg12[%dma_wait3A_204] : memref<7x!tpu.dma_semaphore, #tpu.memory_space<semaphore_mem>> -> memref<1x!tpu.dma_semaphore, #tpu.memory_space<semaphore_mem>>
    %dma_wait3A_216 = tpu.memref_squeeze %dma_wait3A_215 : memref<1x!tpu.dma_semaphore, #tpu.memory_space<semaphore_mem>> -> memref<!tpu.dma_semaphore, #tpu.memory_space<semaphore_mem>>
    tpu.wait_indirect_dma semaphore(%dma_wait3A_216 : memref<!tpu.dma_semaphore, #tpu.memory_space<semaphore_mem>>) src(%dma_wait3A_208 : memref<40x128xf32, #tpu.memory_space<vmem>>) dst(%dma_wait3A_214 : memref<10000x128xf32, #tpu.memory_space<vmem_shared>>)
    %barrier3A_217 = arith.constant 0 : index
    tpu.barrier barrier_id(%barrier3A_217)
    "tpu.region"() ({
      %run_scoped3A = tpu.sem_alloc : memref<!tpu.dma_semaphore, #tpu.memory_space<semaphore_mem>>
      %dma_start3A_221 = arith.constant 0 : i32
      %dma_start3A_222 = tpu.memref_slice %arg5[%arg0, %multiple_of3A, %dma_start3A_221] : memref<2x10000x128xf32, #tpu.memory_space<hbm>> -> memref<1x624x128xf32, #tpu.memory_space<hbm>>
      %dma_start3A_223 = tpu.memref_squeeze %dma_start3A_222 : memref<1x624x128xf32, #tpu.memory_space<hbm>> -> memref<624x128xf32, #tpu.memory_space<hbm>>
      %dma_start3A_224 = arith.constant 0 : i32
      %dma_start3A_225 = tpu.memref_slice %arg9[%multiple_of3A, %dma_start3A_224] : memref<10000x128xf32, #tpu.memory_space<vmem_shared>> -> memref<624x128xf32, #tpu.memory_space<vmem_shared>>
      tpu.enqueue_dma source(%dma_start3A_225 : memref<624x128xf32, #tpu.memory_space<vmem_shared>>) target(%dma_start3A_223 : memref<624x128xf32, #tpu.memory_space<hbm>>) target_semaphore(%run_scoped3A : memref<!tpu.dma_semaphore, #tpu.memory_space<semaphore_mem>>)
      %dma_wait3A_226 = arith.constant 0 : i32
      %dma_wait3A_227 = tpu.memref_slice %arg5[%arg0, %multiple_of3A, %dma_wait3A_226] : memref<2x10000x128xf32, #tpu.memory_space<hbm>> -> memref<1x624x128xf32, #tpu.memory_space<hbm>>
      %dma_wait3A_228 = tpu.memref_squeeze %dma_wait3A_227 : memref<1x624x128xf32, #tpu.memory_space<hbm>> -> memref<624x128xf32, #tpu.memory_space<hbm>>
      %dma_wait3A_229 = arith.constant 0 : i32
      %dma_wait3A_230 = tpu.memref_slice %arg9[%multiple_of3A, %dma_wait3A_229] : memref<10000x128xf32, #tpu.memory_space<vmem_shared>> -> memref<624x128xf32, #tpu.memory_space<vmem_shared>>
      tpu.wait_dma2 semaphore(%run_scoped3A : memref<!tpu.dma_semaphore, #tpu.memory_space<semaphore_mem>>) src(%dma_wait3A_230 : memref<624x128xf32, #tpu.memory_space<vmem_shared>>) dst(%dma_wait3A_228 : memref<624x128xf32, #tpu.memory_space<hbm>>)
      tpu.yield
    }) : () -> ()
    %convert_element_type3A_218 = arith.extui %eq3A_3 : i1 to i32
    %cond3A_219 = arith.constant 0 : i32
    %cond3A_220 = arith.cmpi ne, %convert_element_type3A_218, %cond3A_219 : i32
    scf.if %cond3A_220 {
      "tpu.region"() ({
        %run_scoped3A = tpu.sem_alloc : memref<!tpu.dma_semaphore, #tpu.memory_space<semaphore_mem>>
        %dma_start3A_221 = arith.constant 9984 : i32
        %dma_start3A_222 = arith.constant 0 : i32
        %dma_start3A_223 = tpu.memref_slice %arg5[%arg0, %dma_start3A_221, %dma_start3A_222] : memref<2x10000x128xf32, #tpu.memory_space<hbm>> -> memref<1x16x128xf32, #tpu.memory_space<hbm>>
        %dma_start3A_224 = tpu.memref_squeeze %dma_start3A_223 : memref<1x16x128xf32, #tpu.memory_space<hbm>> -> memref<16x128xf32, #tpu.memory_space<hbm>>
        %dma_start3A_225 = arith.constant 9984 : i32
        %dma_start3A_226 = arith.constant 0 : i32
        %dma_start3A_227 = tpu.memref_slice %arg9[%dma_start3A_225, %dma_start3A_226] : memref<10000x128xf32, #tpu.memory_space<vmem_shared>> -> memref<16x128xf32, #tpu.memory_space<vmem_shared>>
        tpu.enqueue_dma source(%dma_start3A_227 : memref<16x128xf32, #tpu.memory_space<vmem_shared>>) target(%dma_start3A_224 : memref<16x128xf32, #tpu.memory_space<hbm>>) target_semaphore(%run_scoped3A : memref<!tpu.dma_semaphore, #tpu.memory_space<semaphore_mem>>)
        %dma_wait3A_228 = arith.constant 9984 : i32
        %dma_wait3A_229 = arith.constant 0 : i32
        %dma_wait3A_230 = tpu.memref_slice %arg5[%arg0, %dma_wait3A_228, %dma_wait3A_229] : memref<2x10000x128xf32, #tpu.memory_space<hbm>> -> memref<1x16x128xf32, #tpu.memory_space<hbm>>
        %dma_wait3A_231 = tpu.memref_squeeze %dma_wait3A_230 : memref<1x16x128xf32, #tpu.memory_space<hbm>> -> memref<16x128xf32, #tpu.memory_space<hbm>>
        %dma_wait3A_232 = arith.constant 9984 : i32
        %dma_wait3A_233 = arith.constant 0 : i32
        %dma_wait3A_234 = tpu.memref_slice %arg9[%dma_wait3A_232, %dma_wait3A_233] : memref<10000x128xf32, #tpu.memory_space<vmem_shared>> -> memref<16x128xf32, #tpu.memory_space<vmem_shared>>
        tpu.wait_dma2 semaphore(%run_scoped3A : memref<!tpu.dma_semaphore, #tpu.memory_space<semaphore_mem>>) src(%dma_wait3A_234 : memref<16x128xf32, #tpu.memory_space<vmem_shared>>) dst(%dma_wait3A_231 : memref<16x128xf32, #tpu.memory_space<hbm>>)
        tpu.yield
      }) : () -> ()
    } else {
    }
    return
  }
}

module attributes {stable_mosaic.version = 14 : i64} {
  func.func @_mlp_body(%arg0: i32, %arg1: memref<2x2000x128xf32, #tpu.memory_space<vmem>>, %arg2: memref<128x128xf32, #tpu.memory_space<vmem>>, %arg3: memref<1x128xf32, #tpu.memory_space<vmem>>, %arg4: memref<128x128xf32, #tpu.memory_space<vmem>>, %arg5: memref<1x128xf32, #tpu.memory_space<vmem>>, %arg6: memref<2000x128xf32, #tpu.memory_space<vmem>>) attributes {dimension_semantics = [#tpu.dimension_semantics<arbitrary>], iteration_bounds = array<i64: 5>, scalar_prefetch = 0 : i64, scratch_operands = 0 : i64, tpu.core_type = #tpu.core_type<tc>, window_params = [{transform_indices = @transform_0, window_bounds = array<i64: 2, 2000, 128>}, {pipeline_mode = #tpu.pipeline_mode<synchronous>, transform_indices = @transform_1, window_bounds = array<i64: 128, 128>}, {pipeline_mode = #tpu.pipeline_mode<synchronous>, transform_indices = @transform_2, window_bounds = array<i64: 1, 128>}, {pipeline_mode = #tpu.pipeline_mode<synchronous>, transform_indices = @transform_3, window_bounds = array<i64: 128, 128>}, {pipeline_mode = #tpu.pipeline_mode<synchronous>, transform_indices = @transform_4, window_bounds = array<i64: 1, 128>}, {transform_indices = @transform_5, window_bounds = array<i64: 2000, 128>}]} {
    %get3A = arith.constant 0 : index
    %get3A_0 = arith.constant 0 : index
    %get3A_1 = arith.constant 0 : index
    %get3A_2 = vector.load %arg1[%get3A, %get3A_0, %get3A_1] : memref<2x2000x128xf32, #tpu.memory_space<vmem>>, vector<1x2000x128xf32>
    %get3A_3 = vector.shape_cast %get3A_2 : vector<1x2000x128xf32> to vector<2000x128xf32>
    %get3A_4 = arith.constant 1 : index
    %get3A_5 = arith.constant 0 : index
    %get3A_6 = arith.constant 0 : index
    %get3A_7 = vector.load %arg1[%get3A_4, %get3A_5, %get3A_6] : memref<2x2000x128xf32, #tpu.memory_space<vmem>>, vector<1x2000x128xf32>
    %get3A_8 = vector.shape_cast %get3A_7 : vector<1x2000x128xf32> to vector<2000x128xf32>
    %add3A = arith.addf %get3A_3, %get3A_8 : vector<2000x128xf32>
    %get3A_9 = arith.constant 0 : index
    %get3A_10 = arith.constant 0 : index
    %get3A_11 = vector.load %arg2[%get3A_9, %get3A_10] : memref<128x128xf32, #tpu.memory_space<vmem>>, vector<128x128xf32>
    %dot_general3A = arith.constant dense<0.000000e+00> : vector<2000x128xf32>
    %dot_general3A_12 = tpu.matmul %add3A, %get3A_11, %dot_general3A {dimension_numbers = #tpu.dot_dimension_numbers<[1], [0], [0], [1], [0, 0, 1, 1], [], []>, transpose_lhs_hint = false} : vector<2000x128xf32>, vector<128x128xf32>, vector<2000x128xf32> -> vector<2000x128xf32>
    %get3A_13 = arith.constant 0 : index
    %get3A_14 = arith.constant 0 : index
    %get3A_15 = vector.load %arg3[%get3A_13, %get3A_14] : memref<1x128xf32, #tpu.memory_space<vmem>>, vector<1x128xf32>
    %add3A_16 = vector.broadcast %get3A_15 : vector<1x128xf32> to vector<2000x128xf32>
    %add3A_17 = arith.addf %dot_general3A_12, %add3A_16 : vector<2000x128xf32>
    %max3A = arith.constant 0.000000e+00 : f32
    %max3A_18 = vector.broadcast %max3A : f32 to vector<2000x128xf32>
    %max3A_19 = arith.maximumf %add3A_17, %max3A_18 : vector<2000x128xf32>
    %get3A_20 = arith.constant 0 : index
    %get3A_21 = arith.constant 0 : index
    %get3A_22 = vector.load %arg4[%get3A_20, %get3A_21] : memref<128x128xf32, #tpu.memory_space<vmem>>, vector<128x128xf32>
    %dot_general3A_23 = arith.constant dense<0.000000e+00> : vector<2000x128xf32>
    %dot_general3A_24 = tpu.matmul %max3A_19, %get3A_22, %dot_general3A_23 {dimension_numbers = #tpu.dot_dimension_numbers<[1], [0], [0], [1], [0, 0, 1, 1], [], []>, transpose_lhs_hint = false} : vector<2000x128xf32>, vector<128x128xf32>, vector<2000x128xf32> -> vector<2000x128xf32>
    %get3A_25 = arith.constant 0 : index
    %get3A_26 = arith.constant 0 : index
    %get3A_27 = vector.load %arg5[%get3A_25, %get3A_26] : memref<1x128xf32, #tpu.memory_space<vmem>>, vector<1x128xf32>
    %add3A_28 = vector.broadcast %get3A_27 : vector<1x128xf32> to vector<2000x128xf32>
    %add3A_29 = arith.addf %dot_general3A_24, %add3A_28 : vector<2000x128xf32>
    %swap3A = arith.constant 0 : index
    %swap3A_30 = arith.constant 0 : index
    %swap3A_31 = vector.load %arg6[%swap3A, %swap3A_30] : memref<2000x128xf32, #tpu.memory_space<vmem>>, vector<2000x128xf32>
    tpu.vector_store %arg6[%swap3A, %swap3A_30], %add3A_29 {strides = array<i32>} : memref<2000x128xf32, #tpu.memory_space<vmem>>, vector<2000x128xf32>,
    return
  }
  func.func @transform_0(%arg0: i32) -> (i32, i32, i32) {
    %c0_i32 = arith.constant 0 : i32
    %c0_i32_0 = arith.constant 0 : i32
    %c0_i32_1 = arith.constant 0 : i32
    return %c0_i32, %arg0, %c0_i32_0 : i32, i32, i32
  }
  func.func @transform_1(%arg0: i32) -> (i32, i32) {
    %c0_i32 = arith.constant 0 : i32
    %c0_i32_0 = arith.constant 0 : i32
    %c0_i32_1 = arith.constant 0 : i32
    return %c0_i32, %c0_i32_0 : i32, i32
  }
  func.func @transform_2(%arg0: i32) -> (i32, i32) {
    %c0_i32 = arith.constant 0 : i32
    %c0_i32_0 = arith.constant 0 : i32
    %c0_i32_1 = arith.constant 0 : i32
    return %c0_i32, %c0_i32_0 : i32, i32
  }
  func.func @transform_3(%arg0: i32) -> (i32, i32) {
    %c0_i32 = arith.constant 0 : i32
    %c0_i32_0 = arith.constant 0 : i32
    %c0_i32_1 = arith.constant 0 : i32
    return %c0_i32, %c0_i32_0 : i32, i32
  }
  func.func @transform_4(%arg0: i32) -> (i32, i32) {
    %c0_i32 = arith.constant 0 : i32
    %c0_i32_0 = arith.constant 0 : i32
    %c0_i32_1 = arith.constant 0 : i32
    return %c0_i32, %c0_i32_0 : i32, i32
  }
  func.func @transform_5(%arg0: i32) -> (i32, i32) {
    %c0_i32 = arith.constant 0 : i32
    %c0_i32_0 = arith.constant 0 : i32
    return %arg0, %c0_i32 : i32, i32
  }
}

module attributes {stable_mosaic.version = 14 : i64} {
  func.func @_mlp_body(%arg0: i32, %arg1: memref<2x2000x128xf32, #tpu.memory_space<vmem>>, %arg2: memref<128x128xf32, #tpu.memory_space<vmem>>, %arg3: memref<1x128xf32, #tpu.memory_space<vmem>>, %arg4: memref<128x128xf32, #tpu.memory_space<vmem>>, %arg5: memref<1x128xf32, #tpu.memory_space<vmem>>, %arg6: memref<2000x128xf32, #tpu.memory_space<vmem>>) attributes {dimension_semantics = [#tpu.dimension_semantics<arbitrary>], iteration_bounds = array<i64: 5>, scalar_prefetch = 0 : i64, scratch_operands = 0 : i64, tpu.core_type = #tpu.core_type<tc>, window_params = [{transform_indices = @transform_0, window_bounds = array<i64: 2, 2000, 128>}, {pipeline_mode = #tpu.pipeline_mode<synchronous>, transform_indices = @transform_1, window_bounds = array<i64: 128, 128>}, {pipeline_mode = #tpu.pipeline_mode<synchronous>, transform_indices = @transform_2, window_bounds = array<i64: 1, 128>}, {pipeline_mode = #tpu.pipeline_mode<synchronous>, transform_indices = @transform_3, window_bounds = array<i64: 128, 128>}, {pipeline_mode = #tpu.pipeline_mode<synchronous>, transform_indices = @transform_4, window_bounds = array<i64: 1, 128>}, {transform_indices = @transform_5, window_bounds = array<i64: 2000, 128>}]} {
    %get3A = arith.constant 0 : index
    %get3A_0 = arith.constant 0 : index
    %get3A_1 = arith.constant 0 : index
    %get3A_2 = vector.load %arg1[%get3A, %get3A_0, %get3A_1] : memref<2x2000x128xf32, #tpu.memory_space<vmem>>, vector<1x2000x128xf32>
    %get3A_3 = vector.shape_cast %get3A_2 : vector<1x2000x128xf32> to vector<2000x128xf32>
    %get3A_4 = arith.constant 1 : index
    %get3A_5 = arith.constant 0 : index
    %get3A_6 = arith.constant 0 : index
    %get3A_7 = vector.load %arg1[%get3A_4, %get3A_5, %get3A_6] : memref<2x2000x128xf32, #tpu.memory_space<vmem>>, vector<1x2000x128xf32>
    %get3A_8 = vector.shape_cast %get3A_7 : vector<1x2000x128xf32> to vector<2000x128xf32>
    %add3A = arith.addf %get3A_3, %get3A_8 : vector<2000x128xf32>
    %get3A_9 = arith.constant 0 : index
    %get3A_10 = arith.constant 0 : index
    %get3A_11 = vector.load %arg2[%get3A_9, %get3A_10] : memref<128x128xf32, #tpu.memory_space<vmem>>, vector<128x128xf32>
    %dot_general3A = arith.constant dense<0.000000e+00> : vector<2000x128xf32>
    %dot_general3A_12 = tpu.matmul %add3A, %get3A_11, %dot_general3A {dimension_numbers = #tpu.dot_dimension_numbers<[1], [0], [0], [1], [0, 0, 1, 1], [], []>, transpose_lhs_hint = false} : vector<2000x128xf32>, vector<128x128xf32>, vector<2000x128xf32> -> vector<2000x128xf32>
    %get3A_13 = arith.constant 0 : index
    %get3A_14 = arith.constant 0 : index
    %get3A_15 = vector.load %arg3[%get3A_13, %get3A_14] : memref<1x128xf32, #tpu.memory_space<vmem>>, vector<1x128xf32>
    %add3A_16 = vector.broadcast %get3A_15 : vector<1x128xf32> to vector<2000x128xf32>
    %add3A_17 = arith.addf %dot_general3A_12, %add3A_16 : vector<2000x128xf32>
    %max3A = arith.constant 0.000000e+00 : f32
    %max3A_18 = vector.broadcast %max3A : f32 to vector<2000x128xf32>
    %max3A_19 = arith.maximumf %add3A_17, %max3A_18 : vector<2000x128xf32>
    %get3A_20 = arith.constant 0 : index
    %get3A_21 = arith.constant 0 : index
    %get3A_22 = vector.load %arg4[%get3A_20, %get3A_21] : memref<128x128xf32, #tpu.memory_space<vmem>>, vector<128x128xf32>
    %dot_general3A_23 = arith.constant dense<0.000000e+00> : vector<2000x128xf32>
    %dot_general3A_24 = tpu.matmul %max3A_19, %get3A_22, %dot_general3A_23 {dimension_numbers = #tpu.dot_dimension_numbers<[1], [0], [0], [1], [0, 0, 1, 1], [], []>, transpose_lhs_hint = false} : vector<2000x128xf32>, vector<128x128xf32>, vector<2000x128xf32> -> vector<2000x128xf32>
    %get3A_25 = arith.constant 0 : index
    %get3A_26 = arith.constant 0 : index
    %get3A_27 = vector.load %arg5[%get3A_25, %get3A_26] : memref<1x128xf32, #tpu.memory_space<vmem>>, vector<1x128xf32>
    %add3A_28 = vector.broadcast %get3A_27 : vector<1x128xf32> to vector<2000x128xf32>
    %add3A_29 = arith.addf %dot_general3A_24, %add3A_28 : vector<2000x128xf32>
    %swap3A = arith.constant 0 : index
    %swap3A_30 = arith.constant 0 : index
    %swap3A_31 = vector.load %arg6[%swap3A, %swap3A_30] : memref<2000x128xf32, #tpu.memory_space<vmem>>, vector<2000x128xf32>
    tpu.vector_store %arg6[%swap3A, %swap3A_30], %add3A_29 {strides = array<i32>} : memref<2000x128xf32, #tpu.memory_space<vmem>>, vector<2000x128xf32>,
    return
  }
  func.func @transform_0(%arg0: i32) -> (i32, i32, i32) {
    %c0_i32 = arith.constant 0 : i32
    %c0_i32_0 = arith.constant 0 : i32
    %c0_i32_1 = arith.constant 0 : i32
    return %c0_i32, %arg0, %c0_i32_0 : i32, i32, i32
  }
  func.func @transform_1(%arg0: i32) -> (i32, i32) {
    %c0_i32 = arith.constant 0 : i32
    %c0_i32_0 = arith.constant 0 : i32
    %c0_i32_1 = arith.constant 0 : i32
    return %c0_i32, %c0_i32_0 : i32, i32
  }
  func.func @transform_2(%arg0: i32) -> (i32, i32) {
    %c0_i32 = arith.constant 0 : i32
    %c0_i32_0 = arith.constant 0 : i32
    %c0_i32_1 = arith.constant 0 : i32
    return %c0_i32, %c0_i32_0 : i32, i32
  }
  func.func @transform_3(%arg0: i32) -> (i32, i32) {
    %c0_i32 = arith.constant 0 : i32
    %c0_i32_0 = arith.constant 0 : i32
    %c0_i32_1 = arith.constant 0 : i32
    return %c0_i32, %c0_i32_0 : i32, i32
  }
  func.func @transform_4(%arg0: i32) -> (i32, i32) {
    %c0_i32 = arith.constant 0 : i32
    %c0_i32_0 = arith.constant 0 : i32
    %c0_i32_1 = arith.constant 0 : i32
    return %c0_i32, %c0_i32_0 : i32, i32
  }
  func.func @transform_5(%arg0: i32) -> (i32, i32) {
    %c0_i32 = arith.constant 0 : i32
    %c0_i32_0 = arith.constant 0 : i32
    return %arg0, %c0_i32 : i32, i32
  }
}

</mosaic_0001>

<sc_bundles>
// kernel: kernel.6.cloned.1.call-start
scs
__scs_entry_jumppad:
0x0: {  	(pc) =	sbr.rel $0x88, $3  }
0x1: {  	(tag) =	ssettag $0x0;
	lr =	simm.s32 $0x1  }
0x2: {  	[smem:$0x3F97] =	sst lr;
	_ =	strace $0xD0000000  }
0x3: {  	_ = 	snop  }
0x4: {  	_ = 	snop  }
0x5: {  	_ = 	snop  }
0x6: {  	_ = 	snop  }
0x7: {  	_ = 	snop  }
__scs_overlays_trampoline_lowered:
0x8: {  	[smem:$0x3FA6] =	sst s0  }
0x9: {  	[smem:$0x3FA7] =	sst s1  }
0xa: {  	[smem:$0x3FA8] =	sst s2  }
0xb: {  	[smem:$0x3FA9] =	sst s3  }
0xc: {  	[smem:$0x3FAA] =	sst s4  }
0xd: {  	[smem:$0x3FAB] =	sst s5  }
0xe: {  	[smem:$0x3FAC] =	sst s6  }
0xf: {  	[smem:$0x3FAD] =	sst s7  }
0x10: {  	[smem:$0x3FAE] =	sst s8  }
0x11: {  	[smem:$0x3FAF] =	sst s9;
	s0 =	simm.s32 @!p0 $0x0  }
0x12: {  	s1 =	sld [smem:$0x3F95];
	s0 =	simm.s32 @p0 $0x1  }
0x13: {  	[smem:$0x3FB0] =	sst s0;
	s0 =	simm.s32 @!p1 $0x0  }
0x14: {  	s2 =	sld [smem:$0x3F94];
	s0 =	simm.s32 @p1 $0x1  }
0x15: {  	[smem:$0x3FB1] =	sst s0;
	s0 =	simm.s32 @!p2 $0x0  }
0x16: {  	s3 =	sld [smem:$0x3FDB];
	s0 =	simm.s32 @p2 $0x1  }
0x17: {  	s4 =	simm.s32 $0x1BF5;
	[smem:$0x3FB3] =	sst s0  }
0x18: {  	s0 =	sld [smem:$0x3F96];
	_ =	swait.ge [sflag:s4], $0x0  }
0x19: {  	s7 =	sld [smem:$0x3F97]  }
0x1a: {  	s8 =	sadd.s32 $0xFFFFE003, lr  }
0x1b: {  	s9 =	sadd.s32 $0xFFFFFEF7, lr;
	s5 =	simm.s32 $0xFFFFFFFF;
	p2 =	slt.u32 s8, $0xFFFFF086  }
0x1c: {  	p1 =	slt.u32 s9, $0xF7A;
	s5 =	simm.s32 @!p2 $0x0  }
0x1d: {  	s5 =	simm.s32 @p1 $0x1;
	p0 =	seq.s32 s7, s2  }
0x1e: {  	s7 =	smul.u32 @!p0 $0xF7A, s2;
	p2 =	seq.s32 @!p0 s5, $0x0  }
0x1f: {  	s9 =	smul.u32 $0xF7A, s1;
	s8 =	simm.s32 @!p0 $0x1BF5;
	p2 =	por !p2, p0  }
0x20: {  	[sflag:s8] =	ssyncset.s32 @!p0 $0xFFFFF086;
	s6 =	sadd.s32 @!p0 s3, s7;
	s7 =	simm.s32 @!p0 $0x108  }
0x21: {  	s3 =	sadd.s32 s3, s9;
	s6 =	sadd.s32 @!p0 $0x88, s6;
	s7 =	simm.s32 @p2 $0x1082  }
0x22: {  	[simem:s7], [sflag:s8] =	dma.local @!p0 [hbm:s6], $0xF7A  }
0x23: {  	s9 =	sor.u32 $0xD0000000, s2;
	s6 =	simm.s32 $0x108;
	_ =	swait.ge @!p0 [sflag:s8], $0x0  }
0x24: {  	s3 =	sadd.s32 $0x88, s3;
	s6 =	simm.s32 @!p1 $0x1082;
	[sflag:s4] =	ssyncset.s32 $0xFFFFF086  }
0x25: {  	[simem:s6], [sflag:s4] =	dma.local [hbm:s3], $0xF7A  }
0x26: {  	[smem:$0x3F97] =	sst s1;
	(tag) =	ssettag s2;
	_ =	strace s9  }
0x27: {  	s1 =	sld [smem:$0x3FA7]  }
0x28: {  	s2 =	sld [smem:$0x3FA8]  }
0x29: {  	s4 =	sld [smem:$0x3FAA]  }
0x2a: {  	p0 =	seq.s32 s5, $0x0;
	s5 =	sld [smem:$0x3FAB]  }
0x2b: {  	s6 =	sld [smem:$0x3FAC]  }
0x2c: {  	s7 =	sld [smem:$0x3FAD]  }
0x2d: {  	s3 =	simm.s32 $0x108;
	s8 =	sld [smem:$0x3FAE]  }
0x2e: {  	s3 =	simm.s32 @!p0 $0x1082;
	s9 =	sld [smem:$0x3FAF]  }
0x2f: {  	lr =	sadd.s32 s0, s3;
	s0 =	sld [smem:$0x3FA6]  }
0x30: {  	s3 =	sld [smem:$0x3FA9]  }
0x31: {  	[smem:$0x3FB2] =	sst s10  }
0x32: {  	s10 =	sld [smem:$0x3FB0];
	_ =	sdelay $0x3  }
0x33: {  	p0 =	seq.s32 s10, $0x1;
	s10 =	sld [smem:$0x3FB2];
	_ =	sdelay $0x3  }
0x34: {  	[smem:$0x3FB2] =	sst s10  }
0x35: {  	s10 =	sld [smem:$0x3FB1];
	_ =	sdelay $0x3  }
0x36: {  	p1 =	seq.s32 s10, $0x1;
	s10 =	sld [smem:$0x3FB2];
	_ =	sdelay $0x3  }
0x37: {  	[smem:$0x3FB2] =	sst s10  }
0x38: {  	s10 =	sld [smem:$0x3FB3]  }
0x39: {  	_ = 	snop;
	(pc) =	sbr.ind lr, $3  }
0x3a: {  	_ = 	snop  }
0x3b: {  	_ = 	snop  }
0x3c: {  	p2 =	seq.s32 s10, $0x1;
	s10 =	sld [smem:$0x3FB2]  }
0x3d: {  	_ =	shalt  }
0x3e: {  	_ =	shalt  }
0x3f: {  	_ =	shalt  }
0x40: {  	_ =	shalt  }
0x41: {  	_ =	shalt  }
0x42: {  	_ =	shalt  }
0x43: {  	_ =	shalt  }
0x44: {  	_ =	shalt  }
0x45: {  	_ =	shalt  }
0x46: {  	_ =	shalt  }
0x47: {  	_ =	shalt  }
0x48: {  	_ =	shalt  }
0x49: {  	_ =	shalt  }
0x4a: {  	_ =	shalt  }
0x4b: {  	_ =	shalt  }
0x4c: {  	_ =	shalt  }
0x4d: {  	_ =	shalt  }
0x4e: {  	_ =	shalt  }
0x4f: {  	_ =	shalt  }
0x50: {  	_ =	shalt  }
0x51: {  	_ =	shalt  }
0x52: {  	_ =	shalt  }
0x53: {  	_ =	shalt  }
0x54: {  	_ =	shalt  }
0x55: {  	_ =	shalt  }
0x56: {  	_ =	shalt  }
0x57: {  	_ =	shalt  }
0x58: {  	_ =	shalt  }
0x59: {  	_ =	shalt  }
0x5a: {  	_ =	shalt  }
0x5b: {  	_ =	shalt  }
0x5c: {  	_ =	shalt  }
0x5d: {  	_ =	shalt  }
0x5e: {  	_ =	shalt  }
0x5f: {  	_ =	shalt  }
0x60: {  	_ =	shalt  }
0x61: {  	_ =	shalt  }
0x62: {  	_ =	shalt  }
0x63: {  	_ =	shalt  }
0x64: {  	_ =	shalt  }
0x65: {  	_ =	shalt  }
0x66: {  	_ =	shalt  }
0x67: {  	_ =	shalt  }
0x68: {  	_ =	shalt  }
0x69: {  	_ =	shalt  }
0x6a: {  	_ =	shalt  }
0x6b: {  	_ =	shalt  }
0x6c: {  	_ =	shalt  }
0x6d: {  	_ =	shalt  }
0x6e: {  	_ =	shalt  }
0x6f: {  	_ =	shalt  }
0x70: {  	_ =	shalt  }
0x71: {  	_ =	shalt  }
0x72: {  	_ =	shalt  }
0x73: {  	_ =	shalt  }
0x74: {  	_ =	shalt  }
0x75: {  	_ =	shalt  }
0x76: {  	_ =	shalt  }
0x77: {  	_ =	shalt  }
0x78: {  	_ =	shalt  }
0x79: {  	_ =	shalt  }
0x7a: {  	_ =	shalt  }
0x7b: {  	_ =	shalt  }
0x7c: {  	_ =	shalt  }
0x7d: {  	_ =	shalt  }
0x7e: {  	_ =	shalt  }
0x7f: {  	_ =	shalt  }
0x80: {  	_ =	shalt  }
0x81: {  	_ =	shalt  }
0x82: {  	_ =	shalt  }
0x83: {  	_ =	shalt  }
0x84: {  	_ =	shalt  }
0x85: {  	_ =	shalt  }
0x86: {  	_ =	shalt  }
0x87: {  	_ =	shalt  }
.Lfunc_end0:
.L_simem_size_0:
called_computation_lowered:
.L_overlay_start_0:
0x88: {  	s2 =	sld [smem:$0x3FD9]  }
0x89: {  	s3 =	sld [smem:$0x3FFE];
	_ =	sdelay $0x1  }
0x8a: {  	s1 =	srdreg.scid  }
0x8b: {  	s0 =	sand.u32 $0x1, s1  }
0x8c: {  	s17 =	sshll.u32 s0, $0xA;
	s2 =	sadd.s32 s3, s2  }
0x8d: {  	s2 =	sadd.s32 s2, s17  }
0x8e: {  	[smem:$0x3FBE] =	sst s2  }
0x8f: {  	_ = 	snop  }
0x90: {  	s2 =	sld [smem:$0x3FC9];
	(tm) =	ssettm $0x1  }
0x91: {  	s18 =	sld [smem:$0x3FFB];
	_ =	sdelay $0x3  }
0x92: {  	_ =	strace s18  }
0x93: {  	s3 =	sld [smem:$0x3FFC];
	_ =	sdelay $0x3  }
0x94: {  	_ =	strace s3  }
0x95: {  	s3 =	sld [smem:$0x3FFD];
	_ =	sdelay $0x3  }
0x96: {  	_ =	strace s3  }
0x97: {  	_ =	strace $0x8FFFFFFF  }
0x98: {  	s19 =	sld [smem:$0x3FDB];
	_ =	sdelay $0x1  }
0x99: {  	s4 =	simm.s32 $_scs_section_size  }
0x9a: {  	s5 =	simm.s32 $_size__tile_overlayer_lowered;
	s6 =	simm.s32 $_tile_overlayer_lowered  }
0x9b: {  	s22 =	simm.s32 $0x1BFF;
	s21 =	sshll.u32 s6, $0x1;
	s3 =	sadd.s32 s4, s19  }
0x9c: {  	s7 =	simm.s32 $0x0;
	s20 =	sshll.u32 s5, $0x1;
	s5 =	sadd.s32 s21, s3  }
0x9d: {  	[timem:s7], [sflag:s22] =	dma.local [hbm:s5], s20  }
0x9e: {  	_ =	swait.ge [sflag:s22], s20  }
0x9f: {  	s4 =	ssub.s32 $0x0, s20;
	[sflag:s22] =	ssyncset.done $0x0  }
0xa0: {  	[sflag:s22] =	ssyncadd.s32 s4;
	_ =	sdelay $0x1  }
0xa1: {  	s23 =	simm.s32 $0x1B8B  }
0xa2: {  	_ =	swait.ge [sflag:s23], $0x1  }
0xa3: {  	[sflag:s23] =	ssyncset.done $0x0  }
0xa4: {  	s25 =	simm.s32 $0x1B8E;
	s24 =	sld [smem:$0x3FFE];
	[sflag:s23] =	ssyncadd.s32 $0xFFFFFFFF  }
0xa5: {  	s26 =	simm.s32 $execute0_lowered;
	[smem:$0x3FD2] =	sst s25  }
0xa6: {  	s5 =	sshll.u32 s26, $0x1;
	_ =	strace $0x80000046;
	[dreg:$0x1] =	wrdreg $0xFFFFFFFF  }
0xa7: {  	s28 =	simm.s32 $_size_execute0_lowered;
	s3 =	sadd.s32 s3, s5;
	[dreg:$0x0] =	wrdreg $0x0  }
0xa8: {  	s5 =	sshll.u32 s28, $0x1;
	[dreg:$0x2] =	wrdreg s3  }
0xa9: {  	[dreg:$0x3] =	wrdreg s5  }
0xaa: {  	[dreg:$0x4] =	wrdreg $0xC0  }
0xab: {  	_ =	task [dreg:s7], $0x5FFFF  }
0xac: {  	[dreg:$0x1] =	wrdreg $0xFFFFFFFF  }
0xad: {  	[dreg:$0x0] =	wrdreg $0x60  }
0xae: {  	[dreg:$0x2] =	wrdreg s2  }
0xaf: {  	[dreg:$0x3] =	wrdreg s24  }
0xb0: {  	[dreg:$0x4] =	wrdreg $0xB7800  }
0xb1: {  	[dreg:$0x5] =	wrdreg $0x9  }
0xb2: {  	_ =	task.clear_ibuf [dreg:s7], $0x6FFFF;
	_ =	strace $0x90000046  }
0xb3: {  	s29 =	simm.s32 $0x9;
	_ =	strace $0x80000048  }
0xb4: {  	_ =	swait.ge [sflag:s29], $0x1  }
0xb5: {  	[sflag:s29] =	ssyncadd.s32 $0xFFFFFFFF  }
0xb6: {  	_ =	strace $0x90000048  }
0xb7: {  	_ =	sfence  }
0xb8: {  	s30 =	sld [smem:$0x0];
	_ =	sdelay $0x2  }
0xb9: {  	s31 =	sshll.u32 s1, $0xD;
	s1 =	sshrl.u32 s1, $0x2  }
0xba: {  	s3 =	sand.u32 $0x4000, s31;
	s1 =	sadd.s32 s1, s30  }
0xbb: {  	s0 =	sor.u32 s3, s0;
	s1 =	sshll.u32 s1, $0x11  }
0xbc: {  	s0 =	sor.u32 s1, s0  }
0xbd: {  	s0 =	sadd.s32 $0x8F2B, s0  }
0xbe: {  	[sflag:s0] =	ssyncadd.remote.s32 $0x1  }
0xbf: {  	_ =	sfence.sel $0xFFFF  }
0xc0: {  	[dreg:$0x0] =	wrdreg $0xFFFFFFFF;
	(pc) =	sbr.abs _section_cstart, $3  }
0xc1: {  	[dreg:$0x1] =	wrdreg $0xFFFFFFFF  }
0xc2: {  	_ =	task.clear_ibuf [dreg:s7], $0x2FFFF;
	_ =	strace $0x9FFFFFFF  }
0xc3: {  	(tm) =	ssettm $0x7FFFFFFF  }
tec
execute0_lowered:
.L_overlay_start_1:
0x0: {  	(tag) =	ssettag $0x1  }
0x1: {  	s1 =	rddreg [dreg:$0x0]  }
0x2: {  	s2 =	srdreg.scid;
	s0 =	stileid.u32  }
0x3: {  	s5 =	rddreg [dreg:$0x1];
	s20 =	smul.u32 $0x4E000, s0  }
0x4: {  	s3 =	rddreg [dreg:$0x2];
	s2 =	sand.u32 $0x1, s2;
	s13 =	smul.u32 $0x2700, s0  }
0x5: {  	s4 =	sshll.u32 s0, $0x1;
	s12 =	sadd.s32 $0x1600, s5;
	s15 =	smul.u32 $0x13800, s0  }
0x6: {  	s14 =	sadd.s32 $0x15200, s5;
	s18 =	smul.u32 $0x4E20, s0;
	p3 =	sne.s32 s0, $0xF  }
0x7: {  	s6 =	sor.u32 s2, s4;
	s4 =	simm.s32 $0x0;
	s21 =	smul.u32 $0x138800, s2  }
0x8: {  	s7 =	ssub.s32 $0x2, s2;
	p0 =	seq.s32 s2, $0x1;
	s19 =	smul.u32 $0x2710, s2  }
0x9: {  	p1 =	sne.s32 s2, $0x0;
	s2 =	simm.s32 $0x12;
	s9 =	smul.u32 $0x2710, s6  }
0xa: {  	[smem:$0x7FF] =	sst s4;
	s8 =	sshrl.u32 s7, $0x1;
	s6 =	sshrl.u32 s20, $0x2  }
0xb: {  	p2 =	sne.s32 @!p1 s0, $0xF;
	_ =	strace $0x80000047;
	s16 =	ssub.s32 s7, s8  }
0xc: {  	s7 =	sadd.s32 $0x138000, s3;
	s8 =	sadd.s32 $0x27000, s1;
	s15 =	sadd.s32 s15, s21  }
0xd: {  	s30 =	sadd.s32 s19, s18;
	p2 =	por p2, p1;
	s10 =	sshrl.u32 s9, $0x3  }
0xe: {  	s15 =	sshrl.u32 s15, $0x3;
	s11 =	sadd.s32 s10, s5;
	s5 =	sadd.s32 s6, s3  }
0xf: {  	s31 =	sadd.s32 $0x28, s9;
	s9 =	sadd.s32 $0x78, s9;
	s17 =	sadd.s32 $0x1400, s5  }
0x10: {  	s6 =	sadd.s32 s1, s13;
	s22 =	sadd.s32 $0x2800, s5;
	[dreg:$0x4] =	wrdreg s17  }
0x11: {  	s15 =	sadd.s32 s14, s15;
	s23 =	sadd.s32 $0x3C00, s5;
	[dreg:$0x5] =	wrdreg s22  }
0x12: {  	s13 =	sshrl.u32 s21, $0x3;
	s24 =	sadd.s32 $0x5000, s5;
	[dreg:$0x6] =	wrdreg s23  }
0x13: {  	s9 =	sshrl.u32 s9, $0x3;
	s25 =	sadd.s32 $0x6400, s5;
	[dreg:$0x7] =	wrdreg s24  }
0x14: {  	s26 =	sadd.s32 $0x7800, s5;
	s13 =	sadd.s32 s14, s13;
	[dreg:$0x8] =	wrdreg s25  }
0x15: {  	s28 =	sadd.s32 $0x8C00, s5;
	s14 =	sshrl.u32 s31, $0x3;
	[dreg:$0x9] =	wrdreg s26  }
0x16: {  	s19 =	sadd.s32 s12, s9;
	s20 =	sadd.s32 $0xB400, s5;
	[dreg:$0xa] =	wrdreg s28  }
0x17: {  	s21 =	sadd.s32 $0xC800, s5;
	s31 =	sadd.s32 $0x12C00, s5;
	[dreg:$0xc] =	wrdreg s20  }
0x18: {  	s17 =	sadd.s32 s12, s10;
	s10 =	sadd.s32 $0xC8, s30;
	[dreg:$0xd] =	wrdreg s21  }
0x19: {  	s18 =	sadd.s32 s12, s14;
	s14 =	sadd.s32 $0xA000, s5;
	[dreg:$0x12] =	wrdreg s31  }
0x1a: {  	s23 =	sadd.s32 $0xB400, s11;
	s22 =	sadd.s32 $0xDC00, s5;
	[dreg:$0xb] =	wrdreg s14  }
0x1b: {  	s24 =	sadd.s32 $0x27000, s13;
	s26 =	sadd.s32 $0xF000, s5;
	[dreg:$0xe] =	wrdreg s22  }
0x1c: {  	s25 =	smax.u32 s16, $0x1;
	s28 =	sadd.s32 $0x10400, s5;
	[dreg:$0xf] =	wrdreg s26  }
0x1d: {  	s30 =	sadd.s32 $0x11800, s5;
	s11 =	simm.s32 $0x2B80;
	[dreg:$0x10] =	wrdreg s28  }
0x1e: {  	s10 =	sshrl.u32 s10, $0x3;
	[dreg:$0x11] =	wrdreg s30;
	s9 =	sadd.s32 $0xA, s17  }
0x1f: {  	s14 =	simm.s32 $0x28;
	s22 =	simm.s32 $0x13;
	s26 =	simm.s32 $0x0  }
0x20: {  	v0 =	vimm.f32 $0.0e+00;
	s29 =	sadd.s32 s10, s12;
	s10 =	sadd.s32 $0x14, s17;
	s12 =	simm.s32 $0x16  }
.LBB2_1:
0x21: {  	s13 =	sshll.u32 @!p1 s0, $0x6  }
0x22: {  	s20 =	sshrl.u32 @!p1 s5, $0x3;
	s13 =	sor.u32 @!p1 $0x1C16, s13  }
0x23: {  	[spmem:s20], [sflag:s13] =	dma.local @!p1 [hbm:s6], $0x2700  }
0x24: {  	s13 =	simm.s32 @!p1 $0x16  }
0x25: {  	_ =	swait.ge @!p1 [sflag:s13], $0x2700  }
0x26: {  	[sflag:s13] =	ssyncset.done @!p1 $0x0  }
0x27: {  	s20 =	simm.s32 @!p2 $0x1FD6;
	[sflag:s13] =	ssyncadd.s32 @!p1 $0xFFFFD900;
	s13 =	sshrl.u32 @!p2 s7, $0x3  }
0x28: {  	[spmem:s13], [sflag:s20] =	dma.local @!p2 [hbm:s8], $0x100  }
.Ltmp0:
0x29: {  	_ = 	snop;
	(pc) =	sbr.rel @!p0 .LBB2_5-.Ltmp0, $4  }
0x2a: {  	s13 =	simm.s32 @!p2 $0x16  }
0x2b: {  	_ =	swait.ge @!p2 [sflag:s13], $0x100  }
0x2c: {  	[sflag:s13] =	ssyncset.done @!p2 $0x0  }
0x2d: {  	[sflag:s13] =	ssyncadd.s32 @!p2 $0xFFFFFF00  }
0x2e: {  	s13 =	sshra.s32 s4, $0x2;
	s20 =	sadd.s32 $0x200, s4  }
.LBB2_3:
0x2f: {  	p4 =	sne.s32 s20, $0x4E00;
	[tilespmem:s13+$0x2BF0] =	vst v0  }
0x30: {  	[tilespmem:s13+$0x2B80] =	vst v0  }
0x31: {  	[tilespmem:s13+$0x2B90] =	vst v0  }
.Ltmp1:
0x32: {  	[tilespmem:s13+$0x2BA0] =	vst v0;
	(pc) =	sbr.rel @p4 .LBB2_3-.Ltmp1, $4  }
0x33: {  	[tilespmem:s13+$0x2BB0] =	vst v0  }
0x34: {  	[tilespmem:s13+$0x2BC0] =	vst v0  }
0x35: {  	[tilespmem:s13+$0x2BD0] =	vst v0  }
0x36: {  	[tilespmem:s13+$0x2BE0] =	vst v0;
	s13 =	sshra.s32 s20, $0x2;
	s20 =	sadd.s32 $0x200, s20  }
0x37: {  	[tilespmem:s13+$0x2BF0] =	vst v0  }
0x38: {  	[tilespmem:s13+$0x2B80] =	vst v0  }
0x39: {  	[tilespmem:s13+$0x2B90] =	vst v0  }
0x3a: {  	[tilespmem:s13+$0x2BA0] =	vst v0  }
0x3b: {  	[tilespmem:s13+$0x2BB0] =	vst v0  }
0x3c: {  	[tilespmem:s13+$0x2BC0] =	vst v0  }
0x3d: {  	[tilespmem:s13+$0x2BD0] =	vst v0  }
0x3e: {  	[tilespmem:s13+$0x2BE0] =	vst v0  }
0x3f: {  	[spmem:s5] =	stream.linear.scatter [tilespmem:s11], [sflag:$0x16], $0x1400, $0x38;
	[tilespmem:$0x1F000] =	vst v63  }
0x40: {  	_ =	swait.ge [sflag:s12], $0x1400  }
0x41: {  	[sflag:s12] =	ssyncset.done $0x0  }
0x42: {  	s28 =	rddreg [dreg:$0x4];
	[sflag:s12] =	ssyncadd.s32 $0xFFFFEC00  }
0x43: {  	[spmem:s28] =	stream.linear.scatter [tilespmem:s11], [sflag:$0x16], $0x1400, $0x38;
	[tilespmem:$0x1F000] =	vst v63  }
0x44: {  	_ =	swait.ge [sflag:s12], $0x1400  }
0x45: {  	[sflag:s12] =	ssyncset.done $0x0  }
0x46: {  	s30 =	rddreg [dreg:$0x5];
	[sflag:s12] =	ssyncadd.s32 $0xFFFFEC00  }
0x47: {  	[spmem:s30] =	stream.linear.scatter [tilespmem:s11], [sflag:$0x16], $0x1400, $0x38;
	[tilespmem:$0x1F000] =	vst v63  }
0x48: {  	_ =	swait.ge [sflag:s12], $0x1400  }
0x49: {  	[sflag:s12] =	ssyncset.done $0x0  }
0x4a: {  	s31 =	rddreg [dreg:$0x6];
	[sflag:s12] =	ssyncadd.s32 $0xFFFFEC00  }
0x4b: {  	[spmem:s31] =	stream.linear.scatter [tilespmem:s11], [sflag:$0x16], $0x1400, $0x38;
	[tilespmem:$0x1F000] =	vst v63  }
0x4c: {  	_ =	swait.ge [sflag:s12], $0x1400  }
0x4d: {  	[sflag:s12] =	ssyncset.done $0x0  }
0x4e: {  	s16 =	rddreg [dreg:$0x7];
	[sflag:s12] =	ssyncadd.s32 $0xFFFFEC00  }
0x4f: {  	[spmem:s16] =	stream.linear.scatter [tilespmem:s11], [sflag:$0x16], $0x1400, $0x38;
	[tilespmem:$0x1F000] =	vst v63  }
0x50: {  	_ =	swait.ge [sflag:s12], $0x1400  }
0x51: {  	[sflag:s12] =	ssyncset.done $0x0  }
0x52: {  	s20 =	rddreg [dreg:$0x8];
	[sflag:s12] =	ssyncadd.s32 $0xFFFFEC00  }
0x53: {  	[spmem:s20] =	stream.linear.scatter [tilespmem:s11], [sflag:$0x16], $0x1400, $0x38;
	[tilespmem:$0x1F000] =	vst v63  }
0x54: {  	_ =	swait.ge [sflag:s12], $0x1400  }
0x55: {  	[sflag:s12] =	ssyncset.done $0x0  }
0x56: {  	s21 =	rddreg [dreg:$0x9];
	[sflag:s12] =	ssyncadd.s32 $0xFFFFEC00  }
0x57: {  	[spmem:s21] =	stream.linear.scatter [tilespmem:s11], [sflag:$0x16], $0x1400, $0x38;
	[tilespmem:$0x1F000] =	vst v63  }
0x58: {  	_ =	swait.ge [sflag:s12], $0x1400  }
0x59: {  	[sflag:s12] =	ssyncset.done $0x0  }
0x5a: {  	s28 =	rddreg [dreg:$0xa];
	[sflag:s12] =	ssyncadd.s32 $0xFFFFEC00  }
0x5b: {  	[spmem:s28] =	stream.linear.scatter [tilespmem:s11], [sflag:$0x16], $0x1400, $0x38;
	[tilespmem:$0x1F000] =	vst v63  }
0x5c: {  	_ =	swait.ge [sflag:s12], $0x1400  }
0x5d: {  	[sflag:s12] =	ssyncset.done $0x0  }
0x5e: {  	s30 =	rddreg [dreg:$0xb];
	[sflag:s12] =	ssyncadd.s32 $0xFFFFEC00  }
0x5f: {  	[spmem:s30] =	stream.linear.scatter [tilespmem:s11], [sflag:$0x16], $0x1400, $0x38;
	[tilespmem:$0x1F000] =	vst v63  }
0x60: {  	_ =	swait.ge [sflag:s12], $0x1400  }
0x61: {  	[sflag:s12] =	ssyncset.done $0x0  }
0x62: {  	s31 =	rddreg [dreg:$0xc];
	[sflag:s12] =	ssyncadd.s32 $0xFFFFEC00  }
0x63: {  	[spmem:s31] =	stream.linear.scatter [tilespmem:s11], [sflag:$0x16], $0x1400, $0x38;
	[tilespmem:$0x1F000] =	vst v63  }
0x64: {  	_ =	swait.ge [sflag:s12], $0x1400  }
0x65: {  	[sflag:s12] =	ssyncset.done $0x0  }
0x66: {  	s16 =	rddreg [dreg:$0xd];
	[sflag:s12] =	ssyncadd.s32 $0xFFFFEC00  }
0x67: {  	[spmem:s16] =	stream.linear.scatter [tilespmem:s11], [sflag:$0x16], $0x1400, $0x38;
	[tilespmem:$0x1F000] =	vst v63  }
0x68: {  	_ =	swait.ge [sflag:s12], $0x1400  }
0x69: {  	[sflag:s12] =	ssyncset.done $0x0  }
0x6a: {  	s20 =	rddreg [dreg:$0xe];
	[sflag:s12] =	ssyncadd.s32 $0xFFFFEC00  }
0x6b: {  	[spmem:s20] =	stream.linear.scatter [tilespmem:s11], [sflag:$0x16], $0x1400, $0x38;
	[tilespmem:$0x1F000] =	vst v63  }
0x6c: {  	_ =	swait.ge [sflag:s12], $0x1400  }
0x6d: {  	[sflag:s12] =	ssyncset.done $0x0  }
0x6e: {  	s21 =	rddreg [dreg:$0xf];
	[sflag:s12] =	ssyncadd.s32 $0xFFFFEC00  }
0x6f: {  	[spmem:s21] =	stream.linear.scatter [tilespmem:s11], [sflag:$0x16], $0x1400, $0x38;
	[tilespmem:$0x1F000] =	vst v63  }
0x70: {  	_ =	swait.ge [sflag:s12], $0x1400  }
0x71: {  	[sflag:s12] =	ssyncset.done $0x0  }
0x72: {  	s28 =	rddreg [dreg:$0x10];
	[sflag:s12] =	ssyncadd.s32 $0xFFFFEC00  }
0x73: {  	[spmem:s28] =	stream.linear.scatter [tilespmem:s11], [sflag:$0x16], $0x1400, $0x38;
	[tilespmem:$0x1F000] =	vst v63  }
0x74: {  	_ =	swait.ge [sflag:s12], $0x1400  }
0x75: {  	[sflag:s12] =	ssyncset.done $0x0  }
0x76: {  	s30 =	rddreg [dreg:$0x11];
	[sflag:s12] =	ssyncadd.s32 $0xFFFFEC00  }
0x77: {  	[spmem:s30] =	stream.linear.scatter [tilespmem:s11], [sflag:$0x16], $0x1400, $0x38;
	[tilespmem:$0x1F000] =	vst v63  }
0x78: {  	_ =	swait.ge [sflag:s12], $0x1400  }
0x79: {  	[sflag:s12] =	ssyncset.done $0x0  }
0x7a: {  	s31 =	rddreg [dreg:$0x12];
	[sflag:s12] =	ssyncadd.s32 $0xFFFFEC00  }
0x7b: {  	[spmem:s31] =	stream.linear.scatter [tilespmem:s11], [sflag:$0x16], $0xC00, $0x38;
	[tilespmem:$0x1F000] =	vst v63  }
0x7c: {  	_ =	swait.ge [sflag:s12], $0xC00  }
0x7d: {  	[sflag:s12] =	ssyncset.done $0x0  }
0x7e: {  	s13 =	simm.s32 @!p3 $0x2B80;
	[sflag:s12] =	ssyncadd.s32 $0xFFFFF400  }
0x7f: {  	[spmem:s7] =	stream.linear.scatter @!p3 [tilespmem:s13], [sflag:$0x16], $0x800, $0x38;
	[tilespmem:$0x1F000] =	vst v63  }
0x80: {  	s13 =	simm.s32 @!p3 $0x16  }
0x81: {  	_ =	swait.ge @!p3 [sflag:s13], $0x800  }
0x82: {  	[sflag:s13] =	ssyncset.done @!p3 $0x0  }
0x83: {  	[sflag:s13] =	ssyncadd.s32 @!p3 $0xFFFFF800  }
.LBB2_5:
0x84: {  	s28 =	simm.s32 $0x0  }
0x85: {  	[tilespmem:s28], [sflag:$0x16] =	stream.linear.gather [hbm4b:s23+s28], $0x2710, $0x38;
	[tilespmem:$0x1F000] =	vst v63  }
0x86: {  	_ =	swait.ge [sflag:s12], $0x2710  }
0x87: {  	[sflag:s12] =	ssyncset.done $0x0  }
0x88: {  	[sflag:s12] =	ssyncadd.s32 $0xFFFFD8F0  }
0x89: {  	s13 =	simm.s32 $0x2780;
	[bflag:$0x0] =	sbarrier.arrive $0xFFFF  }
0x8a: {  	[tilespmem:s13], [sflag:$0x8] =	stream.linear.gather [hbm4b:s17+s28], $0x28, $0x38;
	[tilespmem:$0x1F000] =	vst v63  }
0x8b: {  	_ = 	snop  }
0x8c: {  	[tilespmem:s11], [sflag:$0x1] =	stream.indirect.gather [hbm4b:s1+s14], $0x80, s28, s14, $0xb8;
	[tilespmem:$0x1F000] =	vst v63  }
0x8d: {  	s16 =	simm.s32 $0x2800  }
0x8e: {  	[tilespmem:s16], [sflag:$0x9] =	stream.linear.gather [hbm4b:s18+s28], $0x28, $0x38;
	[tilespmem:$0x1F000] =	vst v63  }
0x8f: {  	s20 =	simm.s32 $0x3F80  }
0x90: {  	[tilespmem:s20], [sflag:$0x2] =	stream.indirect.gather [hbm4b:s1+s14], $0x80, s14, s14, $0xb8;
	[tilespmem:$0x1F000] =	vst v63  }
0x91: {  	s21 =	simm.s32 $0x2880  }
0x92: {  	[tilespmem:s21], [sflag:$0xA] =	stream.linear.gather [hbm4b:s9+s28], $0x28, $0x38;
	[tilespmem:$0x1F000] =	vst v63  }
0x93: {  	s30 =	simm.s32 $0x50;
	s16 =	simm.s32 $0x5380  }
0x94: {  	[tilespmem:s16], [sflag:$0x3] =	stream.indirect.gather [hbm4b:s1+s14], $0x80, s30, s14, $0xb8;
	[tilespmem:$0x1F000] =	vst v63  }
0x95: {  	s31 =	simm.s32 $0x2900  }
0x96: {  	[tilespmem:s31], [sflag:$0xB] =	stream.linear.gather [hbm4b:s19+s28], $0x28, $0x38;
	[tilespmem:$0x1F000] =	vst v63  }
0x97: {  	s20 =	simm.s32 $0x6780;
	s16 =	simm.s32 $0x78  }
0x98: {  	[tilespmem:s20], [sflag:$0x4] =	stream.indirect.gather [hbm4b:s1+s14], $0x80, s16, s14, $0xb8;
	[tilespmem:$0x1F000] =	vst v63  }
0x99: {  	s13 =	simm.s32 $0xC8;
	s21 =	simm.s32 $0x2980  }
0x9a: {  	[tilespmem:s21], [sflag:$0xC] =	stream.linear.gather [hbm4b:s10+s28], $0x28, $0x38;
	[tilespmem:$0x1F000] =	vst v63  }
0x9b: {  	s30 =	simm.s32 $0xA0;
	s31 =	simm.s32 $0x7B80;
	s20 =	smov.u32 s29  }
0x9c: {  	[tilespmem:s31], [sflag:$0x5] =	stream.indirect.gather [hbm4b:s1+s14], $0x80, s30, s14, $0xb8;
	[tilespmem:$0x1F000] =	vst v63  }
.LBB2_6:
0x9d: {  	p4 =	slt.u32 s28, $0x2  }
0x9e: {  	s30 =	sadd.s32 @!p4 $0xFFFFFFFE, s28  }
0x9f: {  	s16 =	sand.u32 @!p4 $0xFF, s30  }
0xa0: {  	s16 =	smul.u32 @!p4 $0x25, s16;
	_ =	sdelay $0x1  }
0xa1: {  	s16 =	sshrl.u32 @!p4 s16, $0x8  }
0xa2: {  	s31 =	ssub.s32 @!p4 s30, s16  }
0xa3: {  	s31 =	sand.u32 @!p4 $0xFE, s31  }
0xa4: {  	s31 =	sshrl.u32 @!p4 s31, $0x1  }
0xa5: {  	s16 =	sadd.s32 @!p4 s16, s31  }
0xa6: {  	s16 =	sshrl.u32 @!p4 s16, $0x2  }
0xa7: {  	s16 =	smul.u32 @!p4 $0x7, s16;
	_ =	sdelay $0x1  }
0xa8: {  	s16 =	ssub.s32 @!p4 s30, s16  }
0xa9: {  	s16 =	sand.u32 @!p4 $0xFF, s16  }
0xaa: {  	s16 =	sadd.s32 @!p4 $0xF, s16  }
0xab: {  	p5 =	sgt.u32 @!p4 s28, $0xF4;
	_ =	swait.ge @!p4 [sflag:s16], $0x1400  }
0xac: {  	p5 =	por p4, !p5;
	[sflag:s16] =	ssyncset.done @!p4 $0x0  }
0xad: {  	[sflag:s16] =	ssyncadd.s32 @!p4 $0xFFFFEC00;
	s16 =	sadd.s32 @p5 $0x5, s28  }
0xae: {  	s30 =	smul.u32 @p5 $0x25, s16;
	_ =	sdelay $0x1  }
0xaf: {  	s30 =	sshrl.u32 @p5 s30, $0x8  }
0xb0: {  	s31 =	ssub.s32 @p5 s16, s30  }
0xb1: {  	s31 =	sand.u32 @p5 $0xFE, s31  }
0xb2: {  	s31 =	sshrl.u32 @p5 s31, $0x1  }
0xb3: {  	s30 =	sadd.s32 @p5 s30, s31  }
0xb4: {  	s30 =	sand.u32 @p5 $0xFC, s30  }
0xb5: {  	s30 =	sshrl.u32 @p5 s30, $0x2  }
0xb6: {  	s30 =	smul.u32 @p5 $0x7, s30;
	_ =	sdelay $0x1  }
0xb7: {  	s16 =	ssub.s32 @p5 s16, s30  }
0xb8: {  	s16 =	sand.u32 @p5 $0xFF, s16  }
0xb9: {  	s30 =	sshll.u32 @p5 s16, $0x7  }
0xba: {  	s31 =	sor.u32 @p5 $0x8, s16;
	s21 =	smul.u32 @p5 $0x5000, s16;
	s30 =	sadd.s32 @p5 $0x2780, s30  }
0xbb: {  	[tilespmem:s30], [sflag:s31] =	stream.linear.gather @p5 [hbm4b:s20+s4], $0x28, $0x38;
	[tilespmem:$0x1F000] =	vst v63  }
0xbc: {  	s21 =	sshrl.u32 @p5 s21, $0x2  }
0xbd: {  	s16 =	sadd.s32 @p5 $0x1, s16;
	s21 =	sadd.s32 @p5 $0x2B80, s21  }
0xbe: {  	[tilespmem:s21], [sflag:s16] =	stream.indirect.gather @p5 [hbm4b:s1+s14], $0x80, s13, s14, $0xb8;
	[tilespmem:$0x1F000] =	vst v63  }
0xbf: {  	s21 =	smul.u32 $0x25, s28;
	_ =	sdelay $0x1  }
0xc0: {  	s16 =	sshrl.u32 s21, $0x8  }
0xc1: {  	s30 =	ssub.s32 s28, s16  }
0xc2: {  	s21 =	sand.u32 $0xFE, s30  }
0xc3: {  	s21 =	sshrl.u32 s21, $0x1  }
0xc4: {  	s16 =	sadd.s32 s16, s21  }
0xc5: {  	s16 =	sand.u32 $0xFC, s16  }
0xc6: {  	s16 =	sshrl.u32 s16, $0x2  }
0xc7: {  	s16 =	smul.u32 $0x7, s16;
	_ =	sdelay $0x1  }
0xc8: {  	s16 =	ssub.s32 s28, s16  }
0xc9: {  	s16 =	sand.u32 $0xFF, s16  }
0xca: {  	s31 =	sadd.s32 $0x8, s16  }
0xcb: {  	s20 =	sadd.s32 $0x5, s20;
	s28 =	sadd.s32 $0x1, s28;
	_ =	swait.ge [sflag:s31], $0x28  }
0xcc: {  	p4 =	sne.s32 s28, $0xFA;
	s21 =	smul.u32 $0x5000, s16;
	[sflag:s31] =	ssyncset.done $0x0  }
.Ltmp2:
0xcd: {  	s30 =	sadd.s32 $0x1, s16;
	[sflag:s31] =	ssyncadd.s32 $0xFFFFFFD8;
	(pc) =	sbr.rel @p4 .LBB2_6-.Ltmp2, $4  }
0xce: {  	s13 =	sadd.s32 $0x28, s13;
	s21 =	sshrl.u32 s21, $0x2;
	_ =	swait.ge [sflag:s30], $0x1400  }
0xcf: {  	s31 =	sshll.u32 s16, $0x7;
	s21 =	sadd.s32 $0x2B80, s21;
	[sflag:s30] =	ssyncset.done $0x0  }
0xd0: {  	s16 =	sadd.s32 $0xF, s16;
	s31 =	sadd.s32 $0x2780, s31;
	[sflag:s30] =	ssyncadd.s32 $0xFFFFEC00  }
0xd1: {  	[spmem:s3] =	stream.indirect.scatter.add.f32 [tilespmem:s21], [sflag:s16], $0x80, s31, s14, $0xb8;
	[tilespmem:$0x1F000] =	vst v63  }
0xd2: {  	_ =	swait.ge [sflag:s2], $0x1400  }
0xd3: {  	[sflag:s2] =	ssyncset.done $0x0  }
0xd4: {  	[sflag:s2] =	ssyncadd.s32 $0xFFFFEC00  }
0xd5: {  	_ =	swait.ge [sflag:s22], $0x1400  }
0xd6: {  	[sflag:s22] =	ssyncset.done $0x0  }
0xd7: {  	s13 =	sshll.u32 s0, $0x6;
	[sflag:s22] =	ssyncadd.s32 $0xFFFFEC00  }
0xd8: {  	s16 =	sshrl.u32 s5, $0x3;
	s13 =	sor.u32 $0x1C16, s13;
	[bflag:$0x0] =	sbarrier.arrive $0xFFFF  }
0xd9: {  	[hbm:s15], [sflag:s13] =	dma.local [spmem:s16], $0x2700  }
0xda: {  	_ =	swait.ge [sflag:s12], $0x2700  }
0xdb: {  	s26 =	sadd.s32 $0x1, s26;
	[sflag:s12] =	ssyncset.done $0x0  }
0xdc: {  	p4 =	sne.s32 s26, s25;
	s16 =	sshrl.u32 @!p3 s7, $0x3;
	[sflag:s12] =	ssyncadd.s32 $0xFFFFD900  }
0xdd: {  	[hbm:s24], [sflag:s13] =	dma.local @!p3 [spmem:s16], $0x100  }
.Ltmp3:
0xde: {  	_ = 	snop;
	(pc) =	sbr.rel @p4 .LBB2_1-.Ltmp3, $4  }
0xdf: {  	s13 =	simm.s32 @!p3 $0x16  }
0xe0: {  	_ =	swait.ge @!p3 [sflag:s13], $0x100  }
0xe1: {  	[sflag:s13] =	ssyncset.done @!p3 $0x0  }
0xe2: {  	[sflag:s13] =	ssyncadd.s32 @!p3 $0xFFFFFF00  }
0xe3: {  	_ =	sfence.sel $0x180000  }
0xe4: {  	[bflag:$0x0] =	sbarrier.arrive $0xFFFF  }
0xe5: {  	_ =	strace $0x90000047  }
0xe6: {  	[bflag:$0x2] =	sbarrier.arrive $0xFFFF  }
0xe7: {  	p0 =	sne.s32 s0, $0x0;
	s0 =	rddreg [dreg:$0x3]  }
0xe8: {  	s0 =	sadd.s32 @!p0 $0x100000, s0  }
0xe9: {  	[sflag:s0] =	ssyncadd.tile.s32 @!p0 $0x1;
	_ =	shalt  }
.Lfunc_end2:
_tile_overlayer_lowered:
.L_overlay_start_2:
0xea: {  	(tag) =	ssettag $0x2  }
0xeb: {  	s0 =	rddreg [dreg:$0x0];
	s2 =	stileid.u32  }
0xec: {  	s1 =	rddreg [dreg:$0x1];
	p0 =	sne.s32 s2, $0x0  }
0xed: {  	s3 =	rddreg [dreg:$0x2];
	[bflag:$0x3] =	sbarrier.arrive $0xFFFF;
	s2 =	simm.s32 @!p0 $0x1C16  }
0xee: {  	[timem:s3], [sflag:s2] =	dma.local @!p0 [hbm:s0], s1  }
0xef: {  	s0 =	simm.s32 @!p0 $0x16  }
0xf0: {  	_ =	swait.ge @!p0 [sflag:s0], s1  }
0xf1: {  	s1 =	ssub.s32 @!p0 $0x0, s1;
	[sflag:s0] =	ssyncset.done @!p0 $0x0  }
0xf2: {  	[sflag:s0] =	ssyncadd.s32 @!p0 s1  }
0xf3: {  	[bflag:$0x3] =	sbarrier.arrive $0xFFFF  }
0xf4: {  	_ =	shalt  }

// kernel: kernel.9.cloned.1.call-start
scs
__scs_entry_jumppad:
0x0: {  	(pc) =	sbr.rel $0x88, $3  }
0x1: {  	(tag) =	ssettag $0x0;
	lr =	simm.s32 $0x1  }
0x2: {  	[smem:$0x3F97] =	sst lr;
	_ =	strace $0xD0000000  }
0x3: {  	_ = 	snop  }
0x4: {  	_ = 	snop  }
0x5: {  	_ = 	snop  }
0x6: {  	_ = 	snop  }
0x7: {  	_ = 	snop  }
__scs_overlays_trampoline_lowered:
0x8: {  	[smem:$0x3FA6] =	sst s0  }
0x9: {  	[smem:$0x3FA7] =	sst s1  }
0xa: {  	[smem:$0x3FA8] =	sst s2  }
0xb: {  	[smem:$0x3FA9] =	sst s3  }
0xc: {  	[smem:$0x3FAA] =	sst s4  }
0xd: {  	[smem:$0x3FAB] =	sst s5  }
0xe: {  	[smem:$0x3FAC] =	sst s6  }
0xf: {  	[smem:$0x3FAD] =	sst s7  }
0x10: {  	[smem:$0x3FAE] =	sst s8  }
0x11: {  	[smem:$0x3FAF] =	sst s9;
	s0 =	simm.s32 @!p0 $0x0  }
0x12: {  	s1 =	sld [smem:$0x3F95];
	s0 =	simm.s32 @p0 $0x1  }
0x13: {  	[smem:$0x3FB0] =	sst s0;
	s0 =	simm.s32 @!p1 $0x0  }
0x14: {  	s2 =	sld [smem:$0x3F94];
	s0 =	simm.s32 @p1 $0x1  }
0x15: {  	[smem:$0x3FB1] =	sst s0;
	s0 =	simm.s32 @!p2 $0x0  }
0x16: {  	s3 =	sld [smem:$0x3FDB];
	s0 =	simm.s32 @p2 $0x1  }
0x17: {  	s4 =	simm.s32 $0x1BF5;
	[smem:$0x3FB3] =	sst s0  }
0x18: {  	s0 =	sld [smem:$0x3F96];
	_ =	swait.ge [sflag:s4], $0x0  }
0x19: {  	s7 =	sld [smem:$0x3F97]  }
0x1a: {  	s8 =	sadd.s32 $0xFFFFE003, lr  }
0x1b: {  	s9 =	sadd.s32 $0xFFFFFEF7, lr;
	s5 =	simm.s32 $0xFFFFFFFF;
	p2 =	slt.u32 s8, $0xFFFFF086  }
0x1c: {  	p1 =	slt.u32 s9, $0xF7A;
	s5 =	simm.s32 @!p2 $0x0  }
0x1d: {  	s5 =	simm.s32 @p1 $0x1;
	p0 =	seq.s32 s7, s2  }
0x1e: {  	s7 =	smul.u32 @!p0 $0xF7A, s2;
	p2 =	seq.s32 @!p0 s5, $0x0  }
0x1f: {  	s9 =	smul.u32 $0xF7A, s1;
	s8 =	simm.s32 @!p0 $0x1BF5;
	p2 =	por !p2, p0  }
0x20: {  	[sflag:s8] =	ssyncset.s32 @!p0 $0xFFFFF086;
	s6 =	sadd.s32 @!p0 s3, s7;
	s7 =	simm.s32 @!p0 $0x108  }
0x21: {  	s3 =	sadd.s32 s3, s9;
	s6 =	sadd.s32 @!p0 $0x88, s6;
	s7 =	simm.s32 @p2 $0x1082  }
0x22: {  	[simem:s7], [sflag:s8] =	dma.local @!p0 [hbm:s6], $0xF7A  }
0x23: {  	s9 =	sor.u32 $0xD0000000, s2;
	s6 =	simm.s32 $0x108;
	_ =	swait.ge @!p0 [sflag:s8], $0x0  }
0x24: {  	s3 =	sadd.s32 $0x88, s3;
	s6 =	simm.s32 @!p1 $0x1082;
	[sflag:s4] =	ssyncset.s32 $0xFFFFF086  }
0x25: {  	[simem:s6], [sflag:s4] =	dma.local [hbm:s3], $0xF7A  }
0x26: {  	[smem:$0x3F97] =	sst s1;
	(tag) =	ssettag s2;
	_ =	strace s9  }
0x27: {  	s1 =	sld [smem:$0x3FA7]  }
0x28: {  	s2 =	sld [smem:$0x3FA8]  }
0x29: {  	s4 =	sld [smem:$0x3FAA]  }
0x2a: {  	p0 =	seq.s32 s5, $0x0;
	s5 =	sld [smem:$0x3FAB]  }
0x2b: {  	s6 =	sld [smem:$0x3FAC]  }
0x2c: {  	s7 =	sld [smem:$0x3FAD]  }
0x2d: {  	s3 =	simm.s32 $0x108;
	s8 =	sld [smem:$0x3FAE]  }
0x2e: {  	s3 =	simm.s32 @!p0 $0x1082;
	s9 =	sld [smem:$0x3FAF]  }
0x2f: {  	lr =	sadd.s32 s0, s3;
	s0 =	sld [smem:$0x3FA6]  }
0x30: {  	s3 =	sld [smem:$0x3FA9]  }
0x31: {  	[smem:$0x3FB2] =	sst s10  }
0x32: {  	s10 =	sld [smem:$0x3FB0];
	_ =	sdelay $0x3  }
0x33: {  	p0 =	seq.s32 s10, $0x1;
	s10 =	sld [smem:$0x3FB2];
	_ =	sdelay $0x3  }
0x34: {  	[smem:$0x3FB2] =	sst s10  }
0x35: {  	s10 =	sld [smem:$0x3FB1];
	_ =	sdelay $0x3  }
0x36: {  	p1 =	seq.s32 s10, $0x1;
	s10 =	sld [smem:$0x3FB2];
	_ =	sdelay $0x3  }
0x37: {  	[smem:$0x3FB2] =	sst s10  }
0x38: {  	s10 =	sld [smem:$0x3FB3]  }
0x39: {  	_ = 	snop;
	(pc) =	sbr.ind lr, $3  }
0x3a: {  	_ = 	snop  }
0x3b: {  	_ = 	snop  }
0x3c: {  	p2 =	seq.s32 s10, $0x1;
	s10 =	sld [smem:$0x3FB2]  }
0x3d: {  	_ =	shalt  }
0x3e: {  	_ =	shalt  }
0x3f: {  	_ =	shalt  }
0x40: {  	_ =	shalt  }
0x41: {  	_ =	shalt  }
0x42: {  	_ =	shalt  }
0x43: {  	_ =	shalt  }
0x44: {  	_ =	shalt  }
0x45: {  	_ =	shalt  }
0x46: {  	_ =	shalt  }
0x47: {  	_ =	shalt  }
0x48: {  	_ =	shalt  }
0x49: {  	_ =	shalt  }
0x4a: {  	_ =	shalt  }
0x4b: {  	_ =	shalt  }
0x4c: {  	_ =	shalt  }
0x4d: {  	_ =	shalt  }
0x4e: {  	_ =	shalt  }
0x4f: {  	_ =	shalt  }
0x50: {  	_ =	shalt  }
0x51: {  	_ =	shalt  }
0x52: {  	_ =	shalt  }
0x53: {  	_ =	shalt  }
0x54: {  	_ =	shalt  }
0x55: {  	_ =	shalt  }
0x56: {  	_ =	shalt  }
0x57: {  	_ =	shalt  }
0x58: {  	_ =	shalt  }
0x59: {  	_ =	shalt  }
0x5a: {  	_ =	shalt  }
0x5b: {  	_ =	shalt  }
0x5c: {  	_ =	shalt  }
0x5d: {  	_ =	shalt  }
0x5e: {  	_ =	shalt  }
0x5f: {  	_ =	shalt  }
0x60: {  	_ =	shalt  }
0x61: {  	_ =	shalt  }
0x62: {  	_ =	shalt  }
0x63: {  	_ =	shalt  }
0x64: {  	_ =	shalt  }
0x65: {  	_ =	shalt  }
0x66: {  	_ =	shalt  }
0x67: {  	_ =	shalt  }
0x68: {  	_ =	shalt  }
0x69: {  	_ =	shalt  }
0x6a: {  	_ =	shalt  }
0x6b: {  	_ =	shalt  }
0x6c: {  	_ =	shalt  }
0x6d: {  	_ =	shalt  }
0x6e: {  	_ =	shalt  }
0x6f: {  	_ =	shalt  }
0x70: {  	_ =	shalt  }
0x71: {  	_ =	shalt  }
0x72: {  	_ =	shalt  }
0x73: {  	_ =	shalt  }
0x74: {  	_ =	shalt  }
0x75: {  	_ =	shalt  }
0x76: {  	_ =	shalt  }
0x77: {  	_ =	shalt  }
0x78: {  	_ =	shalt  }
0x79: {  	_ =	shalt  }
0x7a: {  	_ =	shalt  }
0x7b: {  	_ =	shalt  }
0x7c: {  	_ =	shalt  }
0x7d: {  	_ =	shalt  }
0x7e: {  	_ =	shalt  }
0x7f: {  	_ =	shalt  }
0x80: {  	_ =	shalt  }
0x81: {  	_ =	shalt  }
0x82: {  	_ =	shalt  }
0x83: {  	_ =	shalt  }
0x84: {  	_ =	shalt  }
0x85: {  	_ =	shalt  }
0x86: {  	_ =	shalt  }
0x87: {  	_ =	shalt  }
.Lfunc_end0:
.L_simem_size_0:
called_computation.1_lowered:
.L_overlay_start_0:
0x88: {  	s2 =	sld [smem:$0x3FD9]  }
0x89: {  	s3 =	sld [smem:$0x3FFE];
	_ =	sdelay $0x1  }
0x8a: {  	s1 =	srdreg.scid  }
0x8b: {  	s0 =	sand.u32 $0x1, s1  }
0x8c: {  	s17 =	sshll.u32 s0, $0xA;
	s2 =	sadd.s32 s3, s2  }
0x8d: {  	s2 =	sadd.s32 s2, s17  }
0x8e: {  	[smem:$0x3FBE] =	sst s2  }
0x8f: {  	_ = 	snop  }
0x90: {  	s2 =	sld [smem:$0x3FD0];
	(tm) =	ssettm $0x1  }
0x91: {  	s18 =	sld [smem:$0x3FFB];
	_ =	sdelay $0x3  }
0x92: {  	_ =	strace s18  }
0x93: {  	s3 =	sld [smem:$0x3FFC];
	_ =	sdelay $0x3  }
0x94: {  	_ =	strace s3  }
0x95: {  	s3 =	sld [smem:$0x3FFD];
	_ =	sdelay $0x3  }
0x96: {  	_ =	strace s3  }
0x97: {  	_ =	strace $0x8FFFFFFF  }
0x98: {  	s19 =	sld [smem:$0x3FDB];
	_ =	sdelay $0x1  }
0x99: {  	s4 =	simm.s32 $_scs_section_size  }
0x9a: {  	s5 =	simm.s32 $_size__tile_overlayer_lowered;
	s6 =	simm.s32 $_tile_overlayer_lowered  }
0x9b: {  	s22 =	simm.s32 $0x1BFF;
	s21 =	sshll.u32 s6, $0x1;
	s3 =	sadd.s32 s4, s19  }
0x9c: {  	s7 =	simm.s32 $0x0;
	s20 =	sshll.u32 s5, $0x1;
	s5 =	sadd.s32 s21, s3  }
0x9d: {  	[timem:s7], [sflag:s22] =	dma.local [hbm:s5], s20  }
0x9e: {  	_ =	swait.ge [sflag:s22], s20  }
0x9f: {  	s4 =	ssub.s32 $0x0, s20;
	[sflag:s22] =	ssyncset.done $0x0  }
0xa0: {  	[sflag:s22] =	ssyncadd.s32 s4;
	_ =	sdelay $0x1  }
0xa1: {  	s23 =	simm.s32 $0x1B8B  }
0xa2: {  	_ =	swait.ge [sflag:s23], $0x1  }
0xa3: {  	[sflag:s23] =	ssyncset.done $0x0  }
0xa4: {  	s25 =	simm.s32 $0x1B8E;
	s24 =	sld [smem:$0x3FFE];
	[sflag:s23] =	ssyncadd.s32 $0xFFFFFFFF  }
0xa5: {  	s26 =	simm.s32 $execute0_lowered;
	[smem:$0x3FD2] =	sst s25  }
0xa6: {  	s5 =	sshll.u32 s26, $0x1;
	_ =	strace $0x80000049;
	[dreg:$0x1] =	wrdreg $0xFFFFFFFF  }
0xa7: {  	s28 =	simm.s32 $_size_execute0_lowered;
	s3 =	sadd.s32 s3, s5;
	[dreg:$0x0] =	wrdreg $0x0  }
0xa8: {  	s5 =	sshll.u32 s28, $0x1;
	[dreg:$0x2] =	wrdreg s3  }
0xa9: {  	[dreg:$0x3] =	wrdreg s5  }
0xaa: {  	[dreg:$0x4] =	wrdreg $0xC0  }
0xab: {  	_ =	task [dreg:s7], $0x5FFFF  }
0xac: {  	[dreg:$0x1] =	wrdreg $0xFFFFFFFF  }
0xad: {  	[dreg:$0x0] =	wrdreg $0x60  }
0xae: {  	[dreg:$0x2] =	wrdreg s2  }
0xaf: {  	[dreg:$0x3] =	wrdreg s24  }
0xb0: {  	[dreg:$0x4] =	wrdreg $0xB7800  }
0xb1: {  	[dreg:$0x5] =	wrdreg $0x9  }
0xb2: {  	_ =	task.clear_ibuf [dreg:s7], $0x6FFFF;
	_ =	strace $0x90000049  }
0xb3: {  	s29 =	simm.s32 $0x9;
	_ =	strace $0x8000004B  }
0xb4: {  	_ =	swait.ge [sflag:s29], $0x1  }
0xb5: {  	[sflag:s29] =	ssyncadd.s32 $0xFFFFFFFF  }
0xb6: {  	_ =	strace $0x9000004B  }
0xb7: {  	_ =	sfence  }
0xb8: {  	s30 =	sld [smem:$0x0];
	_ =	sdelay $0x2  }
0xb9: {  	s31 =	sshll.u32 s1, $0xD;
	s1 =	sshrl.u32 s1, $0x2  }
0xba: {  	s3 =	sand.u32 $0x4000, s31;
	s1 =	sadd.s32 s1, s30  }
0xbb: {  	s0 =	sor.u32 s3, s0;
	s1 =	sshll.u32 s1, $0x11  }
0xbc: {  	s0 =	sor.u32 s1, s0  }
0xbd: {  	s0 =	sadd.s32 $0x8F2B, s0  }
0xbe: {  	[sflag:s0] =	ssyncadd.remote.s32 $0x1  }
0xbf: {  	_ =	sfence.sel $0xFFFF  }
0xc0: {  	[dreg:$0x0] =	wrdreg $0xFFFFFFFF;
	(pc) =	sbr.abs _section_cstart, $3  }
0xc1: {  	[dreg:$0x1] =	wrdreg $0xFFFFFFFF  }
0xc2: {  	_ =	task.clear_ibuf [dreg:s7], $0x2FFFF;
	_ =	strace $0x9FFFFFFF  }
0xc3: {  	(tm) =	ssettm $0x7FFFFFFF  }
tec
execute0_lowered:
.L_overlay_start_1:
0x0: {  	(tag) =	ssettag $0x1  }
0x1: {  	s1 =	rddreg [dreg:$0x0]  }
0x2: {  	s2 =	srdreg.scid;
	s0 =	stileid.u32  }
0x3: {  	s5 =	rddreg [dreg:$0x1];
	s20 =	smul.u32 $0x4E000, s0  }
0x4: {  	s3 =	rddreg [dreg:$0x2];
	s2 =	sand.u32 $0x1, s2;
	s13 =	smul.u32 $0x2700, s0  }
0x5: {  	s4 =	sshll.u32 s0, $0x1;
	s12 =	sadd.s32 $0x1600, s5;
	s15 =	smul.u32 $0x13800, s0  }
0x6: {  	s14 =	sadd.s32 $0x15200, s5;
	s18 =	smul.u32 $0x4E20, s0;
	p3 =	sne.s32 s0, $0xF  }
0x7: {  	s6 =	sor.u32 s2, s4;
	s4 =	simm.s32 $0x0;
	s21 =	smul.u32 $0x138800, s2  }
0x8: {  	s7 =	ssub.s32 $0x2, s2;
	p0 =	seq.s32 s2, $0x1;
	s19 =	smul.u32 $0x2710, s2  }
0x9: {  	p1 =	sne.s32 s2, $0x0;
	s2 =	simm.s32 $0x12;
	s9 =	smul.u32 $0x2710, s6  }
0xa: {  	[smem:$0x7FF] =	sst s4;
	s8 =	sshrl.u32 s7, $0x1;
	s6 =	sshrl.u32 s20, $0x2  }
0xb: {  	p2 =	sne.s32 @!p1 s0, $0xF;
	_ =	strace $0x8000004A;
	s16 =	ssub.s32 s7, s8  }
0xc: {  	s7 =	sadd.s32 $0x138000, s3;
	s8 =	sadd.s32 $0x27000, s1;
	s15 =	sadd.s32 s15, s21  }
0xd: {  	s30 =	sadd.s32 s19, s18;
	p2 =	por p2, p1;
	s10 =	sshrl.u32 s9, $0x3  }
0xe: {  	s15 =	sshrl.u32 s15, $0x3;
	s11 =	sadd.s32 s10, s5;
	s5 =	sadd.s32 s6, s3  }
0xf: {  	s31 =	sadd.s32 $0x28, s9;
	s9 =	sadd.s32 $0x78, s9;
	s17 =	sadd.s32 $0x1400, s5  }
0x10: {  	s6 =	sadd.s32 s1, s13;
	s22 =	sadd.s32 $0x2800, s5;
	[dreg:$0x4] =	wrdreg s17  }
0x11: {  	s15 =	sadd.s32 s14, s15;
	s23 =	sadd.s32 $0x3C00, s5;
	[dreg:$0x5] =	wrdreg s22  }
0x12: {  	s13 =	sshrl.u32 s21, $0x3;
	s24 =	sadd.s32 $0x5000, s5;
	[dreg:$0x6] =	wrdreg s23  }
0x13: {  	s9 =	sshrl.u32 s9, $0x3;
	s25 =	sadd.s32 $0x6400, s5;
	[dreg:$0x7] =	wrdreg s24  }
0x14: {  	s26 =	sadd.s32 $0x7800, s5;
	s13 =	sadd.s32 s14, s13;
	[dreg:$0x8] =	wrdreg s25  }
0x15: {  	s28 =	sadd.s32 $0x8C00, s5;
	s14 =	sshrl.u32 s31, $0x3;
	[dreg:$0x9] =	wrdreg s26  }
0x16: {  	s19 =	sadd.s32 s12, s9;
	s20 =	sadd.s32 $0xB400, s5;
	[dreg:$0xa] =	wrdreg s28  }
0x17: {  	s21 =	sadd.s32 $0xC800, s5;
	s31 =	sadd.s32 $0x12C00, s5;
	[dreg:$0xc] =	wrdreg s20  }
0x18: {  	s17 =	sadd.s32 s12, s10;
	s10 =	sadd.s32 $0xC8, s30;
	[dreg:$0xd] =	wrdreg s21  }
0x19: {  	s18 =	sadd.s32 s12, s14;
	s14 =	sadd.s32 $0xA000, s5;
	[dreg:$0x12] =	wrdreg s31  }
0x1a: {  	s23 =	sadd.s32 $0xB400, s11;
	s22 =	sadd.s32 $0xDC00, s5;
	[dreg:$0xb] =	wrdreg s14  }
0x1b: {  	s24 =	sadd.s32 $0x27000, s13;
	s26 =	sadd.s32 $0xF000, s5;
	[dreg:$0xe] =	wrdreg s22  }
0x1c: {  	s25 =	smax.u32 s16, $0x1;
	s28 =	sadd.s32 $0x10400, s5;
	[dreg:$0xf] =	wrdreg s26  }
0x1d: {  	s30 =	sadd.s32 $0x11800, s5;
	s11 =	simm.s32 $0x2B80;
	[dreg:$0x10] =	wrdreg s28  }
0x1e: {  	s10 =	sshrl.u32 s10, $0x3;
	[dreg:$0x11] =	wrdreg s30;
	s9 =	sadd.s32 $0xA, s17  }
0x1f: {  	s14 =	simm.s32 $0x28;
	s22 =	simm.s32 $0x13;
	s26 =	simm.s32 $0x0  }
0x20: {  	v0 =	vimm.f32 $0.0e+00;
	s29 =	sadd.s32 s10, s12;
	s10 =	sadd.s32 $0x14, s17;
	s12 =	simm.s32 $0x16  }
.LBB2_1:
0x21: {  	s13 =	sshll.u32 @!p1 s0, $0x6  }
0x22: {  	s20 =	sshrl.u32 @!p1 s5, $0x3;
	s13 =	sor.u32 @!p1 $0x1C16, s13  }
0x23: {  	[spmem:s20], [sflag:s13] =	dma.local @!p1 [hbm:s6], $0x2700  }
0x24: {  	s13 =	simm.s32 @!p1 $0x16  }
0x25: {  	_ =	swait.ge @!p1 [sflag:s13], $0x2700  }
0x26: {  	[sflag:s13] =	ssyncset.done @!p1 $0x0  }
0x27: {  	s20 =	simm.s32 @!p2 $0x1FD6;
	[sflag:s13] =	ssyncadd.s32 @!p1 $0xFFFFD900;
	s13 =	sshrl.u32 @!p2 s7, $0x3  }
0x28: {  	[spmem:s13], [sflag:s20] =	dma.local @!p2 [hbm:s8], $0x100  }
.Ltmp0:
0x29: {  	_ = 	snop;
	(pc) =	sbr.rel @!p0 .LBB2_5-.Ltmp0, $4  }
0x2a: {  	s13 =	simm.s32 @!p2 $0x16  }
0x2b: {  	_ =	swait.ge @!p2 [sflag:s13], $0x100  }
0x2c: {  	[sflag:s13] =	ssyncset.done @!p2 $0x0  }
0x2d: {  	[sflag:s13] =	ssyncadd.s32 @!p2 $0xFFFFFF00  }
0x2e: {  	s13 =	sshra.s32 s4, $0x2;
	s20 =	sadd.s32 $0x200, s4  }
.LBB2_3:
0x2f: {  	p4 =	sne.s32 s20, $0x4E00;
	[tilespmem:s13+$0x2BF0] =	vst v0  }
0x30: {  	[tilespmem:s13+$0x2B80] =	vst v0  }
0x31: {  	[tilespmem:s13+$0x2B90] =	vst v0  }
.Ltmp1:
0x32: {  	[tilespmem:s13+$0x2BA0] =	vst v0;
	(pc) =	sbr.rel @p4 .LBB2_3-.Ltmp1, $4  }
0x33: {  	[tilespmem:s13+$0x2BB0] =	vst v0  }
0x34: {  	[tilespmem:s13+$0x2BC0] =	vst v0  }
0x35: {  	[tilespmem:s13+$0x2BD0] =	vst v0  }
0x36: {  	[tilespmem:s13+$0x2BE0] =	vst v0;
	s13 =	sshra.s32 s20, $0x2;
	s20 =	sadd.s32 $0x200, s20  }
0x37: {  	[tilespmem:s13+$0x2BF0] =	vst v0  }
0x38: {  	[tilespmem:s13+$0x2B80] =	vst v0  }
0x39: {  	[tilespmem:s13+$0x2B90] =	vst v0  }
0x3a: {  	[tilespmem:s13+$0x2BA0] =	vst v0  }
0x3b: {  	[tilespmem:s13+$0x2BB0] =	vst v0  }
0x3c: {  	[tilespmem:s13+$0x2BC0] =	vst v0  }
0x3d: {  	[tilespmem:s13+$0x2BD0] =	vst v0  }
0x3e: {  	[tilespmem:s13+$0x2BE0] =	vst v0  }
0x3f: {  	[spmem:s5] =	stream.linear.scatter [tilespmem:s11], [sflag:$0x16], $0x1400, $0x38;
	[tilespmem:$0x1F000] =	vst v63  }
0x40: {  	_ =	swait.ge [sflag:s12], $0x1400  }
0x41: {  	[sflag:s12] =	ssyncset.done $0x0  }
0x42: {  	s28 =	rddreg [dreg:$0x4];
	[sflag:s12] =	ssyncadd.s32 $0xFFFFEC00  }
0x43: {  	[spmem:s28] =	stream.linear.scatter [tilespmem:s11], [sflag:$0x16], $0x1400, $0x38;
	[tilespmem:$0x1F000] =	vst v63  }
0x44: {  	_ =	swait.ge [sflag:s12], $0x1400  }
0x45: {  	[sflag:s12] =	ssyncset.done $0x0  }
0x46: {  	s30 =	rddreg [dreg:$0x5];
	[sflag:s12] =	ssyncadd.s32 $0xFFFFEC00  }
0x47: {  	[spmem:s30] =	stream.linear.scatter [tilespmem:s11], [sflag:$0x16], $0x1400, $0x38;
	[tilespmem:$0x1F000] =	vst v63  }
0x48: {  	_ =	swait.ge [sflag:s12], $0x1400  }
0x49: {  	[sflag:s12] =	ssyncset.done $0x0  }
0x4a: {  	s31 =	rddreg [dreg:$0x6];
	[sflag:s12] =	ssyncadd.s32 $0xFFFFEC00  }
0x4b: {  	[spmem:s31] =	stream.linear.scatter [tilespmem:s11], [sflag:$0x16], $0x1400, $0x38;
	[tilespmem:$0x1F000] =	vst v63  }
0x4c: {  	_ =	swait.ge [sflag:s12], $0x1400  }
0x4d: {  	[sflag:s12] =	ssyncset.done $0x0  }
0x4e: {  	s16 =	rddreg [dreg:$0x7];
	[sflag:s12] =	ssyncadd.s32 $0xFFFFEC00  }
0x4f: {  	[spmem:s16] =	stream.linear.scatter [tilespmem:s11], [sflag:$0x16], $0x1400, $0x38;
	[tilespmem:$0x1F000] =	vst v63  }
0x50: {  	_ =	swait.ge [sflag:s12], $0x1400  }
0x51: {  	[sflag:s12] =	ssyncset.done $0x0  }
0x52: {  	s20 =	rddreg [dreg:$0x8];
	[sflag:s12] =	ssyncadd.s32 $0xFFFFEC00  }
0x53: {  	[spmem:s20] =	stream.linear.scatter [tilespmem:s11], [sflag:$0x16], $0x1400, $0x38;
	[tilespmem:$0x1F000] =	vst v63  }
0x54: {  	_ =	swait.ge [sflag:s12], $0x1400  }
0x55: {  	[sflag:s12] =	ssyncset.done $0x0  }
0x56: {  	s21 =	rddreg [dreg:$0x9];
	[sflag:s12] =	ssyncadd.s32 $0xFFFFEC00  }
0x57: {  	[spmem:s21] =	stream.linear.scatter [tilespmem:s11], [sflag:$0x16], $0x1400, $0x38;
	[tilespmem:$0x1F000] =	vst v63  }
0x58: {  	_ =	swait.ge [sflag:s12], $0x1400  }
0x59: {  	[sflag:s12] =	ssyncset.done $0x0  }
0x5a: {  	s28 =	rddreg [dreg:$0xa];
	[sflag:s12] =	ssyncadd.s32 $0xFFFFEC00  }
0x5b: {  	[spmem:s28] =	stream.linear.scatter [tilespmem:s11], [sflag:$0x16], $0x1400, $0x38;
	[tilespmem:$0x1F000] =	vst v63  }
0x5c: {  	_ =	swait.ge [sflag:s12], $0x1400  }
0x5d: {  	[sflag:s12] =	ssyncset.done $0x0  }
0x5e: {  	s30 =	rddreg [dreg:$0xb];
	[sflag:s12] =	ssyncadd.s32 $0xFFFFEC00  }
0x5f: {  	[spmem:s30] =	stream.linear.scatter [tilespmem:s11], [sflag:$0x16], $0x1400, $0x38;
	[tilespmem:$0x1F000] =	vst v63  }
0x60: {  	_ =	swait.ge [sflag:s12], $0x1400  }
0x61: {  	[sflag:s12] =	ssyncset.done $0x0  }
0x62: {  	s31 =	rddreg [dreg:$0xc];
	[sflag:s12] =	ssyncadd.s32 $0xFFFFEC00  }
0x63: {  	[spmem:s31] =	stream.linear.scatter [tilespmem:s11], [sflag:$0x16], $0x1400, $0x38;
	[tilespmem:$0x1F000] =	vst v63  }
0x64: {  	_ =	swait.ge [sflag:s12], $0x1400  }
0x65: {  	[sflag:s12] =	ssyncset.done $0x0  }
0x66: {  	s16 =	rddreg [dreg:$0xd];
	[sflag:s12] =	ssyncadd.s32 $0xFFFFEC00  }
0x67: {  	[spmem:s16] =	stream.linear.scatter [tilespmem:s11], [sflag:$0x16], $0x1400, $0x38;
	[tilespmem:$0x1F000] =	vst v63  }
0x68: {  	_ =	swait.ge [sflag:s12], $0x1400  }
0x69: {  	[sflag:s12] =	ssyncset.done $0x0  }
0x6a: {  	s20 =	rddreg [dreg:$0xe];
	[sflag:s12] =	ssyncadd.s32 $0xFFFFEC00  }
0x6b: {  	[spmem:s20] =	stream.linear.scatter [tilespmem:s11], [sflag:$0x16], $0x1400, $0x38;
	[tilespmem:$0x1F000] =	vst v63  }
0x6c: {  	_ =	swait.ge [sflag:s12], $0x1400  }
0x6d: {  	[sflag:s12] =	ssyncset.done $0x0  }
0x6e: {  	s21 =	rddreg [dreg:$0xf];
	[sflag:s12] =	ssyncadd.s32 $0xFFFFEC00  }
0x6f: {  	[spmem:s21] =	stream.linear.scatter [tilespmem:s11], [sflag:$0x16], $0x1400, $0x38;
	[tilespmem:$0x1F000] =	vst v63  }
0x70: {  	_ =	swait.ge [sflag:s12], $0x1400  }
0x71: {  	[sflag:s12] =	ssyncset.done $0x0  }
0x72: {  	s28 =	rddreg [dreg:$0x10];
	[sflag:s12] =	ssyncadd.s32 $0xFFFFEC00  }
0x73: {  	[spmem:s28] =	stream.linear.scatter [tilespmem:s11], [sflag:$0x16], $0x1400, $0x38;
	[tilespmem:$0x1F000] =	vst v63  }
0x74: {  	_ =	swait.ge [sflag:s12], $0x1400  }
0x75: {  	[sflag:s12] =	ssyncset.done $0x0  }
0x76: {  	s30 =	rddreg [dreg:$0x11];
	[sflag:s12] =	ssyncadd.s32 $0xFFFFEC00  }
0x77: {  	[spmem:s30] =	stream.linear.scatter [tilespmem:s11], [sflag:$0x16], $0x1400, $0x38;
	[tilespmem:$0x1F000] =	vst v63  }
0x78: {  	_ =	swait.ge [sflag:s12], $0x1400  }
0x79: {  	[sflag:s12] =	ssyncset.done $0x0  }
0x7a: {  	s31 =	rddreg [dreg:$0x12];
	[sflag:s12] =	ssyncadd.s32 $0xFFFFEC00  }
0x7b: {  	[spmem:s31] =	stream.linear.scatter [tilespmem:s11], [sflag:$0x16], $0xC00, $0x38;
	[tilespmem:$0x1F000] =	vst v63  }
0x7c: {  	_ =	swait.ge [sflag:s12], $0xC00  }
0x7d: {  	[sflag:s12] =	ssyncset.done $0x0  }
0x7e: {  	s13 =	simm.s32 @!p3 $0x2B80;
	[sflag:s12] =	ssyncadd.s32 $0xFFFFF400  }
0x7f: {  	[spmem:s7] =	stream.linear.scatter @!p3 [tilespmem:s13], [sflag:$0x16], $0x800, $0x38;
	[tilespmem:$0x1F000] =	vst v63  }
0x80: {  	s13 =	simm.s32 @!p3 $0x16  }
0x81: {  	_ =	swait.ge @!p3 [sflag:s13], $0x800  }
0x82: {  	[sflag:s13] =	ssyncset.done @!p3 $0x0  }
0x83: {  	[sflag:s13] =	ssyncadd.s32 @!p3 $0xFFFFF800  }
.LBB2_5:
0x84: {  	s28 =	simm.s32 $0x0  }
0x85: {  	[tilespmem:s28], [sflag:$0x16] =	stream.linear.gather [hbm4b:s23+s28], $0x2710, $0x38;
	[tilespmem:$0x1F000] =	vst v63  }
0x86: {  	_ =	swait.ge [sflag:s12], $0x2710  }
0x87: {  	[sflag:s12] =	ssyncset.done $0x0  }
0x88: {  	[sflag:s12] =	ssyncadd.s32 $0xFFFFD8F0  }
0x89: {  	s13 =	simm.s32 $0x2780;
	[bflag:$0x0] =	sbarrier.arrive $0xFFFF  }
0x8a: {  	[tilespmem:s13], [sflag:$0x8] =	stream.linear.gather [hbm4b:s17+s28], $0x28, $0x38;
	[tilespmem:$0x1F000] =	vst v63  }
0x8b: {  	_ = 	snop  }
0x8c: {  	[tilespmem:s11], [sflag:$0x1] =	stream.indirect.gather [hbm4b:s1+s14], $0x80, s28, s14, $0xb8;
	[tilespmem:$0x1F000] =	vst v63  }
0x8d: {  	s16 =	simm.s32 $0x2800  }
0x8e: {  	[tilespmem:s16], [sflag:$0x9] =	stream.linear.gather [hbm4b:s18+s28], $0x28, $0x38;
	[tilespmem:$0x1F000] =	vst v63  }
0x8f: {  	s20 =	simm.s32 $0x3F80  }
0x90: {  	[tilespmem:s20], [sflag:$0x2] =	stream.indirect.gather [hbm4b:s1+s14], $0x80, s14, s14, $0xb8;
	[tilespmem:$0x1F000] =	vst v63  }
0x91: {  	s21 =	simm.s32 $0x2880  }
0x92: {  	[tilespmem:s21], [sflag:$0xA] =	stream.linear.gather [hbm4b:s9+s28], $0x28, $0x38;
	[tilespmem:$0x1F000] =	vst v63  }
0x93: {  	s30 =	simm.s32 $0x50;
	s16 =	simm.s32 $0x5380  }
0x94: {  	[tilespmem:s16], [sflag:$0x3] =	stream.indirect.gather [hbm4b:s1+s14], $0x80, s30, s14, $0xb8;
	[tilespmem:$0x1F000] =	vst v63  }
0x95: {  	s31 =	simm.s32 $0x2900  }
0x96: {  	[tilespmem:s31], [sflag:$0xB] =	stream.linear.gather [hbm4b:s19+s28], $0x28, $0x38;
	[tilespmem:$0x1F000] =	vst v63  }
0x97: {  	s20 =	simm.s32 $0x6780;
	s16 =	simm.s32 $0x78  }
0x98: {  	[tilespmem:s20], [sflag:$0x4] =	stream.indirect.gather [hbm4b:s1+s14], $0x80, s16, s14, $0xb8;
	[tilespmem:$0x1F000] =	vst v63  }
0x99: {  	s13 =	simm.s32 $0xC8;
	s21 =	simm.s32 $0x2980  }
0x9a: {  	[tilespmem:s21], [sflag:$0xC] =	stream.linear.gather [hbm4b:s10+s28], $0x28, $0x38;
	[tilespmem:$0x1F000] =	vst v63  }
0x9b: {  	s30 =	simm.s32 $0xA0;
	s31 =	simm.s32 $0x7B80;
	s20 =	smov.u32 s29  }
0x9c: {  	[tilespmem:s31], [sflag:$0x5] =	stream.indirect.gather [hbm4b:s1+s14], $0x80, s30, s14, $0xb8;
	[tilespmem:$0x1F000] =	vst v63  }
.LBB2_6:
0x9d: {  	p4 =	slt.u32 s28, $0x2  }
0x9e: {  	s30 =	sadd.s32 @!p4 $0xFFFFFFFE, s28  }
0x9f: {  	s16 =	sand.u32 @!p4 $0xFF, s30  }
0xa0: {  	s16 =	smul.u32 @!p4 $0x25, s16;
	_ =	sdelay $0x1  }
0xa1: {  	s16 =	sshrl.u32 @!p4 s16, $0x8  }
0xa2: {  	s31 =	ssub.s32 @!p4 s30, s16  }
0xa3: {  	s31 =	sand.u32 @!p4 $0xFE, s31  }
0xa4: {  	s31 =	sshrl.u32 @!p4 s31, $0x1  }
0xa5: {  	s16 =	sadd.s32 @!p4 s16, s31  }
0xa6: {  	s16 =	sshrl.u32 @!p4 s16, $0x2  }
0xa7: {  	s16 =	smul.u32 @!p4 $0x7, s16;
	_ =	sdelay $0x1  }
0xa8: {  	s16 =	ssub.s32 @!p4 s30, s16  }
0xa9: {  	s16 =	sand.u32 @!p4 $0xFF, s16  }
0xaa: {  	s16 =	sadd.s32 @!p4 $0xF, s16  }
0xab: {  	p5 =	sgt.u32 @!p4 s28, $0xF4;
	_ =	swait.ge @!p4 [sflag:s16], $0x1400  }
0xac: {  	p5 =	por p4, !p5;
	[sflag:s16] =	ssyncset.done @!p4 $0x0  }
0xad: {  	[sflag:s16] =	ssyncadd.s32 @!p4 $0xFFFFEC00;
	s16 =	sadd.s32 @p5 $0x5, s28  }
0xae: {  	s30 =	smul.u32 @p5 $0x25, s16;
	_ =	sdelay $0x1  }
0xaf: {  	s30 =	sshrl.u32 @p5 s30, $0x8  }
0xb0: {  	s31 =	ssub.s32 @p5 s16, s30  }
0xb1: {  	s31 =	sand.u32 @p5 $0xFE, s31  }
0xb2: {  	s31 =	sshrl.u32 @p5 s31, $0x1  }
0xb3: {  	s30 =	sadd.s32 @p5 s30, s31  }
0xb4: {  	s30 =	sand.u32 @p5 $0xFC, s30  }
0xb5: {  	s30 =	sshrl.u32 @p5 s30, $0x2  }
0xb6: {  	s30 =	smul.u32 @p5 $0x7, s30;
	_ =	sdelay $0x1  }
0xb7: {  	s16 =	ssub.s32 @p5 s16, s30  }
0xb8: {  	s16 =	sand.u32 @p5 $0xFF, s16  }
0xb9: {  	s30 =	sshll.u32 @p5 s16, $0x7  }
0xba: {  	s31 =	sor.u32 @p5 $0x8, s16;
	s21 =	smul.u32 @p5 $0x5000, s16;
	s30 =	sadd.s32 @p5 $0x2780, s30  }
0xbb: {  	[tilespmem:s30], [sflag:s31] =	stream.linear.gather @p5 [hbm4b:s20+s4], $0x28, $0x38;
	[tilespmem:$0x1F000] =	vst v63  }
0xbc: {  	s21 =	sshrl.u32 @p5 s21, $0x2  }
0xbd: {  	s16 =	sadd.s32 @p5 $0x1, s16;
	s21 =	sadd.s32 @p5 $0x2B80, s21  }
0xbe: {  	[tilespmem:s21], [sflag:s16] =	stream.indirect.gather @p5 [hbm4b:s1+s14], $0x80, s13, s14, $0xb8;
	[tilespmem:$0x1F000] =	vst v63  }
0xbf: {  	s21 =	smul.u32 $0x25, s28;
	_ =	sdelay $0x1  }
0xc0: {  	s16 =	sshrl.u32 s21, $0x8  }
0xc1: {  	s30 =	ssub.s32 s28, s16  }
0xc2: {  	s21 =	sand.u32 $0xFE, s30  }
0xc3: {  	s21 =	sshrl.u32 s21, $0x1  }
0xc4: {  	s16 =	sadd.s32 s16, s21  }
0xc5: {  	s16 =	sand.u32 $0xFC, s16  }
0xc6: {  	s16 =	sshrl.u32 s16, $0x2  }
0xc7: {  	s16 =	smul.u32 $0x7, s16;
	_ =	sdelay $0x1  }
0xc8: {  	s16 =	ssub.s32 s28, s16  }
0xc9: {  	s16 =	sand.u32 $0xFF, s16  }
0xca: {  	s31 =	sadd.s32 $0x8, s16  }
0xcb: {  	s20 =	sadd.s32 $0x5, s20;
	s28 =	sadd.s32 $0x1, s28;
	_ =	swait.ge [sflag:s31], $0x28  }
0xcc: {  	p4 =	sne.s32 s28, $0xFA;
	s21 =	smul.u32 $0x5000, s16;
	[sflag:s31] =	ssyncset.done $0x0  }
.Ltmp2:
0xcd: {  	s30 =	sadd.s32 $0x1, s16;
	[sflag:s31] =	ssyncadd.s32 $0xFFFFFFD8;
	(pc) =	sbr.rel @p4 .LBB2_6-.Ltmp2, $4  }
0xce: {  	s13 =	sadd.s32 $0x28, s13;
	s21 =	sshrl.u32 s21, $0x2;
	_ =	swait.ge [sflag:s30], $0x1400  }
0xcf: {  	s31 =	sshll.u32 s16, $0x7;
	s21 =	sadd.s32 $0x2B80, s21;
	[sflag:s30] =	ssyncset.done $0x0  }
0xd0: {  	s16 =	sadd.s32 $0xF, s16;
	s31 =	sadd.s32 $0x2780, s31;
	[sflag:s30] =	ssyncadd.s32 $0xFFFFEC00  }
0xd1: {  	[spmem:s3] =	stream.indirect.scatter.add.f32 [tilespmem:s21], [sflag:s16], $0x80, s31, s14, $0xb8;
	[tilespmem:$0x1F000] =	vst v63  }
0xd2: {  	_ =	swait.ge [sflag:s2], $0x1400  }
0xd3: {  	[sflag:s2] =	ssyncset.done $0x0  }
0xd4: {  	[sflag:s2] =	ssyncadd.s32 $0xFFFFEC00  }
0xd5: {  	_ =	swait.ge [sflag:s22], $0x1400  }
0xd6: {  	[sflag:s22] =	ssyncset.done $0x0  }
0xd7: {  	s13 =	sshll.u32 s0, $0x6;
	[sflag:s22] =	ssyncadd.s32 $0xFFFFEC00  }
0xd8: {  	s16 =	sshrl.u32 s5, $0x3;
	s13 =	sor.u32 $0x1C16, s13;
	[bflag:$0x0] =	sbarrier.arrive $0xFFFF  }
0xd9: {  	[hbm:s15], [sflag:s13] =	dma.local [spmem:s16], $0x2700  }
0xda: {  	_ =	swait.ge [sflag:s12], $0x2700  }
0xdb: {  	s26 =	sadd.s32 $0x1, s26;
	[sflag:s12] =	ssyncset.done $0x0  }
0xdc: {  	p4 =	sne.s32 s26, s25;
	s16 =	sshrl.u32 @!p3 s7, $0x3;
	[sflag:s12] =	ssyncadd.s32 $0xFFFFD900  }
0xdd: {  	[hbm:s24], [sflag:s13] =	dma.local @!p3 [spmem:s16], $0x100  }
.Ltmp3:
0xde: {  	_ = 	snop;
	(pc) =	sbr.rel @p4 .LBB2_1-.Ltmp3, $4  }
0xdf: {  	s13 =	simm.s32 @!p3 $0x16  }
0xe0: {  	_ =	swait.ge @!p3 [sflag:s13], $0x100  }
0xe1: {  	[sflag:s13] =	ssyncset.done @!p3 $0x0  }
0xe2: {  	[sflag:s13] =	ssyncadd.s32 @!p3 $0xFFFFFF00  }
0xe3: {  	_ =	sfence.sel $0x180000  }
0xe4: {  	[bflag:$0x0] =	sbarrier.arrive $0xFFFF  }
0xe5: {  	_ =	strace $0x9000004A  }
0xe6: {  	[bflag:$0x2] =	sbarrier.arrive $0xFFFF  }
0xe7: {  	p0 =	sne.s32 s0, $0x0;
	s0 =	rddreg [dreg:$0x3]  }
0xe8: {  	s0 =	sadd.s32 @!p0 $0x100000, s0  }
0xe9: {  	[sflag:s0] =	ssyncadd.tile.s32 @!p0 $0x1;
	_ =	shalt  }
.Lfunc_end2:
_tile_overlayer_lowered:
.L_overlay_start_2:
0xea: {  	(tag) =	ssettag $0x2  }
0xeb: {  	s0 =	rddreg [dreg:$0x0];
	s2 =	stileid.u32  }
0xec: {  	s1 =	rddreg [dreg:$0x1];
	p0 =	sne.s32 s2, $0x0  }
0xed: {  	s3 =	rddreg [dreg:$0x2];
	[bflag:$0x3] =	sbarrier.arrive $0xFFFF;
	s2 =	simm.s32 @!p0 $0x1C16  }
0xee: {  	[timem:s3], [sflag:s2] =	dma.local @!p0 [hbm:s0], s1  }
0xef: {  	s0 =	simm.s32 @!p0 $0x16  }
0xf0: {  	_ =	swait.ge @!p0 [sflag:s0], s1  }
0xf1: {  	s1 =	ssub.s32 @!p0 $0x0, s1;
	[sflag:s0] =	ssyncset.done @!p0 $0x0  }
0xf2: {  	[sflag:s0] =	ssyncadd.s32 @!p0 s1  }
0xf3: {  	[bflag:$0x3] =	sbarrier.arrive $0xFFFF  }
0xf4: {  	_ =	shalt  }

</sc_bundles>
